<compile_context>
chip_gen: v7x
topology: tpu7x:2x2x1
jax: 0.10.2.dev20260603
libtpu: 0.0.44.dev20260713+nightly
codegen_flags: <defaults>
</compile_context>

<pallas_src>
import functools

import jax
import jax.numpy as jnp
import numpy as np
from jax import lax
from jax.experimental import pallas as pl
from jax.experimental.pallas import tpu as pltpu
from jax.experimental.pallas import tpu_sc as plsc

N = 10000
E = 320000
D = 128
BN_EPS = 1e-5

NC = 2
NS = 16
NW = NC * NS
CHUNK = 128
NV = CHUNK // 16
NCH0 = 80
NCH1 = 80
TOT_CH = NS * (NCH0 + NCH1)
EP = TOT_CH * CHUNK
PK_PAD = (NCH0 - NCH1) * CHUNK
DST_SHIFT = 14
ACC_ROWS = 10112
ROWS_PER_TILE = ACC_ROWS // NS

_PACK_BLK = 65536
_PACK_GRID = EP // _PACK_BLK
_TAIL_BLKS = (EP - E) // _PACK_BLK + 1
_p = np.arange((_PACK_GRID - _TAIL_BLKS) * _PACK_BLK, EP, dtype=np.int64)
_pi = np.maximum(_p - E, 0).astype(np.int32)
_PK_TAIL = ((_pi % N) | ((N + _pi % (ACC_ROWS - N)) << DST_SHIFT)
            ).reshape(_TAIL_BLKS, 1, _PACK_BLK)

def _sc_body(x_hbm, pk_hbm, zeros_hbm, out_hbm,
             pk, usrc, udst, rows0, rows1, acc,
             gsem0, gsem1, ssem0, ssem1, zsem):
    cid = lax.axis_index("c")
    sid = lax.axis_index("s")
    bufs = (rows0, rows1)
    gsems = (gsem0, gsem1)
    ssems = (ssem0, ssem1)

    ncht = lax.select(cid == 0, NCH0, NCH1)
    off_ch = lax.select(cid == 0, NS * NCH1 + sid * NCH0, sid * NCH1)
    off = pl.multiple_of(off_ch * CHUNK, CHUNK)

    stripe = pl.ds(sid * ROWS_PER_TILE, ROWS_PER_TILE)
    zdesc = pltpu.async_copy(zeros_hbm, acc.at[stripe], zsem)
    pltpu.sync_copy(pk_hbm.at[pl.ds(off, NCH0 * CHUNK)], pk)
    zdesc.wait()

    plsc.subcore_barrier()

    def unpack(c, b, buf, shift, mask):
        base = pl.multiple_of(c * CHUNK, CHUNK)
        for j in range(NV):
            v = pk[pl.ds(base + j * 16, 16)]
            buf[b, pl.ds(j * 16, 16)] = (v >> shift) & mask

    def unpack_src(c, b):
        unpack(c, b, usrc, 0, (1 << DST_SHIFT) - 1)

    def unpack_dst(c, b):
        unpack(c, b, udst, DST_SHIFT, (1 << (30 - DST_SHIFT)) - 1)

    def fire_gather(c, s):
        unpack_src(c, s)
        pltpu.async_copy(x_hbm.at[usrc.at[s]], bufs[s], gsems[s])

    def drain_gather(s):
        pltpu.make_async_copy(
            x_hbm.at[usrc.at[s]], bufs[s], gsems[s]).wait()

    def fire_scatter(c, s):
        unpack_dst(c, s)
        pltpu.async_copy(
            bufs[s], acc.at[udst.at[s]], ssems[s], add=True)

    def drain_scatter(s):
        pltpu.make_async_copy(
            bufs[s], acc.at[udst.at[s]], ssems[s]).wait()

    def chunk(c, s, first=False, last=False):
        if not first:
            drain_scatter(1 - s)
        if not last:
            fire_gather(c + 1, 1 - s)
        drain_gather(s)
        fire_scatter(c, s)

    fire_gather(0, 0)
    chunk(0, 0, first=True)
    chunk(1, 1)

    def steady(p, carry):
        chunk(2 * p, 0)
        chunk(2 * p + 1, 1)
        return carry

    lax.fori_loop(1, ncht // 2 - 1, steady, 0)

    chunk(ncht - 2, 0)
    chunk(ncht - 1, 1, last=True)
    drain_scatter(1)

    plsc.subcore_barrier()

    pltpu.sync_copy(acc.at[stripe], out_hbm.at[cid].at[stripe])


@functools.cache
def _sc_segment_sum():
    mesh = plsc.VectorSubcoreMesh(
        core_axis_name="c", subcore_axis_name="s",
        num_cores=NC, num_subcores=NS)
    return pl.kernel(
        _sc_body,
        out_type=jax.ShapeDtypeStruct((NC, ACC_ROWS, D), jnp.float32),
        mesh=mesh,
        scratch_types=[
            pltpu.VMEM((NCH0 * CHUNK,), jnp.int32),
            pltpu.VMEM((2, CHUNK), jnp.int32),
            pltpu.VMEM((2, CHUNK), jnp.int32),
            pltpu.VMEM((CHUNK, D), jnp.float32),
            pltpu.VMEM((CHUNK, D), jnp.float32),
            pltpu.VMEM_SHARED((ACC_ROWS, D), jnp.float32),
            pltpu.SemaphoreType.DMA,
            pltpu.SemaphoreType.DMA,
            pltpu.SemaphoreType.DMA,
            pltpu.SemaphoreType.DMA,
            pltpu.SemaphoreType.DMA,
        ],
    )


_BLK = 1000
_GRID = N // _BLK


def _pack_body(e_ref, t_ref, out_ref):
    i = pl.program_id(0)
    s = e_ref[0:1, :].reshape(1, 1, _PACK_BLK)
    d = e_ref[1:2, :].reshape(1, 1, _PACK_BLK)
    pos = i * _PACK_BLK + lax.broadcasted_iota(
        jnp.int32, (1, 1, _PACK_BLK), 2)
    out_ref[...] = jnp.where(pos < E, s | (d << DST_SHIFT), t_ref[...])


def _tc_body(eps_ref, x_ref, n0_ref, n1_ref, w1_ref, b1_ref, w2_ref,
             b2_ref, g_ref, be_ref, out_ref, h2_scr, st_scr):
    i = pl.program_id(0)

    @pl.when(i < _GRID)
    def _():
        eps = eps_ref[0]
        m = (1.0 + eps) * x_ref[...] + n0_ref[0] + n1_ref[0]
        a1 = jnp.maximum(
            jnp.dot(m, w1_ref[...], preferred_element_type=jnp.float32)
            + b1_ref[...], 0.0)
        h2 = (jnp.dot(a1, w2_ref[...], preferred_element_type=jnp.float32)
              + b2_ref[...])
        h2_scr[pl.ds(i * _BLK, _BLK), :] = h2
        s1 = jnp.sum(h2, axis=0, keepdims=True)
        s2 = jnp.sum(h2 * h2, axis=0, keepdims=True)
        blk = jnp.concatenate(
            [s1, s2, jnp.zeros((6, D), jnp.float32)], axis=0)

        @pl.when(i == 0)
        def _():
            st_scr[...] = blk

        @pl.when(i > 0)
        def _():
            st_scr[...] += blk

    @pl.when(i >= _GRID)
    def _():
        j = i - _GRID
        h2 = h2_scr[pl.ds(j * _BLK, _BLK), :]
        mean = st_scr[0:1, :] / N
        var = st_scr[1:2, :] / N - mean * mean
        inv = lax.rsqrt(var + BN_EPS)
        h = g_ref[...] * (h2 - mean) * inv + be_ref[...]
        out_ref[...] = x_ref[...] + jnp.maximum(h, 0.0)


def kernel(x, edge_index, W1, b1, W2, b2, gamma, beta, eps):
    packed = pl.pallas_call(
        _pack_body,
        grid=(_PACK_GRID,),
        in_specs=[
            pl.BlockSpec(
                (2, _PACK_BLK),
                lambda i: (0, jnp.minimum(i, (E - 1) // _PACK_BLK))),
            pl.BlockSpec(
                (1, 1, _PACK_BLK),
                lambda i: (jnp.maximum(i - (_PACK_GRID - _TAIL_BLKS), 0),
                           0, 0)),
        ],
        out_specs=pl.BlockSpec((1, 1, _PACK_BLK), lambda i: (i, 0, 0)),
        out_shape=jax.ShapeDtypeStruct(
            (_PACK_GRID, 1, _PACK_BLK), jnp.int32),
    )(edge_index, jnp.asarray(_PK_TAIL)).reshape(EP)
    zeros = jnp.zeros((ROWS_PER_TILE, D), jnp.float32)

    nacc = _sc_segment_sum()(x, packed, zeros)

    def _row_ix(i):
        return (jnp.where(i < _GRID, i, i - _GRID), 0)

    row_spec = pl.BlockSpec((_BLK, D), _row_ix)
    nacc0_spec = pl.BlockSpec(
        (1, _BLK, D), lambda i: (0, jnp.where(i < _GRID, i, 0), 0))
    nacc1_spec = pl.BlockSpec(
        (1, _BLK, D), lambda i: (1, jnp.where(i < _GRID, i, 0), 0))
    full_mat = pl.BlockSpec((D, D), lambda i: (0, 0))
    full_vec = pl.BlockSpec((1, D), lambda i: (0, 0))

    out = pl.pallas_call(
        _tc_body,
        grid=(2 * _GRID,),
        in_specs=[
            pl.BlockSpec(memory_space=pltpu.SMEM),
            row_spec, nacc0_spec, nacc1_spec,
            full_mat, full_vec, full_mat, full_vec,
            full_vec, full_vec,
        ],
        out_specs=row_spec,
        out_shape=jax.ShapeDtypeStruct((N, D), jnp.float32),
        scratch_shapes=[
            pltpu.VMEM((N, D), jnp.float32),
            pltpu.VMEM((8, D), jnp.float32),
        ],
    )(eps.reshape(1), x, nacc, nacc, W1, b1.reshape(1, D),
      W2, b2.reshape(1, D), gamma.reshape(1, D), beta.reshape(1, D))

    return out

# --- scband reference (transcript-rebuilt; emitter-appended) ---
"""Pipeline reference for scband-ginlayer-62380105007666 (READ-ONLY COPY).

The authoritative reference and input builder live on the scoring server;
editing this copy changes nothing except your own understanding.
"""

import jax, jax.numpy as jnp
import numpy as np

N = 10000
E = 320000
D = 128
BN_EPS = 1e-5


def setup_inputs(seed: int = 0) -> dict:
    key = jax.random.key(seed)
    ks = jax.random.split(key, 8)
    x = jax.random.normal(ks[0], (N, D), dtype=jnp.float32)
    edge_index = jax.random.randint(ks[1], (2, E), 0, N, dtype=jnp.int32)
    W1 = jax.random.normal(ks[2], (D, D), dtype=jnp.float32) * (1.0 / np.sqrt(D))
    b1 = jnp.zeros((D,), dtype=jnp.float32)
    W2 = jax.random.normal(ks[3], (D, D), dtype=jnp.float32) * (1.0 / np.sqrt(D))
    b2 = jnp.zeros((D,), dtype=jnp.float32)
    gamma = jnp.ones((D,), dtype=jnp.float32)
    beta = jnp.zeros((D,), dtype=jnp.float32)
    eps = jnp.zeros((), dtype=jnp.float32)  # learnable GIN epsilon, init 0
    return {"x": x, "edge_index": edge_index, "W1": W1, "b1": b1,
            "W2": W2, "b2": b2, "gamma": gamma, "beta": beta, "eps": eps}


def reference(x, edge_index, W1, b1, W2, b2, gamma, beta, eps):
    # GIN message passing: sum-aggregate neighbor features (copy_u + sum reducer)
    src = edge_index[0]
    dst = edge_index[1]
    msgs = jnp.take(x, src, axis=0)                      # gather (SparseCore)
    neigh = jax.ops.segment_sum(msgs, dst, num_segments=N)  # scatter-add
    h = (1.0 + eps) * x + neigh
    # apply_func: 2-layer MLP f_Theta
    h = jnp.maximum(h @ W1 + b1, 0.0)
    h = h @ W2 + b2
    # BatchNorm1d over node (batch) dimension, training-mode statistics
    mean = jnp.mean(h, axis=0)
    var = jnp.var(h, axis=0)
    h = gamma * (h - mean) / jnp.sqrt(var + BN_EPS) + beta
    # nonlinearity
    h = jnp.maximum(h, 0.0)
    # residual connection (in_dim == out_dim so residual is active)
    h = x + h
    # dropout=None -> no-op
    return h

if __name__ == "__main__":
    import jax
    _d = setup_inputs()
    print(jax.jit(kernel)(*tuple(_d.values())))

</pallas_src>

<mosaic_0001>
#map = affine_map<(d0, d1) -> (0, 0)>
#map1 = affine_map<(d0, d1) -> (0)>
#map2 = affine_map<(d0, d1) -> (0, 0, 0)>
module attributes {stable_mosaic.version = 14 : i64} {
  func.func @_sc_body(%arg0: i32, %arg1: i32, %arg2: memref<10000x128xf32, #tpu.memory_space<hbm>>, %arg3: memref<327680xi32, #tpu.memory_space<hbm>>, %arg4: memref<632x128xf32, #tpu.memory_space<hbm>>, %arg5: memref<2x10112x128xf32, #tpu.memory_space<hbm>>, %arg6: memref<10240xi32, #tpu.memory_space<vmem>>, %arg7: memref<2x128xi32, #tpu.memory_space<vmem>>, %arg8: memref<2x128xi32, #tpu.memory_space<vmem>>, %arg9: memref<128x128xf32, #tpu.memory_space<vmem>>, %arg10: memref<128x128xf32, #tpu.memory_space<vmem>>, %arg11: memref<10112x128xf32, #tpu.memory_space<vmem_shared>>, %arg12: memref<!tpu.dma_semaphore, #tpu.memory_space<semaphore_mem>>, %arg13: memref<!tpu.dma_semaphore, #tpu.memory_space<semaphore_mem>>, %arg14: memref<!tpu.dma_semaphore, #tpu.memory_space<semaphore_mem>>, %arg15: memref<!tpu.dma_semaphore, #tpu.memory_space<semaphore_mem>>, %arg16: memref<!tpu.dma_semaphore, #tpu.memory_space<semaphore_mem>>) attributes {dimension_semantics = [#tpu.dimension_semantics<core_parallel>, #tpu.dimension_semantics<subcore_parallel>], iteration_bounds = array<i64: 2, 16>, scalar_prefetch = 0 : i64, scratch_operands = 11 : i64, tpu.core_type = #tpu.core_type<sc_vector_subcore>, window_params = [{transform_indices = #map}, {transform_indices = #map1}, {transform_indices = #map}, {transform_indices = #map2}]} {
    %eq3A = arith.constant 0 : i32
    %eq3A_0 = arith.cmpi eq, %arg0, %eq3A : i32
    %select_n3A = arith.constant 80 : i32
    %select_n3A_1 = arith.constant 80 : i32
    %select_n3A_2 = arith.select %eq3A_0, %select_n3A_1, %select_n3A : i32
    %eq3A_3 = arith.constant 0 : i32
    %eq3A_4 = arith.cmpi eq, %arg0, %eq3A_3 : i32
    %mul3A = arith.constant 80 : i32
    %mul3A_5 = arith.muli %arg1, %mul3A : i32
    %add3A = arith.constant 1280 : i32
    %add3A_6 = arith.addi %add3A, %mul3A_5 : i32
    %mul3A_7 = arith.constant 80 : i32
    %mul3A_8 = arith.muli %arg1, %mul3A_7 : i32
    %select_n3A_9 = arith.select %eq3A_4, %add3A_6, %mul3A_8 : i32
    %mul3A_10 = arith.constant 128 : i32
    %mul3A_11 = arith.muli %select_n3A_9, %mul3A_10 : i32
    %multiple_of3A = tpu.assume_multiple %mul3A_11, 128 : i32
    %mul3A_12 = arith.constant 632 : i32
    %mul3A_13 = arith.muli %arg1, %mul3A_12 : i32
    %dma_start3A = arith.constant 0 : i32
    %dma_start3A_14 = tpu.memref_slice %arg11[%mul3A_13, %dma_start3A] : memref<10112x128xf32, #tpu.memory_space<vmem_shared>> -> memref<632x128xf32, #tpu.memory_space<vmem_shared>>
    tpu.enqueue_dma source(%arg4 : memref<632x128xf32, #tpu.memory_space<hbm>>) target(%dma_start3A_14 : memref<632x128xf32, #tpu.memory_space<vmem_shared>>) target_semaphore(%arg16 : memref<!tpu.dma_semaphore, #tpu.memory_space<semaphore_mem>>)
    "tpu.region"() ({
      %run_scoped3A = tpu.sem_alloc : memref<!tpu.dma_semaphore, #tpu.memory_space<semaphore_mem>>
      %dma_start3A_1267 = tpu.memref_slice %arg3[%multiple_of3A] : memref<327680xi32, #tpu.memory_space<hbm>> -> memref<10240xi32, #tpu.memory_space<hbm>>
      %dma_start3A_1268 = tpu.memref_slice %arg3[%multiple_of3A] : memref<327680xi32, #tpu.memory_space<hbm>> -> memref<10240xi32, #tpu.memory_space<hbm>>
      tpu.enqueue_dma source(%dma_start3A_1268 : memref<10240xi32, #tpu.memory_space<hbm>>) target(%arg6 : memref<10240xi32, #tpu.memory_space<vmem>>) target_semaphore(%run_scoped3A : memref<!tpu.dma_semaphore, #tpu.memory_space<semaphore_mem>>)
      %dma_wait3A_1269 = tpu.memref_slice %arg3[%multiple_of3A] : memref<327680xi32, #tpu.memory_space<hbm>> -> memref<10240xi32, #tpu.memory_space<hbm>>
      %dma_wait3A_1270 = tpu.memref_slice %arg3[%multiple_of3A] : memref<327680xi32, #tpu.memory_space<hbm>> -> memref<10240xi32, #tpu.memory_space<hbm>>
      tpu.wait_dma2 semaphore(%run_scoped3A : memref<!tpu.dma_semaphore, #tpu.memory_space<semaphore_mem>>) src(%dma_wait3A_1270 : memref<10240xi32, #tpu.memory_space<hbm>>) dst(%arg6 : memref<10240xi32, #tpu.memory_space<vmem>>)
      tpu.yield
    }) : () -> ()
    %dma_wait3A = arith.constant 0 : i32
    %dma_wait3A_15 = tpu.memref_slice %arg11[%mul3A_13, %dma_wait3A] : memref<10112x128xf32, #tpu.memory_space<vmem_shared>> -> memref<632x128xf32, #tpu.memory_space<vmem_shared>>
    tpu.wait_dma2 semaphore(%arg16 : memref<!tpu.dma_semaphore, #tpu.memory_space<semaphore_mem>>) src(%arg4 : memref<632x128xf32, #tpu.memory_space<hbm>>) dst(%dma_wait3A_15 : memref<632x128xf32, #tpu.memory_space<vmem_shared>>)
    %barrier3A = arith.constant 0 : index
    tpu.barrier barrier_id(%barrier3A)
    %multiple_of3A_16 = arith.constant 0 : i32
    %multiple_of3A_17 = tpu.assume_multiple %multiple_of3A_16, 128 : i32
    %add3A_18 = arith.constant 0 : i32
    %add3A_19 = arith.addi %multiple_of3A_17, %add3A_18 : i32
    %get3A = arith.index_cast %add3A_19 : i32 to index
    %get3A_20 = tpu.vector_load %arg6[%get3A] {strides = array<i32>} : memref<10240xi32, #tpu.memory_space<vmem>>, vector<16xi32>,
    %get3A_21 = vector.shape_cast %get3A_20 : vector<16xi32> to vector<16xi32>
    %shift_right_arithmetic3A = arith.constant 0 : i32
    %shift_right_arithmetic3A_22 = vector.broadcast %shift_right_arithmetic3A : i32 to vector<16xi32>
    %shift_right_arithmetic3A_23 = arith.shrsi %get3A_21, %shift_right_arithmetic3A_22 : vector<16xi32>
    %and3A = arith.constant 16383 : i32
    %and3A_24 = vector.broadcast %and3A : i32 to vector<16xi32>
    %and3A_25 = arith.andi %shift_right_arithmetic3A_23, %and3A_24 : vector<16xi32>
    %swap3A = arith.constant 0 : i32
    %swap3A_26 = arith.index_cast %swap3A : i32 to index
    %swap3A_27 = arith.constant 0 : index
    %swap3A_28 = tpu.vector_load %arg7[%swap3A_26, %swap3A_27] {strides = array<i32>} : memref<2x128xi32, #tpu.memory_space<vmem>>, vector<1x16xi32>,
    %swap3A_29 = vector.shape_cast %swap3A_28 : vector<1x16xi32> to vector<16xi32>
    %swap3A_30 = vector.shape_cast %and3A_25 : vector<16xi32> to vector<1x16xi32>
    tpu.vector_store %arg7[%swap3A_26, %swap3A_27], %swap3A_30 {strides = array<i32>} : memref<2x128xi32, #tpu.memory_space<vmem>>, vector<1x16xi32>,
    %add3A_31 = arith.constant 16 : i32
    %add3A_32 = arith.addi %multiple_of3A_17, %add3A_31 : i32
    %get3A_33 = arith.index_cast %add3A_32 : i32 to index
    %get3A_34 = tpu.vector_load %arg6[%get3A_33] {strides = array<i32>} : memref<10240xi32, #tpu.memory_space<vmem>>, vector<16xi32>,
    %get3A_35 = vector.shape_cast %get3A_34 : vector<16xi32> to vector<16xi32>
    %shift_right_arithmetic3A_36 = arith.constant 0 : i32
    %shift_right_arithmetic3A_37 = vector.broadcast %shift_right_arithmetic3A_36 : i32 to vector<16xi32>
    %shift_right_arithmetic3A_38 = arith.shrsi %get3A_35, %shift_right_arithmetic3A_37 : vector<16xi32>
    %and3A_39 = arith.constant 16383 : i32
    %and3A_40 = vector.broadcast %and3A_39 : i32 to vector<16xi32>
    %and3A_41 = arith.andi %shift_right_arithmetic3A_38, %and3A_40 : vector<16xi32>
    %swap3A_42 = arith.constant 0 : i32
    %swap3A_43 = arith.index_cast %swap3A_42 : i32 to index
    %swap3A_44 = arith.constant 16 : index
    %swap3A_45 = tpu.vector_load %arg7[%swap3A_43, %swap3A_44] {strides = array<i32>} : memref<2x128xi32, #tpu.memory_space<vmem>>, vector<1x16xi32>,
    %swap3A_46 = vector.shape_cast %swap3A_45 : vector<1x16xi32> to vector<16xi32>
    %swap3A_47 = vector.shape_cast %and3A_41 : vector<16xi32> to vector<1x16xi32>
    tpu.vector_store %arg7[%swap3A_43, %swap3A_44], %swap3A_47 {strides = array<i32>} : memref<2x128xi32, #tpu.memory_space<vmem>>, vector<1x16xi32>,
    %add3A_48 = arith.constant 32 : i32
    %add3A_49 = arith.addi %multiple_of3A_17, %add3A_48 : i32
    %get3A_50 = arith.index_cast %add3A_49 : i32 to index
    %get3A_51 = tpu.vector_load %arg6[%get3A_50] {strides = array<i32>} : memref<10240xi32, #tpu.memory_space<vmem>>, vector<16xi32>,
    %get3A_52 = vector.shape_cast %get3A_51 : vector<16xi32> to vector<16xi32>
    %shift_right_arithmetic3A_53 = arith.constant 0 : i32
    %shift_right_arithmetic3A_54 = vector.broadcast %shift_right_arithmetic3A_53 : i32 to vector<16xi32>
    %shift_right_arithmetic3A_55 = arith.shrsi %get3A_52, %shift_right_arithmetic3A_54 : vector<16xi32>
    %and3A_56 = arith.constant 16383 : i32
    %and3A_57 = vector.broadcast %and3A_56 : i32 to vector<16xi32>
    %and3A_58 = arith.andi %shift_right_arithmetic3A_55, %and3A_57 : vector<16xi32>
    %swap3A_59 = arith.constant 0 : i32
    %swap3A_60 = arith.index_cast %swap3A_59 : i32 to index
    %swap3A_61 = arith.constant 32 : index
    %swap3A_62 = tpu.vector_load %arg7[%swap3A_60, %swap3A_61] {strides = array<i32>} : memref<2x128xi32, #tpu.memory_space<vmem>>, vector<1x16xi32>,
    %swap3A_63 = vector.shape_cast %swap3A_62 : vector<1x16xi32> to vector<16xi32>
    %swap3A_64 = vector.shape_cast %and3A_58 : vector<16xi32> to vector<1x16xi32>
    tpu.vector_store %arg7[%swap3A_60, %swap3A_61], %swap3A_64 {strides = array<i32>} : memref<2x128xi32, #tpu.memory_space<vmem>>, vector<1x16xi32>,
    %add3A_65 = arith.constant 48 : i32
    %add3A_66 = arith.addi %multiple_of3A_17, %add3A_65 : i32
    %get3A_67 = arith.index_cast %add3A_66 : i32 to index
    %get3A_68 = tpu.vector_load %arg6[%get3A_67] {strides = array<i32>} : memref<10240xi32, #tpu.memory_space<vmem>>, vector<16xi32>,
    %get3A_69 = vector.shape_cast %get3A_68 : vector<16xi32> to vector<16xi32>
    %shift_right_arithmetic3A_70 = arith.constant 0 : i32
    %shift_right_arithmetic3A_71 = vector.broadcast %shift_right_arithmetic3A_70 : i32 to vector<16xi32>
    %shift_right_arithmetic3A_72 = arith.shrsi %get3A_69, %shift_right_arithmetic3A_71 : vector<16xi32>
    %and3A_73 = arith.constant 16383 : i32
    %and3A_74 = vector.broadcast %and3A_73 : i32 to vector<16xi32>
    %and3A_75 = arith.andi %shift_right_arithmetic3A_72, %and3A_74 : vector<16xi32>
    %swap3A_76 = arith.constant 0 : i32
    %swap3A_77 = arith.index_cast %swap3A_76 : i32 to index
    %swap3A_78 = arith.constant 48 : index
    %swap3A_79 = tpu.vector_load %arg7[%swap3A_77, %swap3A_78] {strides = array<i32>} : memref<2x128xi32, #tpu.memory_space<vmem>>, vector<1x16xi32>,
    %swap3A_80 = vector.shape_cast %swap3A_79 : vector<1x16xi32> to vector<16xi32>
    %swap3A_81 = vector.shape_cast %and3A_75 : vector<16xi32> to vector<1x16xi32>
    tpu.vector_store %arg7[%swap3A_77, %swap3A_78], %swap3A_81 {strides = array<i32>} : memref<2x128xi32, #tpu.memory_space<vmem>>, vector<1x16xi32>,
    %add3A_82 = arith.constant 64 : i32
    %add3A_83 = arith.addi %multiple_of3A_17, %add3A_82 : i32
    %get3A_84 = arith.index_cast %add3A_83 : i32 to index
    %get3A_85 = tpu.vector_load %arg6[%get3A_84] {strides = array<i32>} : memref<10240xi32, #tpu.memory_space<vmem>>, vector<16xi32>,
    %get3A_86 = vector.shape_cast %get3A_85 : vector<16xi32> to vector<16xi32>
    %shift_right_arithmetic3A_87 = arith.constant 0 : i32
    %shift_right_arithmetic3A_88 = vector.broadcast %shift_right_arithmetic3A_87 : i32 to vector<16xi32>
    %shift_right_arithmetic3A_89 = arith.shrsi %get3A_86, %shift_right_arithmetic3A_88 : vector<16xi32>
    %and3A_90 = arith.constant 16383 : i32
    %and3A_91 = vector.broadcast %and3A_90 : i32 to vector<16xi32>
    %and3A_92 = arith.andi %shift_right_arithmetic3A_89, %and3A_91 : vector<16xi32>
    %swap3A_93 = arith.constant 0 : i32
    %swap3A_94 = arith.index_cast %swap3A_93 : i32 to index
    %swap3A_95 = arith.constant 64 : index
    %swap3A_96 = tpu.vector_load %arg7[%swap3A_94, %swap3A_95] {strides = array<i32>} : memref<2x128xi32, #tpu.memory_space<vmem>>, vector<1x16xi32>,
    %swap3A_97 = vector.shape_cast %swap3A_96 : vector<1x16xi32> to vector<16xi32>
    %swap3A_98 = vector.shape_cast %and3A_92 : vector<16xi32> to vector<1x16xi32>
    tpu.vector_store %arg7[%swap3A_94, %swap3A_95], %swap3A_98 {strides = array<i32>} : memref<2x128xi32, #tpu.memory_space<vmem>>, vector<1x16xi32>,
    %add3A_99 = arith.constant 80 : i32
    %add3A_100 = arith.addi %multiple_of3A_17, %add3A_99 : i32
    %get3A_101 = arith.index_cast %add3A_100 : i32 to index
    %get3A_102 = tpu.vector_load %arg6[%get3A_101] {strides = array<i32>} : memref<10240xi32, #tpu.memory_space<vmem>>, vector<16xi32>,
    %get3A_103 = vector.shape_cast %get3A_102 : vector<16xi32> to vector<16xi32>
    %shift_right_arithmetic3A_104 = arith.constant 0 : i32
    %shift_right_arithmetic3A_105 = vector.broadcast %shift_right_arithmetic3A_104 : i32 to vector<16xi32>
    %shift_right_arithmetic3A_106 = arith.shrsi %get3A_103, %shift_right_arithmetic3A_105 : vector<16xi32>
    %and3A_107 = arith.constant 16383 : i32
    %and3A_108 = vector.broadcast %and3A_107 : i32 to vector<16xi32>
    %and3A_109 = arith.andi %shift_right_arithmetic3A_106, %and3A_108 : vector<16xi32>
    %swap3A_110 = arith.constant 0 : i32
    %swap3A_111 = arith.index_cast %swap3A_110 : i32 to index
    %swap3A_112 = arith.constant 80 : index
    %swap3A_113 = tpu.vector_load %arg7[%swap3A_111, %swap3A_112] {strides = array<i32>} : memref<2x128xi32, #tpu.memory_space<vmem>>, vector<1x16xi32>,
    %swap3A_114 = vector.shape_cast %swap3A_113 : vector<1x16xi32> to vector<16xi32>
    %swap3A_115 = vector.shape_cast %and3A_109 : vector<16xi32> to vector<1x16xi32>
    tpu.vector_store %arg7[%swap3A_111, %swap3A_112], %swap3A_115 {strides = array<i32>} : memref<2x128xi32, #tpu.memory_space<vmem>>, vector<1x16xi32>,
    %add3A_116 = arith.constant 96 : i32
    %add3A_117 = arith.addi %multiple_of3A_17, %add3A_116 : i32
    %get3A_118 = arith.index_cast %add3A_117 : i32 to index
    %get3A_119 = tpu.vector_load %arg6[%get3A_118] {strides = array<i32>} : memref<10240xi32, #tpu.memory_space<vmem>>, vector<16xi32>,
    %get3A_120 = vector.shape_cast %get3A_119 : vector<16xi32> to vector<16xi32>
    %shift_right_arithmetic3A_121 = arith.constant 0 : i32
    %shift_right_arithmetic3A_122 = vector.broadcast %shift_right_arithmetic3A_121 : i32 to vector<16xi32>
    %shift_right_arithmetic3A_123 = arith.shrsi %get3A_120, %shift_right_arithmetic3A_122 : vector<16xi32>
    %and3A_124 = arith.constant 16383 : i32
    %and3A_125 = vector.broadcast %and3A_124 : i32 to vector<16xi32>
    %and3A_126 = arith.andi %shift_right_arithmetic3A_123, %and3A_125 : vector<16xi32>
    %swap3A_127 = arith.constant 0 : i32
    %swap3A_128 = arith.index_cast %swap3A_127 : i32 to index
    %swap3A_129 = arith.constant 96 : index
    %swap3A_130 = tpu.vector_load %arg7[%swap3A_128, %swap3A_129] {strides = array<i32>} : memref<2x128xi32, #tpu.memory_space<vmem>>, vector<1x16xi32>,
    %swap3A_131 = vector.shape_cast %swap3A_130 : vector<1x16xi32> to vector<16xi32>
    %swap3A_132 = vector.shape_cast %and3A_126 : vector<16xi32> to vector<1x16xi32>
    tpu.vector_store %arg7[%swap3A_128, %swap3A_129], %swap3A_132 {strides = array<i32>} : memref<2x128xi32, #tpu.memory_space<vmem>>, vector<1x16xi32>,
    %add3A_133 = arith.constant 112 : i32
    %add3A_134 = arith.addi %multiple_of3A_17, %add3A_133 : i32
    %get3A_135 = arith.index_cast %add3A_134 : i32 to index
    %get3A_136 = tpu.vector_load %arg6[%get3A_135] {strides = array<i32>} : memref<10240xi32, #tpu.memory_space<vmem>>, vector<16xi32>,
    %get3A_137 = vector.shape_cast %get3A_136 : vector<16xi32> to vector<16xi32>
    %shift_right_arithmetic3A_138 = arith.constant 0 : i32
    %shift_right_arithmetic3A_139 = vector.broadcast %shift_right_arithmetic3A_138 : i32 to vector<16xi32>
    %shift_right_arithmetic3A_140 = arith.shrsi %get3A_137, %shift_right_arithmetic3A_139 : vector<16xi32>
    %and3A_141 = arith.constant 16383 : i32
    %and3A_142 = vector.broadcast %and3A_141 : i32 to vector<16xi32>
    %and3A_143 = arith.andi %shift_right_arithmetic3A_140, %and3A_142 : vector<16xi32>
    %swap3A_144 = arith.constant 0 : i32
    %swap3A_145 = arith.index_cast %swap3A_144 : i32 to index
    %swap3A_146 = arith.constant 112 : index
    %swap3A_147 = tpu.vector_load %arg7[%swap3A_145, %swap3A_146] {strides = array<i32>} : memref<2x128xi32, #tpu.memory_space<vmem>>, vector<1x16xi32>,
    %swap3A_148 = vector.shape_cast %swap3A_147 : vector<1x16xi32> to vector<16xi32>
    %swap3A_149 = vector.shape_cast %and3A_143 : vector<16xi32> to vector<1x16xi32>
    tpu.vector_store %arg7[%swap3A_145, %swap3A_146], %swap3A_149 {strides = array<i32>} : memref<2x128xi32, #tpu.memory_space<vmem>>, vector<1x16xi32>,
    %dma_start3A_150 = arith.constant 0 : i32
    %dma_start3A_151 = arith.constant 0 : i32
    %dma_start3A_152 = tpu.memref_slice %arg7[%dma_start3A_150, %dma_start3A_151] : memref<2x128xi32, #tpu.memory_space<vmem>> -> memref<1x128xi32, #tpu.memory_space<vmem>>
    %dma_start3A_153 = tpu.memref_squeeze %dma_start3A_152 : memref<1x128xi32, #tpu.memory_space<vmem>> -> memref<128xi32, #tpu.memory_space<vmem>>
    %dma_start3A_154 = arith.constant 0 : i32
    %dma_start3A_155 = arith.constant 0 : i32
    %dma_start3A_156 = tpu.memref_slice %arg2[%dma_start3A_154, %dma_start3A_155] : memref<10000x128xf32, #tpu.memory_space<hbm>> -> memref<10000x128xf32, #tpu.memory_space<hbm>>
    tpu.enqueue_indirect_dma source(%dma_start3A_156 : memref<10000x128xf32, #tpu.memory_space<hbm>>) target(%arg9 : memref<128x128xf32, #tpu.memory_space<vmem>>) offsets(%dma_start3A_153 : memref<128xi32, #tpu.memory_space<vmem>>) semaphore(%arg12 : memref<!tpu.dma_semaphore, #tpu.memory_space<semaphore_mem>>)
    %multiple_of3A_157 = arith.constant 128 : i32
    %multiple_of3A_158 = tpu.assume_multiple %multiple_of3A_157, 128 : i32
    %add3A_159 = arith.constant 0 : i32
    %add3A_160 = arith.addi %multiple_of3A_158, %add3A_159 : i32
    %get3A_161 = arith.index_cast %add3A_160 : i32 to index
    %get3A_162 = tpu.vector_load %arg6[%get3A_161] {strides = array<i32>} : memref<10240xi32, #tpu.memory_space<vmem>>, vector<16xi32>,
    %get3A_163 = vector.shape_cast %get3A_162 : vector<16xi32> to vector<16xi32>
    %shift_right_arithmetic3A_164 = arith.constant 0 : i32
    %shift_right_arithmetic3A_165 = vector.broadcast %shift_right_arithmetic3A_164 : i32 to vector<16xi32>
    %shift_right_arithmetic3A_166 = arith.shrsi %get3A_163, %shift_right_arithmetic3A_165 : vector<16xi32>
    %and3A_167 = arith.constant 16383 : i32
    %and3A_168 = vector.broadcast %and3A_167 : i32 to vector<16xi32>
    %and3A_169 = arith.andi %shift_right_arithmetic3A_166, %and3A_168 : vector<16xi32>
    %swap3A_170 = arith.constant 1 : i32
    %swap3A_171 = arith.index_cast %swap3A_170 : i32 to index
    %swap3A_172 = arith.constant 0 : index
    %swap3A_173 = tpu.vector_load %arg7[%swap3A_171, %swap3A_172] {strides = array<i32>} : memref<2x128xi32, #tpu.memory_space<vmem>>, vector<1x16xi32>,
    %swap3A_174 = vector.shape_cast %swap3A_173 : vector<1x16xi32> to vector<16xi32>
    %swap3A_175 = vector.shape_cast %and3A_169 : vector<16xi32> to vector<1x16xi32>
    tpu.vector_store %arg7[%swap3A_171, %swap3A_172], %swap3A_175 {strides = array<i32>} : memref<2x128xi32, #tpu.memory_space<vmem>>, vector<1x16xi32>,
    %add3A_176 = arith.constant 16 : i32
    %add3A_177 = arith.addi %multiple_of3A_158, %add3A_176 : i32
    %get3A_178 = arith.index_cast %add3A_177 : i32 to index
    %get3A_179 = tpu.vector_load %arg6[%get3A_178] {strides = array<i32>} : memref<10240xi32, #tpu.memory_space<vmem>>, vector<16xi32>,
    %get3A_180 = vector.shape_cast %get3A_179 : vector<16xi32> to vector<16xi32>
    %shift_right_arithmetic3A_181 = arith.constant 0 : i32
    %shift_right_arithmetic3A_182 = vector.broadcast %shift_right_arithmetic3A_181 : i32 to vector<16xi32>
    %shift_right_arithmetic3A_183 = arith.shrsi %get3A_180, %shift_right_arithmetic3A_182 : vector<16xi32>
    %and3A_184 = arith.constant 16383 : i32
    %and3A_185 = vector.broadcast %and3A_184 : i32 to vector<16xi32>
    %and3A_186 = arith.andi %shift_right_arithmetic3A_183, %and3A_185 : vector<16xi32>
    %swap3A_187 = arith.constant 1 : i32
    %swap3A_188 = arith.index_cast %swap3A_187 : i32 to index
    %swap3A_189 = arith.constant 16 : index
    %swap3A_190 = tpu.vector_load %arg7[%swap3A_188, %swap3A_189] {strides = array<i32>} : memref<2x128xi32, #tpu.memory_space<vmem>>, vector<1x16xi32>,
    %swap3A_191 = vector.shape_cast %swap3A_190 : vector<1x16xi32> to vector<16xi32>
    %swap3A_192 = vector.shape_cast %and3A_186 : vector<16xi32> to vector<1x16xi32>
    tpu.vector_store %arg7[%swap3A_188, %swap3A_189], %swap3A_192 {strides = array<i32>} : memref<2x128xi32, #tpu.memory_space<vmem>>, vector<1x16xi32>,
    %add3A_193 = arith.constant 32 : i32
    %add3A_194 = arith.addi %multiple_of3A_158, %add3A_193 : i32
    %get3A_195 = arith.index_cast %add3A_194 : i32 to index
    %get3A_196 = tpu.vector_load %arg6[%get3A_195] {strides = array<i32>} : memref<10240xi32, #tpu.memory_space<vmem>>, vector<16xi32>,
    %get3A_197 = vector.shape_cast %get3A_196 : vector<16xi32> to vector<16xi32>
    %shift_right_arithmetic3A_198 = arith.constant 0 : i32
    %shift_right_arithmetic3A_199 = vector.broadcast %shift_right_arithmetic3A_198 : i32 to vector<16xi32>
    %shift_right_arithmetic3A_200 = arith.shrsi %get3A_197, %shift_right_arithmetic3A_199 : vector<16xi32>
    %and3A_201 = arith.constant 16383 : i32
    %and3A_202 = vector.broadcast %and3A_201 : i32 to vector<16xi32>
    %and3A_203 = arith.andi %shift_right_arithmetic3A_200, %and3A_202 : vector<16xi32>
    %swap3A_204 = arith.constant 1 : i32
    %swap3A_205 = arith.index_cast %swap3A_204 : i32 to index
    %swap3A_206 = arith.constant 32 : index
    %swap3A_207 = tpu.vector_load %arg7[%swap3A_205, %swap3A_206] {strides = array<i32>} : memref<2x128xi32, #tpu.memory_space<vmem>>, vector<1x16xi32>,
    %swap3A_208 = vector.shape_cast %swap3A_207 : vector<1x16xi32> to vector<16xi32>
    %swap3A_209 = vector.shape_cast %and3A_203 : vector<16xi32> to vector<1x16xi32>
    tpu.vector_store %arg7[%swap3A_205, %swap3A_206], %swap3A_209 {strides = array<i32>} : memref<2x128xi32, #tpu.memory_space<vmem>>, vector<1x16xi32>,
    %add3A_210 = arith.constant 48 : i32
    %add3A_211 = arith.addi %multiple_of3A_158, %add3A_210 : i32
    %get3A_212 = arith.index_cast %add3A_211 : i32 to index
    %get3A_213 = tpu.vector_load %arg6[%get3A_212] {strides = array<i32>} : memref<10240xi32, #tpu.memory_space<vmem>>, vector<16xi32>,
    %get3A_214 = vector.shape_cast %get3A_213 : vector<16xi32> to vector<16xi32>
    %shift_right_arithmetic3A_215 = arith.constant 0 : i32
    %shift_right_arithmetic3A_216 = vector.broadcast %shift_right_arithmetic3A_215 : i32 to vector<16xi32>
    %shift_right_arithmetic3A_217 = arith.shrsi %get3A_214, %shift_right_arithmetic3A_216 : vector<16xi32>
    %and3A_218 = arith.constant 16383 : i32
    %and3A_219 = vector.broadcast %and3A_218 : i32 to vector<16xi32>
    %and3A_220 = arith.andi %shift_right_arithmetic3A_217, %and3A_219 : vector<16xi32>
    %swap3A_221 = arith.constant 1 : i32
    %swap3A_222 = arith.index_cast %swap3A_221 : i32 to index
    %swap3A_223 = arith.constant 48 : index
    %swap3A_224 = tpu.vector_load %arg7[%swap3A_222, %swap3A_223] {strides = array<i32>} : memref<2x128xi32, #tpu.memory_space<vmem>>, vector<1x16xi32>,
    %swap3A_225 = vector.shape_cast %swap3A_224 : vector<1x16xi32> to vector<16xi32>
    %swap3A_226 = vector.shape_cast %and3A_220 : vector<16xi32> to vector<1x16xi32>
    tpu.vector_store %arg7[%swap3A_222, %swap3A_223], %swap3A_226 {strides = array<i32>} : memref<2x128xi32, #tpu.memory_space<vmem>>, vector<1x16xi32>,
    %add3A_227 = arith.constant 64 : i32
    %add3A_228 = arith.addi %multiple_of3A_158, %add3A_227 : i32
    %get3A_229 = arith.index_cast %add3A_228 : i32 to index
    %get3A_230 = tpu.vector_load %arg6[%get3A_229] {strides = array<i32>} : memref<10240xi32, #tpu.memory_space<vmem>>, vector<16xi32>,
    %get3A_231 = vector.shape_cast %get3A_230 : vector<16xi32> to vector<16xi32>
    %shift_right_arithmetic3A_232 = arith.constant 0 : i32
    %shift_right_arithmetic3A_233 = vector.broadcast %shift_right_arithmetic3A_232 : i32 to vector<16xi32>
    %shift_right_arithmetic3A_234 = arith.shrsi %get3A_231, %shift_right_arithmetic3A_233 : vector<16xi32>
    %and3A_235 = arith.constant 16383 : i32
    %and3A_236 = vector.broadcast %and3A_235 : i32 to vector<16xi32>
    %and3A_237 = arith.andi %shift_right_arithmetic3A_234, %and3A_236 : vector<16xi32>
    %swap3A_238 = arith.constant 1 : i32
    %swap3A_239 = arith.index_cast %swap3A_238 : i32 to index
    %swap3A_240 = arith.constant 64 : index
    %swap3A_241 = tpu.vector_load %arg7[%swap3A_239, %swap3A_240] {strides = array<i32>} : memref<2x128xi32, #tpu.memory_space<vmem>>, vector<1x16xi32>,
    %swap3A_242 = vector.shape_cast %swap3A_241 : vector<1x16xi32> to vector<16xi32>
    %swap3A_243 = vector.shape_cast %and3A_237 : vector<16xi32> to vector<1x16xi32>
    tpu.vector_store %arg7[%swap3A_239, %swap3A_240], %swap3A_243 {strides = array<i32>} : memref<2x128xi32, #tpu.memory_space<vmem>>, vector<1x16xi32>,
    %add3A_244 = arith.constant 80 : i32
    %add3A_245 = arith.addi %multiple_of3A_158, %add3A_244 : i32
    %get3A_246 = arith.index_cast %add3A_245 : i32 to index
    %get3A_247 = tpu.vector_load %arg6[%get3A_246] {strides = array<i32>} : memref<10240xi32, #tpu.memory_space<vmem>>, vector<16xi32>,
    %get3A_248 = vector.shape_cast %get3A_247 : vector<16xi32> to vector<16xi32>
    %shift_right_arithmetic3A_249 = arith.constant 0 : i32
    %shift_right_arithmetic3A_250 = vector.broadcast %shift_right_arithmetic3A_249 : i32 to vector<16xi32>
    %shift_right_arithmetic3A_251 = arith.shrsi %get3A_248, %shift_right_arithmetic3A_250 : vector<16xi32>
    %and3A_252 = arith.constant 16383 : i32
    %and3A_253 = vector.broadcast %and3A_252 : i32 to vector<16xi32>
    %and3A_254 = arith.andi %shift_right_arithmetic3A_251, %and3A_253 : vector<16xi32>
    %swap3A_255 = arith.constant 1 : i32
    %swap3A_256 = arith.index_cast %swap3A_255 : i32 to index
    %swap3A_257 = arith.constant 80 : index
    %swap3A_258 = tpu.vector_load %arg7[%swap3A_256, %swap3A_257] {strides = array<i32>} : memref<2x128xi32, #tpu.memory_space<vmem>>, vector<1x16xi32>,
    %swap3A_259 = vector.shape_cast %swap3A_258 : vector<1x16xi32> to vector<16xi32>
    %swap3A_260 = vector.shape_cast %and3A_254 : vector<16xi32> to vector<1x16xi32>
    tpu.vector_store %arg7[%swap3A_256, %swap3A_257], %swap3A_260 {strides = array<i32>} : memref<2x128xi32, #tpu.memory_space<vmem>>, vector<1x16xi32>,
    %add3A_261 = arith.constant 96 : i32
    %add3A_262 = arith.addi %multiple_of3A_158, %add3A_261 : i32
    %get3A_263 = arith.index_cast %add3A_262 : i32 to index
    %get3A_264 = tpu.vector_load %arg6[%get3A_263] {strides = array<i32>} : memref<10240xi32, #tpu.memory_space<vmem>>, vector<16xi32>,
    %get3A_265 = vector.shape_cast %get3A_264 : vector<16xi32> to vector<16xi32>
    %shift_right_arithmetic3A_266 = arith.constant 0 : i32
    %shift_right_arithmetic3A_267 = vector.broadcast %shift_right_arithmetic3A_266 : i32 to vector<16xi32>
    %shift_right_arithmetic3A_268 = arith.shrsi %get3A_265, %shift_right_arithmetic3A_267 : vector<16xi32>
    %and3A_269 = arith.constant 16383 : i32
    %and3A_270 = vector.broadcast %and3A_269 : i32 to vector<16xi32>
    %and3A_271 = arith.andi %shift_right_arithmetic3A_268, %and3A_270 : vector<16xi32>
    %swap3A_272 = arith.constant 1 : i32
    %swap3A_273 = arith.index_cast %swap3A_272 : i32 to index
    %swap3A_274 = arith.constant 96 : index
    %swap3A_275 = tpu.vector_load %arg7[%swap3A_273, %swap3A_274] {strides = array<i32>} : memref<2x128xi32, #tpu.memory_space<vmem>>, vector<1x16xi32>,
    %swap3A_276 = vector.shape_cast %swap3A_275 : vector<1x16xi32> to vector<16xi32>
    %swap3A_277 = vector.shape_cast %and3A_271 : vector<16xi32> to vector<1x16xi32>
    tpu.vector_store %arg7[%swap3A_273, %swap3A_274], %swap3A_277 {strides = array<i32>} : memref<2x128xi32, #tpu.memory_space<vmem>>, vector<1x16xi32>,
    %add3A_278 = arith.constant 112 : i32
    %add3A_279 = arith.addi %multiple_of3A_158, %add3A_278 : i32
    %get3A_280 = arith.index_cast %add3A_279 : i32 to index
    %get3A_281 = tpu.vector_load %arg6[%get3A_280] {strides = array<i32>} : memref<10240xi32, #tpu.memory_space<vmem>>, vector<16xi32>,
    %get3A_282 = vector.shape_cast %get3A_281 : vector<16xi32> to vector<16xi32>
    %shift_right_arithmetic3A_283 = arith.constant 0 : i32
    %shift_right_arithmetic3A_284 = vector.broadcast %shift_right_arithmetic3A_283 : i32 to vector<16xi32>
    %shift_right_arithmetic3A_285 = arith.shrsi %get3A_282, %shift_right_arithmetic3A_284 : vector<16xi32>
    %and3A_286 = arith.constant 16383 : i32
    %and3A_287 = vector.broadcast %and3A_286 : i32 to vector<16xi32>
    %and3A_288 = arith.andi %shift_right_arithmetic3A_285, %and3A_287 : vector<16xi32>
    %swap3A_289 = arith.constant 1 : i32
    %swap3A_290 = arith.index_cast %swap3A_289 : i32 to index
    %swap3A_291 = arith.constant 112 : index
    %swap3A_292 = tpu.vector_load %arg7[%swap3A_290, %swap3A_291] {strides = array<i32>} : memref<2x128xi32, #tpu.memory_space<vmem>>, vector<1x16xi32>,
    %swap3A_293 = vector.shape_cast %swap3A_292 : vector<1x16xi32> to vector<16xi32>
    %swap3A_294 = vector.shape_cast %and3A_288 : vector<16xi32> to vector<1x16xi32>
    tpu.vector_store %arg7[%swap3A_290, %swap3A_291], %swap3A_294 {strides = array<i32>} : memref<2x128xi32, #tpu.memory_space<vmem>>, vector<1x16xi32>,
    %dma_start3A_295 = arith.constant 1 : i32
    %dma_start3A_296 = arith.constant 0 : i32
    %dma_start3A_297 = tpu.memref_slice %arg7[%dma_start3A_295, %dma_start3A_296] : memref<2x128xi32, #tpu.memory_space<vmem>> -> memref<1x128xi32, #tpu.memory_space<vmem>>
    %dma_start3A_298 = tpu.memref_squeeze %dma_start3A_297 : memref<1x128xi32, #tpu.memory_space<vmem>> -> memref<128xi32, #tpu.memory_space<vmem>>
    %dma_start3A_299 = arith.constant 0 : i32
    %dma_start3A_300 = arith.constant 0 : i32
    %dma_start3A_301 = tpu.memref_slice %arg2[%dma_start3A_299, %dma_start3A_300] : memref<10000x128xf32, #tpu.memory_space<hbm>> -> memref<10000x128xf32, #tpu.memory_space<hbm>>
    tpu.enqueue_indirect_dma source(%dma_start3A_301 : memref<10000x128xf32, #tpu.memory_space<hbm>>) target(%arg10 : memref<128x128xf32, #tpu.memory_space<vmem>>) offsets(%dma_start3A_298 : memref<128xi32, #tpu.memory_space<vmem>>) semaphore(%arg13 : memref<!tpu.dma_semaphore, #tpu.memory_space<semaphore_mem>>)
    %dma_wait3A_302 = arith.constant 0 : i32
    %dma_wait3A_303 = arith.constant 0 : i32
    %dma_wait3A_304 = tpu.memref_slice %arg7[%dma_wait3A_302, %dma_wait3A_303] : memref<2x128xi32, #tpu.memory_space<vmem>> -> memref<1x128xi32, #tpu.memory_space<vmem>>
    %dma_wait3A_305 = tpu.memref_squeeze %dma_wait3A_304 : memref<1x128xi32, #tpu.memory_space<vmem>> -> memref<128xi32, #tpu.memory_space<vmem>>
    %dma_wait3A_306 = arith.constant 0 : i32
    %dma_wait3A_307 = arith.constant 0 : i32
    %dma_wait3A_308 = tpu.memref_slice %arg2[%dma_wait3A_306, %dma_wait3A_307] : memref<10000x128xf32, #tpu.memory_space<hbm>> -> memref<10000x128xf32, #tpu.memory_space<hbm>>
    tpu.wait_indirect_dma semaphore(%arg12 : memref<!tpu.dma_semaphore, #tpu.memory_space<semaphore_mem>>) src(%dma_wait3A_308 : memref<10000x128xf32, #tpu.memory_space<hbm>>) dst(%arg9 : memref<128x128xf32, #tpu.memory_space<vmem>>)
    %multiple_of3A_309 = arith.constant 0 : i32
    %multiple_of3A_310 = tpu.assume_multiple %multiple_of3A_309, 128 : i32
    %add3A_311 = arith.constant 0 : i32
    %add3A_312 = arith.addi %multiple_of3A_310, %add3A_311 : i32
    %get3A_313 = arith.index_cast %add3A_312 : i32 to index
    %get3A_314 = tpu.vector_load %arg6[%get3A_313] {strides = array<i32>} : memref<10240xi32, #tpu.memory_space<vmem>>, vector<16xi32>,
    %get3A_315 = vector.shape_cast %get3A_314 : vector<16xi32> to vector<16xi32>
    %shift_right_arithmetic3A_316 = arith.constant 14 : i32
    %shift_right_arithmetic3A_317 = vector.broadcast %shift_right_arithmetic3A_316 : i32 to vector<16xi32>
    %shift_right_arithmetic3A_318 = arith.shrsi %get3A_315, %shift_right_arithmetic3A_317 : vector<16xi32>
    %and3A_319 = arith.constant 65535 : i32
    %and3A_320 = vector.broadcast %and3A_319 : i32 to vector<16xi32>
    %and3A_321 = arith.andi %shift_right_arithmetic3A_318, %and3A_320 : vector<16xi32>
    %swap3A_322 = arith.constant 0 : i32
    %swap3A_323 = arith.index_cast %swap3A_322 : i32 to index
    %swap3A_324 = arith.constant 0 : index
    %swap3A_325 = tpu.vector_load %arg8[%swap3A_323, %swap3A_324] {strides = array<i32>} : memref<2x128xi32, #tpu.memory_space<vmem>>, vector<1x16xi32>,
    %swap3A_326 = vector.shape_cast %swap3A_325 : vector<1x16xi32> to vector<16xi32>
    %swap3A_327 = vector.shape_cast %and3A_321 : vector<16xi32> to vector<1x16xi32>
    tpu.vector_store %arg8[%swap3A_323, %swap3A_324], %swap3A_327 {strides = array<i32>} : memref<2x128xi32, #tpu.memory_space<vmem>>, vector<1x16xi32>,
    %add3A_328 = arith.constant 16 : i32
    %add3A_329 = arith.addi %multiple_of3A_310, %add3A_328 : i32
    %get3A_330 = arith.index_cast %add3A_329 : i32 to index
    %get3A_331 = tpu.vector_load %arg6[%get3A_330] {strides = array<i32>} : memref<10240xi32, #tpu.memory_space<vmem>>, vector<16xi32>,
    %get3A_332 = vector.shape_cast %get3A_331 : vector<16xi32> to vector<16xi32>
    %shift_right_arithmetic3A_333 = arith.constant 14 : i32
    %shift_right_arithmetic3A_334 = vector.broadcast %shift_right_arithmetic3A_333 : i32 to vector<16xi32>
    %shift_right_arithmetic3A_335 = arith.shrsi %get3A_332, %shift_right_arithmetic3A_334 : vector<16xi32>
    %and3A_336 = arith.constant 65535 : i32
    %and3A_337 = vector.broadcast %and3A_336 : i32 to vector<16xi32>
    %and3A_338 = arith.andi %shift_right_arithmetic3A_335, %and3A_337 : vector<16xi32>
    %swap3A_339 = arith.constant 0 : i32
    %swap3A_340 = arith.index_cast %swap3A_339 : i32 to index
    %swap3A_341 = arith.constant 16 : index
    %swap3A_342 = tpu.vector_load %arg8[%swap3A_340, %swap3A_341] {strides = array<i32>} : memref<2x128xi32, #tpu.memory_space<vmem>>, vector<1x16xi32>,
    %swap3A_343 = vector.shape_cast %swap3A_342 : vector<1x16xi32> to vector<16xi32>
    %swap3A_344 = vector.shape_cast %and3A_338 : vector<16xi32> to vector<1x16xi32>
    tpu.vector_store %arg8[%swap3A_340, %swap3A_341], %swap3A_344 {strides = array<i32>} : memref<2x128xi32, #tpu.memory_space<vmem>>, vector<1x16xi32>,
    %add3A_345 = arith.constant 32 : i32
    %add3A_346 = arith.addi %multiple_of3A_310, %add3A_345 : i32
    %get3A_347 = arith.index_cast %add3A_346 : i32 to index
    %get3A_348 = tpu.vector_load %arg6[%get3A_347] {strides = array<i32>} : memref<10240xi32, #tpu.memory_space<vmem>>, vector<16xi32>,
    %get3A_349 = vector.shape_cast %get3A_348 : vector<16xi32> to vector<16xi32>
    %shift_right_arithmetic3A_350 = arith.constant 14 : i32
    %shift_right_arithmetic3A_351 = vector.broadcast %shift_right_arithmetic3A_350 : i32 to vector<16xi32>
    %shift_right_arithmetic3A_352 = arith.shrsi %get3A_349, %shift_right_arithmetic3A_351 : vector<16xi32>
    %and3A_353 = arith.constant 65535 : i32
    %and3A_354 = vector.broadcast %and3A_353 : i32 to vector<16xi32>
    %and3A_355 = arith.andi %shift_right_arithmetic3A_352, %and3A_354 : vector<16xi32>
    %swap3A_356 = arith.constant 0 : i32
    %swap3A_357 = arith.index_cast %swap3A_356 : i32 to index
    %swap3A_358 = arith.constant 32 : index
    %swap3A_359 = tpu.vector_load %arg8[%swap3A_357, %swap3A_358] {strides = array<i32>} : memref<2x128xi32, #tpu.memory_space<vmem>>, vector<1x16xi32>,
    %swap3A_360 = vector.shape_cast %swap3A_359 : vector<1x16xi32> to vector<16xi32>
    %swap3A_361 = vector.shape_cast %and3A_355 : vector<16xi32> to vector<1x16xi32>
    tpu.vector_store %arg8[%swap3A_357, %swap3A_358], %swap3A_361 {strides = array<i32>} : memref<2x128xi32, #tpu.memory_space<vmem>>, vector<1x16xi32>,
    %add3A_362 = arith.constant 48 : i32
    %add3A_363 = arith.addi %multiple_of3A_310, %add3A_362 : i32
    %get3A_364 = arith.index_cast %add3A_363 : i32 to index
    %get3A_365 = tpu.vector_load %arg6[%get3A_364] {strides = array<i32>} : memref<10240xi32, #tpu.memory_space<vmem>>, vector<16xi32>,
    %get3A_366 = vector.shape_cast %get3A_365 : vector<16xi32> to vector<16xi32>
    %shift_right_arithmetic3A_367 = arith.constant 14 : i32
    %shift_right_arithmetic3A_368 = vector.broadcast %shift_right_arithmetic3A_367 : i32 to vector<16xi32>
    %shift_right_arithmetic3A_369 = arith.shrsi %get3A_366, %shift_right_arithmetic3A_368 : vector<16xi32>
    %and3A_370 = arith.constant 65535 : i32
    %and3A_371 = vector.broadcast %and3A_370 : i32 to vector<16xi32>
    %and3A_372 = arith.andi %shift_right_arithmetic3A_369, %and3A_371 : vector<16xi32>
    %swap3A_373 = arith.constant 0 : i32
    %swap3A_374 = arith.index_cast %swap3A_373 : i32 to index
    %swap3A_375 = arith.constant 48 : index
    %swap3A_376 = tpu.vector_load %arg8[%swap3A_374, %swap3A_375] {strides = array<i32>} : memref<2x128xi32, #tpu.memory_space<vmem>>, vector<1x16xi32>,
    %swap3A_377 = vector.shape_cast %swap3A_376 : vector<1x16xi32> to vector<16xi32>
    %swap3A_378 = vector.shape_cast %and3A_372 : vector<16xi32> to vector<1x16xi32>
    tpu.vector_store %arg8[%swap3A_374, %swap3A_375], %swap3A_378 {strides = array<i32>} : memref<2x128xi32, #tpu.memory_space<vmem>>, vector<1x16xi32>,
    %add3A_379 = arith.constant 64 : i32
    %add3A_380 = arith.addi %multiple_of3A_310, %add3A_379 : i32
    %get3A_381 = arith.index_cast %add3A_380 : i32 to index
    %get3A_382 = tpu.vector_load %arg6[%get3A_381] {strides = array<i32>} : memref<10240xi32, #tpu.memory_space<vmem>>, vector<16xi32>,
    %get3A_383 = vector.shape_cast %get3A_382 : vector<16xi32> to vector<16xi32>
    %shift_right_arithmetic3A_384 = arith.constant 14 : i32
    %shift_right_arithmetic3A_385 = vector.broadcast %shift_right_arithmetic3A_384 : i32 to vector<16xi32>
    %shift_right_arithmetic3A_386 = arith.shrsi %get3A_383, %shift_right_arithmetic3A_385 : vector<16xi32>
    %and3A_387 = arith.constant 65535 : i32
    %and3A_388 = vector.broadcast %and3A_387 : i32 to vector<16xi32>
    %and3A_389 = arith.andi %shift_right_arithmetic3A_386, %and3A_388 : vector<16xi32>
    %swap3A_390 = arith.constant 0 : i32
    %swap3A_391 = arith.index_cast %swap3A_390 : i32 to index
    %swap3A_392 = arith.constant 64 : index
    %swap3A_393 = tpu.vector_load %arg8[%swap3A_391, %swap3A_392] {strides = array<i32>} : memref<2x128xi32, #tpu.memory_space<vmem>>, vector<1x16xi32>,
    %swap3A_394 = vector.shape_cast %swap3A_393 : vector<1x16xi32> to vector<16xi32>
    %swap3A_395 = vector.shape_cast %and3A_389 : vector<16xi32> to vector<1x16xi32>
    tpu.vector_store %arg8[%swap3A_391, %swap3A_392], %swap3A_395 {strides = array<i32>} : memref<2x128xi32, #tpu.memory_space<vmem>>, vector<1x16xi32>,
    %add3A_396 = arith.constant 80 : i32
    %add3A_397 = arith.addi %multiple_of3A_310, %add3A_396 : i32
    %get3A_398 = arith.index_cast %add3A_397 : i32 to index
    %get3A_399 = tpu.vector_load %arg6[%get3A_398] {strides = array<i32>} : memref<10240xi32, #tpu.memory_space<vmem>>, vector<16xi32>,
    %get3A_400 = vector.shape_cast %get3A_399 : vector<16xi32> to vector<16xi32>
    %shift_right_arithmetic3A_401 = arith.constant 14 : i32
    %shift_right_arithmetic3A_402 = vector.broadcast %shift_right_arithmetic3A_401 : i32 to vector<16xi32>
    %shift_right_arithmetic3A_403 = arith.shrsi %get3A_400, %shift_right_arithmetic3A_402 : vector<16xi32>
    %and3A_404 = arith.constant 65535 : i32
    %and3A_405 = vector.broadcast %and3A_404 : i32 to vector<16xi32>
    %and3A_406 = arith.andi %shift_right_arithmetic3A_403, %and3A_405 : vector<16xi32>
    %swap3A_407 = arith.constant 0 : i32
    %swap3A_408 = arith.index_cast %swap3A_407 : i32 to index
    %swap3A_409 = arith.constant 80 : index
    %swap3A_410 = tpu.vector_load %arg8[%swap3A_408, %swap3A_409] {strides = array<i32>} : memref<2x128xi32, #tpu.memory_space<vmem>>, vector<1x16xi32>,
    %swap3A_411 = vector.shape_cast %swap3A_410 : vector<1x16xi32> to vector<16xi32>
    %swap3A_412 = vector.shape_cast %and3A_406 : vector<16xi32> to vector<1x16xi32>
    tpu.vector_store %arg8[%swap3A_408, %swap3A_409], %swap3A_412 {strides = array<i32>} : memref<2x128xi32, #tpu.memory_space<vmem>>, vector<1x16xi32>,
    %add3A_413 = arith.constant 96 : i32
    %add3A_414 = arith.addi %multiple_of3A_310, %add3A_413 : i32
    %get3A_415 = arith.index_cast %add3A_414 : i32 to index
    %get3A_416 = tpu.vector_load %arg6[%get3A_415] {strides = array<i32>} : memref<10240xi32, #tpu.memory_space<vmem>>, vector<16xi32>,
    %get3A_417 = vector.shape_cast %get3A_416 : vector<16xi32> to vector<16xi32>
    %shift_right_arithmetic3A_418 = arith.constant 14 : i32
    %shift_right_arithmetic3A_419 = vector.broadcast %shift_right_arithmetic3A_418 : i32 to vector<16xi32>
    %shift_right_arithmetic3A_420 = arith.shrsi %get3A_417, %shift_right_arithmetic3A_419 : vector<16xi32>
    %and3A_421 = arith.constant 65535 : i32
    %and3A_422 = vector.broadcast %and3A_421 : i32 to vector<16xi32>
    %and3A_423 = arith.andi %shift_right_arithmetic3A_420, %and3A_422 : vector<16xi32>
    %swap3A_424 = arith.constant 0 : i32
    %swap3A_425 = arith.index_cast %swap3A_424 : i32 to index
    %swap3A_426 = arith.constant 96 : index
    %swap3A_427 = tpu.vector_load %arg8[%swap3A_425, %swap3A_426] {strides = array<i32>} : memref<2x128xi32, #tpu.memory_space<vmem>>, vector<1x16xi32>,
    %swap3A_428 = vector.shape_cast %swap3A_427 : vector<1x16xi32> to vector<16xi32>
    %swap3A_429 = vector.shape_cast %and3A_423 : vector<16xi32> to vector<1x16xi32>
    tpu.vector_store %arg8[%swap3A_425, %swap3A_426], %swap3A_429 {strides = array<i32>} : memref<2x128xi32, #tpu.memory_space<vmem>>, vector<1x16xi32>,
    %add3A_430 = arith.constant 112 : i32
    %add3A_431 = arith.addi %multiple_of3A_310, %add3A_430 : i32
    %get3A_432 = arith.index_cast %add3A_431 : i32 to index
    %get3A_433 = tpu.vector_load %arg6[%get3A_432] {strides = array<i32>} : memref<10240xi32, #tpu.memory_space<vmem>>, vector<16xi32>,
    %get3A_434 = vector.shape_cast %get3A_433 : vector<16xi32> to vector<16xi32>
    %shift_right_arithmetic3A_435 = arith.constant 14 : i32
    %shift_right_arithmetic3A_436 = vector.broadcast %shift_right_arithmetic3A_435 : i32 to vector<16xi32>
    %shift_right_arithmetic3A_437 = arith.shrsi %get3A_434, %shift_right_arithmetic3A_436 : vector<16xi32>
    %and3A_438 = arith.constant 65535 : i32
    %and3A_439 = vector.broadcast %and3A_438 : i32 to vector<16xi32>
    %and3A_440 = arith.andi %shift_right_arithmetic3A_437, %and3A_439 : vector<16xi32>
    %swap3A_441 = arith.constant 0 : i32
    %swap3A_442 = arith.index_cast %swap3A_441 : i32 to index
    %swap3A_443 = arith.constant 112 : index
    %swap3A_444 = tpu.vector_load %arg8[%swap3A_442, %swap3A_443] {strides = array<i32>} : memref<2x128xi32, #tpu.memory_space<vmem>>, vector<1x16xi32>,
    %swap3A_445 = vector.shape_cast %swap3A_444 : vector<1x16xi32> to vector<16xi32>
    %swap3A_446 = vector.shape_cast %and3A_440 : vector<16xi32> to vector<1x16xi32>
    tpu.vector_store %arg8[%swap3A_442, %swap3A_443], %swap3A_446 {strides = array<i32>} : memref<2x128xi32, #tpu.memory_space<vmem>>, vector<1x16xi32>,
    %dma_start3A_447 = arith.constant 0 : i32
    %dma_start3A_448 = arith.constant 0 : i32
    %dma_start3A_449 = tpu.memref_slice %arg8[%dma_start3A_447, %dma_start3A_448] : memref<2x128xi32, #tpu.memory_space<vmem>> -> memref<1x128xi32, #tpu.memory_space<vmem>>
    %dma_start3A_450 = tpu.memref_squeeze %dma_start3A_449 : memref<1x128xi32, #tpu.memory_space<vmem>> -> memref<128xi32, #tpu.memory_space<vmem>>
    %dma_start3A_451 = arith.constant 0 : i32
    %dma_start3A_452 = arith.constant 0 : i32
    %dma_start3A_453 = tpu.memref_slice %arg11[%dma_start3A_451, %dma_start3A_452] : memref<10112x128xf32, #tpu.memory_space<vmem_shared>> -> memref<10112x128xf32, #tpu.memory_space<vmem_shared>>
    tpu.enqueue_indirect_dma source(%arg9 : memref<128x128xf32, #tpu.memory_space<vmem>>) target(%dma_start3A_453 : memref<10112x128xf32, #tpu.memory_space<vmem_shared>>) offsets(%dma_start3A_450 : memref<128xi32, #tpu.memory_space<vmem>>) semaphore(%arg14 : memref<!tpu.dma_semaphore, #tpu.memory_space<semaphore_mem>>) {add = true}
    %dma_wait3A_454 = arith.constant 0 : i32
    %dma_wait3A_455 = arith.constant 0 : i32
    %dma_wait3A_456 = tpu.memref_slice %arg8[%dma_wait3A_454, %dma_wait3A_455] : memref<2x128xi32, #tpu.memory_space<vmem>> -> memref<1x128xi32, #tpu.memory_space<vmem>>
    %dma_wait3A_457 = tpu.memref_squeeze %dma_wait3A_456 : memref<1x128xi32, #tpu.memory_space<vmem>> -> memref<128xi32, #tpu.memory_space<vmem>>
    %dma_wait3A_458 = arith.constant 0 : i32
    %dma_wait3A_459 = arith.constant 0 : i32
    %dma_wait3A_460 = tpu.memref_slice %arg11[%dma_wait3A_458, %dma_wait3A_459] : memref<10112x128xf32, #tpu.memory_space<vmem_shared>> -> memref<10112x128xf32, #tpu.memory_space<vmem_shared>>
    tpu.wait_indirect_dma semaphore(%arg14 : memref<!tpu.dma_semaphore, #tpu.memory_space<semaphore_mem>>) src(%arg9 : memref<128x128xf32, #tpu.memory_space<vmem>>) dst(%dma_wait3A_460 : memref<10112x128xf32, #tpu.memory_space<vmem_shared>>)
    %multiple_of3A_461 = arith.constant 256 : i32
    %multiple_of3A_462 = tpu.assume_multiple %multiple_of3A_461, 128 : i32
    %add3A_463 = arith.constant 0 : i32
    %add3A_464 = arith.addi %multiple_of3A_462, %add3A_463 : i32
    %get3A_465 = arith.index_cast %add3A_464 : i32 to index
    %get3A_466 = tpu.vector_load %arg6[%get3A_465] {strides = array<i32>} : memref<10240xi32, #tpu.memory_space<vmem>>, vector<16xi32>,
    %get3A_467 = vector.shape_cast %get3A_466 : vector<16xi32> to vector<16xi32>
    %shift_right_arithmetic3A_468 = arith.constant 0 : i32
    %shift_right_arithmetic3A_469 = vector.broadcast %shift_right_arithmetic3A_468 : i32 to vector<16xi32>
    %shift_right_arithmetic3A_470 = arith.shrsi %get3A_467, %shift_right_arithmetic3A_469 : vector<16xi32>
    %and3A_471 = arith.constant 16383 : i32
    %and3A_472 = vector.broadcast %and3A_471 : i32 to vector<16xi32>
    %and3A_473 = arith.andi %shift_right_arithmetic3A_470, %and3A_472 : vector<16xi32>
    %swap3A_474 = arith.constant 0 : i32
    %swap3A_475 = arith.index_cast %swap3A_474 : i32 to index
    %swap3A_476 = arith.constant 0 : index
    %swap3A_477 = tpu.vector_load %arg7[%swap3A_475, %swap3A_476] {strides = array<i32>} : memref<2x128xi32, #tpu.memory_space<vmem>>, vector<1x16xi32>,
    %swap3A_478 = vector.shape_cast %swap3A_477 : vector<1x16xi32> to vector<16xi32>
    %swap3A_479 = vector.shape_cast %and3A_473 : vector<16xi32> to vector<1x16xi32>
    tpu.vector_store %arg7[%swap3A_475, %swap3A_476], %swap3A_479 {strides = array<i32>} : memref<2x128xi32, #tpu.memory_space<vmem>>, vector<1x16xi32>,
    %add3A_480 = arith.constant 16 : i32
    %add3A_481 = arith.addi %multiple_of3A_462, %add3A_480 : i32
    %get3A_482 = arith.index_cast %add3A_481 : i32 to index
    %get3A_483 = tpu.vector_load %arg6[%get3A_482] {strides = array<i32>} : memref<10240xi32, #tpu.memory_space<vmem>>, vector<16xi32>,
    %get3A_484 = vector.shape_cast %get3A_483 : vector<16xi32> to vector<16xi32>
    %shift_right_arithmetic3A_485 = arith.constant 0 : i32
    %shift_right_arithmetic3A_486 = vector.broadcast %shift_right_arithmetic3A_485 : i32 to vector<16xi32>
    %shift_right_arithmetic3A_487 = arith.shrsi %get3A_484, %shift_right_arithmetic3A_486 : vector<16xi32>
    %and3A_488 = arith.constant 16383 : i32
    %and3A_489 = vector.broadcast %and3A_488 : i32 to vector<16xi32>
    %and3A_490 = arith.andi %shift_right_arithmetic3A_487, %and3A_489 : vector<16xi32>
    %swap3A_491 = arith.constant 0 : i32
    %swap3A_492 = arith.index_cast %swap3A_491 : i32 to index
    %swap3A_493 = arith.constant 16 : index
    %swap3A_494 = tpu.vector_load %arg7[%swap3A_492, %swap3A_493] {strides = array<i32>} : memref<2x128xi32, #tpu.memory_space<vmem>>, vector<1x16xi32>,
    %swap3A_495 = vector.shape_cast %swap3A_494 : vector<1x16xi32> to vector<16xi32>
    %swap3A_496 = vector.shape_cast %and3A_490 : vector<16xi32> to vector<1x16xi32>
    tpu.vector_store %arg7[%swap3A_492, %swap3A_493], %swap3A_496 {strides = array<i32>} : memref<2x128xi32, #tpu.memory_space<vmem>>, vector<1x16xi32>,
    %add3A_497 = arith.constant 32 : i32
    %add3A_498 = arith.addi %multiple_of3A_462, %add3A_497 : i32
    %get3A_499 = arith.index_cast %add3A_498 : i32 to index
    %get3A_500 = tpu.vector_load %arg6[%get3A_499] {strides = array<i32>} : memref<10240xi32, #tpu.memory_space<vmem>>, vector<16xi32>,
    %get3A_501 = vector.shape_cast %get3A_500 : vector<16xi32> to vector<16xi32>
    %shift_right_arithmetic3A_502 = arith.constant 0 : i32
    %shift_right_arithmetic3A_503 = vector.broadcast %shift_right_arithmetic3A_502 : i32 to vector<16xi32>
    %shift_right_arithmetic3A_504 = arith.shrsi %get3A_501, %shift_right_arithmetic3A_503 : vector<16xi32>
    %and3A_505 = arith.constant 16383 : i32
    %and3A_506 = vector.broadcast %and3A_505 : i32 to vector<16xi32>
    %and3A_507 = arith.andi %shift_right_arithmetic3A_504, %and3A_506 : vector<16xi32>
    %swap3A_508 = arith.constant 0 : i32
    %swap3A_509 = arith.index_cast %swap3A_508 : i32 to index
    %swap3A_510 = arith.constant 32 : index
    %swap3A_511 = tpu.vector_load %arg7[%swap3A_509, %swap3A_510] {strides = array<i32>} : memref<2x128xi32, #tpu.memory_space<vmem>>, vector<1x16xi32>,
    %swap3A_512 = vector.shape_cast %swap3A_511 : vector<1x16xi32> to vector<16xi32>
    %swap3A_513 = vector.shape_cast %and3A_507 : vector<16xi32> to vector<1x16xi32>
    tpu.vector_store %arg7[%swap3A_509, %swap3A_510], %swap3A_513 {strides = array<i32>} : memref<2x128xi32, #tpu.memory_space<vmem>>, vector<1x16xi32>,
    %add3A_514 = arith.constant 48 : i32
    %add3A_515 = arith.addi %multiple_of3A_462, %add3A_514 : i32
    %get3A_516 = arith.index_cast %add3A_515 : i32 to index
    %get3A_517 = tpu.vector_load %arg6[%get3A_516] {strides = array<i32>} : memref<10240xi32, #tpu.memory_space<vmem>>, vector<16xi32>,
    %get3A_518 = vector.shape_cast %get3A_517 : vector<16xi32> to vector<16xi32>
    %shift_right_arithmetic3A_519 = arith.constant 0 : i32
    %shift_right_arithmetic3A_520 = vector.broadcast %shift_right_arithmetic3A_519 : i32 to vector<16xi32>
    %shift_right_arithmetic3A_521 = arith.shrsi %get3A_518, %shift_right_arithmetic3A_520 : vector<16xi32>
    %and3A_522 = arith.constant 16383 : i32
    %and3A_523 = vector.broadcast %and3A_522 : i32 to vector<16xi32>
    %and3A_524 = arith.andi %shift_right_arithmetic3A_521, %and3A_523 : vector<16xi32>
    %swap3A_525 = arith.constant 0 : i32
    %swap3A_526 = arith.index_cast %swap3A_525 : i32 to index
    %swap3A_527 = arith.constant 48 : index
    %swap3A_528 = tpu.vector_load %arg7[%swap3A_526, %swap3A_527] {strides = array<i32>} : memref<2x128xi32, #tpu.memory_space<vmem>>, vector<1x16xi32>,
    %swap3A_529 = vector.shape_cast %swap3A_528 : vector<1x16xi32> to vector<16xi32>
    %swap3A_530 = vector.shape_cast %and3A_524 : vector<16xi32> to vector<1x16xi32>
    tpu.vector_store %arg7[%swap3A_526, %swap3A_527], %swap3A_530 {strides = array<i32>} : memref<2x128xi32, #tpu.memory_space<vmem>>, vector<1x16xi32>,
    %add3A_531 = arith.constant 64 : i32
    %add3A_532 = arith.addi %multiple_of3A_462, %add3A_531 : i32
    %get3A_533 = arith.index_cast %add3A_532 : i32 to index
    %get3A_534 = tpu.vector_load %arg6[%get3A_533] {strides = array<i32>} : memref<10240xi32, #tpu.memory_space<vmem>>, vector<16xi32>,
    %get3A_535 = vector.shape_cast %get3A_534 : vector<16xi32> to vector<16xi32>
    %shift_right_arithmetic3A_536 = arith.constant 0 : i32
    %shift_right_arithmetic3A_537 = vector.broadcast %shift_right_arithmetic3A_536 : i32 to vector<16xi32>
    %shift_right_arithmetic3A_538 = arith.shrsi %get3A_535, %shift_right_arithmetic3A_537 : vector<16xi32>
    %and3A_539 = arith.constant 16383 : i32
    %and3A_540 = vector.broadcast %and3A_539 : i32 to vector<16xi32>
    %and3A_541 = arith.andi %shift_right_arithmetic3A_538, %and3A_540 : vector<16xi32>
    %swap3A_542 = arith.constant 0 : i32
    %swap3A_543 = arith.index_cast %swap3A_542 : i32 to index
    %swap3A_544 = arith.constant 64 : index
    %swap3A_545 = tpu.vector_load %arg7[%swap3A_543, %swap3A_544] {strides = array<i32>} : memref<2x128xi32, #tpu.memory_space<vmem>>, vector<1x16xi32>,
    %swap3A_546 = vector.shape_cast %swap3A_545 : vector<1x16xi32> to vector<16xi32>
    %swap3A_547 = vector.shape_cast %and3A_541 : vector<16xi32> to vector<1x16xi32>
    tpu.vector_store %arg7[%swap3A_543, %swap3A_544], %swap3A_547 {strides = array<i32>} : memref<2x128xi32, #tpu.memory_space<vmem>>, vector<1x16xi32>,
    %add3A_548 = arith.constant 80 : i32
    %add3A_549 = arith.addi %multiple_of3A_462, %add3A_548 : i32
    %get3A_550 = arith.index_cast %add3A_549 : i32 to index
    %get3A_551 = tpu.vector_load %arg6[%get3A_550] {strides = array<i32>} : memref<10240xi32, #tpu.memory_space<vmem>>, vector<16xi32>,
    %get3A_552 = vector.shape_cast %get3A_551 : vector<16xi32> to vector<16xi32>
    %shift_right_arithmetic3A_553 = arith.constant 0 : i32
    %shift_right_arithmetic3A_554 = vector.broadcast %shift_right_arithmetic3A_553 : i32 to vector<16xi32>
    %shift_right_arithmetic3A_555 = arith.shrsi %get3A_552, %shift_right_arithmetic3A_554 : vector<16xi32>
    %and3A_556 = arith.constant 16383 : i32
    %and3A_557 = vector.broadcast %and3A_556 : i32 to vector<16xi32>
    %and3A_558 = arith.andi %shift_right_arithmetic3A_555, %and3A_557 : vector<16xi32>
    %swap3A_559 = arith.constant 0 : i32
    %swap3A_560 = arith.index_cast %swap3A_559 : i32 to index
    %swap3A_561 = arith.constant 80 : index
    %swap3A_562 = tpu.vector_load %arg7[%swap3A_560, %swap3A_561] {strides = array<i32>} : memref<2x128xi32, #tpu.memory_space<vmem>>, vector<1x16xi32>,
    %swap3A_563 = vector.shape_cast %swap3A_562 : vector<1x16xi32> to vector<16xi32>
    %swap3A_564 = vector.shape_cast %and3A_558 : vector<16xi32> to vector<1x16xi32>
    tpu.vector_store %arg7[%swap3A_560, %swap3A_561], %swap3A_564 {strides = array<i32>} : memref<2x128xi32, #tpu.memory_space<vmem>>, vector<1x16xi32>,
    %add3A_565 = arith.constant 96 : i32
    %add3A_566 = arith.addi %multiple_of3A_462, %add3A_565 : i32
    %get3A_567 = arith.index_cast %add3A_566 : i32 to index
    %get3A_568 = tpu.vector_load %arg6[%get3A_567] {strides = array<i32>} : memref<10240xi32, #tpu.memory_space<vmem>>, vector<16xi32>,
    %get3A_569 = vector.shape_cast %get3A_568 : vector<16xi32> to vector<16xi32>
    %shift_right_arithmetic3A_570 = arith.constant 0 : i32
    %shift_right_arithmetic3A_571 = vector.broadcast %shift_right_arithmetic3A_570 : i32 to vector<16xi32>
    %shift_right_arithmetic3A_572 = arith.shrsi %get3A_569, %shift_right_arithmetic3A_571 : vector<16xi32>
    %and3A_573 = arith.constant 16383 : i32
    %and3A_574 = vector.broadcast %and3A_573 : i32 to vector<16xi32>
    %and3A_575 = arith.andi %shift_right_arithmetic3A_572, %and3A_574 : vector<16xi32>
    %swap3A_576 = arith.constant 0 : i32
    %swap3A_577 = arith.index_cast %swap3A_576 : i32 to index
    %swap3A_578 = arith.constant 96 : index
    %swap3A_579 = tpu.vector_load %arg7[%swap3A_577, %swap3A_578] {strides = array<i32>} : memref<2x128xi32, #tpu.memory_space<vmem>>, vector<1x16xi32>,
    %swap3A_580 = vector.shape_cast %swap3A_579 : vector<1x16xi32> to vector<16xi32>
    %swap3A_581 = vector.shape_cast %and3A_575 : vector<16xi32> to vector<1x16xi32>
    tpu.vector_store %arg7[%swap3A_577, %swap3A_578], %swap3A_581 {strides = array<i32>} : memref<2x128xi32, #tpu.memory_space<vmem>>, vector<1x16xi32>,
    %add3A_582 = arith.constant 112 : i32
    %add3A_583 = arith.addi %multiple_of3A_462, %add3A_582 : i32
    %get3A_584 = arith.index_cast %add3A_583 : i32 to index
    %get3A_585 = tpu.vector_load %arg6[%get3A_584] {strides = array<i32>} : memref<10240xi32, #tpu.memory_space<vmem>>, vector<16xi32>,
    %get3A_586 = vector.shape_cast %get3A_585 : vector<16xi32> to vector<16xi32>
    %shift_right_arithmetic3A_587 = arith.constant 0 : i32
    %shift_right_arithmetic3A_588 = vector.broadcast %shift_right_arithmetic3A_587 : i32 to vector<16xi32>
    %shift_right_arithmetic3A_589 = arith.shrsi %get3A_586, %shift_right_arithmetic3A_588 : vector<16xi32>
    %and3A_590 = arith.constant 16383 : i32
    %and3A_591 = vector.broadcast %and3A_590 : i32 to vector<16xi32>
    %and3A_592 = arith.andi %shift_right_arithmetic3A_589, %and3A_591 : vector<16xi32>
    %swap3A_593 = arith.constant 0 : i32
    %swap3A_594 = arith.index_cast %swap3A_593 : i32 to index
    %swap3A_595 = arith.constant 112 : index
    %swap3A_596 = tpu.vector_load %arg7[%swap3A_594, %swap3A_595] {strides = array<i32>} : memref<2x128xi32, #tpu.memory_space<vmem>>, vector<1x16xi32>,
    %swap3A_597 = vector.shape_cast %swap3A_596 : vector<1x16xi32> to vector<16xi32>
    %swap3A_598 = vector.shape_cast %and3A_592 : vector<16xi32> to vector<1x16xi32>
    tpu.vector_store %arg7[%swap3A_594, %swap3A_595], %swap3A_598 {strides = array<i32>} : memref<2x128xi32, #tpu.memory_space<vmem>>, vector<1x16xi32>,
    %dma_start3A_599 = arith.constant 0 : i32
    %dma_start3A_600 = arith.constant 0 : i32
    %dma_start3A_601 = tpu.memref_slice %arg7[%dma_start3A_599, %dma_start3A_600] : memref<2x128xi32, #tpu.memory_space<vmem>> -> memref<1x128xi32, #tpu.memory_space<vmem>>
    %dma_start3A_602 = tpu.memref_squeeze %dma_start3A_601 : memref<1x128xi32, #tpu.memory_space<vmem>> -> memref<128xi32, #tpu.memory_space<vmem>>
    %dma_start3A_603 = arith.constant 0 : i32
    %dma_start3A_604 = arith.constant 0 : i32
    %dma_start3A_605 = tpu.memref_slice %arg2[%dma_start3A_603, %dma_start3A_604] : memref<10000x128xf32, #tpu.memory_space<hbm>> -> memref<10000x128xf32, #tpu.memory_space<hbm>>
    tpu.enqueue_indirect_dma source(%dma_start3A_605 : memref<10000x128xf32, #tpu.memory_space<hbm>>) target(%arg9 : memref<128x128xf32, #tpu.memory_space<vmem>>) offsets(%dma_start3A_602 : memref<128xi32, #tpu.memory_space<vmem>>) semaphore(%arg12 : memref<!tpu.dma_semaphore, #tpu.memory_space<semaphore_mem>>)
    %dma_wait3A_606 = arith.constant 1 : i32
    %dma_wait3A_607 = arith.constant 0 : i32
    %dma_wait3A_608 = tpu.memref_slice %arg7[%dma_wait3A_606, %dma_wait3A_607] : memref<2x128xi32, #tpu.memory_space<vmem>> -> memref<1x128xi32, #tpu.memory_space<vmem>>
    %dma_wait3A_609 = tpu.memref_squeeze %dma_wait3A_608 : memref<1x128xi32, #tpu.memory_space<vmem>> -> memref<128xi32, #tpu.memory_space<vmem>>
    %dma_wait3A_610 = arith.constant 0 : i32
    %dma_wait3A_611 = arith.constant 0 : i32
    %dma_wait3A_612 = tpu.memref_slice %arg2[%dma_wait3A_610, %dma_wait3A_611] : memref<10000x128xf32, #tpu.memory_space<hbm>> -> memref<10000x128xf32, #tpu.memory_space<hbm>>
    tpu.wait_indirect_dma semaphore(%arg13 : memref<!tpu.dma_semaphore, #tpu.memory_space<semaphore_mem>>) src(%dma_wait3A_612 : memref<10000x128xf32, #tpu.memory_space<hbm>>) dst(%arg10 : memref<128x128xf32, #tpu.memory_space<vmem>>)
    %multiple_of3A_613 = arith.constant 128 : i32
    %multiple_of3A_614 = tpu.assume_multiple %multiple_of3A_613, 128 : i32
    %add3A_615 = arith.constant 0 : i32
    %add3A_616 = arith.addi %multiple_of3A_614, %add3A_615 : i32
    %get3A_617 = arith.index_cast %add3A_616 : i32 to index
    %get3A_618 = tpu.vector_load %arg6[%get3A_617] {strides = array<i32>} : memref<10240xi32, #tpu.memory_space<vmem>>, vector<16xi32>,
    %get3A_619 = vector.shape_cast %get3A_618 : vector<16xi32> to vector<16xi32>
    %shift_right_arithmetic3A_620 = arith.constant 14 : i32
    %shift_right_arithmetic3A_621 = vector.broadcast %shift_right_arithmetic3A_620 : i32 to vector<16xi32>
    %shift_right_arithmetic3A_622 = arith.shrsi %get3A_619, %shift_right_arithmetic3A_621 : vector<16xi32>
    %and3A_623 = arith.constant 65535 : i32
    %and3A_624 = vector.broadcast %and3A_623 : i32 to vector<16xi32>
    %and3A_625 = arith.andi %shift_right_arithmetic3A_622, %and3A_624 : vector<16xi32>
    %swap3A_626 = arith.constant 1 : i32
    %swap3A_627 = arith.index_cast %swap3A_626 : i32 to index
    %swap3A_628 = arith.constant 0 : index
    %swap3A_629 = tpu.vector_load %arg8[%swap3A_627, %swap3A_628] {strides = array<i32>} : memref<2x128xi32, #tpu.memory_space<vmem>>, vector<1x16xi32>,
    %swap3A_630 = vector.shape_cast %swap3A_629 : vector<1x16xi32> to vector<16xi32>
    %swap3A_631 = vector.shape_cast %and3A_625 : vector<16xi32> to vector<1x16xi32>
    tpu.vector_store %arg8[%swap3A_627, %swap3A_628], %swap3A_631 {strides = array<i32>} : memref<2x128xi32, #tpu.memory_space<vmem>>, vector<1x16xi32>,
    %add3A_632 = arith.constant 16 : i32
    %add3A_633 = arith.addi %multiple_of3A_614, %add3A_632 : i32
    %get3A_634 = arith.index_cast %add3A_633 : i32 to index
    %get3A_635 = tpu.vector_load %arg6[%get3A_634] {strides = array<i32>} : memref<10240xi32, #tpu.memory_space<vmem>>, vector<16xi32>,
    %get3A_636 = vector.shape_cast %get3A_635 : vector<16xi32> to vector<16xi32>
    %shift_right_arithmetic3A_637 = arith.constant 14 : i32
    %shift_right_arithmetic3A_638 = vector.broadcast %shift_right_arithmetic3A_637 : i32 to vector<16xi32>
    %shift_right_arithmetic3A_639 = arith.shrsi %get3A_636, %shift_right_arithmetic3A_638 : vector<16xi32>
    %and3A_640 = arith.constant 65535 : i32
    %and3A_641 = vector.broadcast %and3A_640 : i32 to vector<16xi32>
    %and3A_642 = arith.andi %shift_right_arithmetic3A_639, %and3A_641 : vector<16xi32>
    %swap3A_643 = arith.constant 1 : i32
    %swap3A_644 = arith.index_cast %swap3A_643 : i32 to index
    %swap3A_645 = arith.constant 16 : index
    %swap3A_646 = tpu.vector_load %arg8[%swap3A_644, %swap3A_645] {strides = array<i32>} : memref<2x128xi32, #tpu.memory_space<vmem>>, vector<1x16xi32>,
    %swap3A_647 = vector.shape_cast %swap3A_646 : vector<1x16xi32> to vector<16xi32>
    %swap3A_648 = vector.shape_cast %and3A_642 : vector<16xi32> to vector<1x16xi32>
    tpu.vector_store %arg8[%swap3A_644, %swap3A_645], %swap3A_648 {strides = array<i32>} : memref<2x128xi32, #tpu.memory_space<vmem>>, vector<1x16xi32>,
    %add3A_649 = arith.constant 32 : i32
    %add3A_650 = arith.addi %multiple_of3A_614, %add3A_649 : i32
    %get3A_651 = arith.index_cast %add3A_650 : i32 to index
    %get3A_652 = tpu.vector_load %arg6[%get3A_651] {strides = array<i32>} : memref<10240xi32, #tpu.memory_space<vmem>>, vector<16xi32>,
    %get3A_653 = vector.shape_cast %get3A_652 : vector<16xi32> to vector<16xi32>
    %shift_right_arithmetic3A_654 = arith.constant 14 : i32
    %shift_right_arithmetic3A_655 = vector.broadcast %shift_right_arithmetic3A_654 : i32 to vector<16xi32>
    %shift_right_arithmetic3A_656 = arith.shrsi %get3A_653, %shift_right_arithmetic3A_655 : vector<16xi32>
    %and3A_657 = arith.constant 65535 : i32
    %and3A_658 = vector.broadcast %and3A_657 : i32 to vector<16xi32>
    %and3A_659 = arith.andi %shift_right_arithmetic3A_656, %and3A_658 : vector<16xi32>
    %swap3A_660 = arith.constant 1 : i32
    %swap3A_661 = arith.index_cast %swap3A_660 : i32 to index
    %swap3A_662 = arith.constant 32 : index
    %swap3A_663 = tpu.vector_load %arg8[%swap3A_661, %swap3A_662] {strides = array<i32>} : memref<2x128xi32, #tpu.memory_space<vmem>>, vector<1x16xi32>,
    %swap3A_664 = vector.shape_cast %swap3A_663 : vector<1x16xi32> to vector<16xi32>
    %swap3A_665 = vector.shape_cast %and3A_659 : vector<16xi32> to vector<1x16xi32>
    tpu.vector_store %arg8[%swap3A_661, %swap3A_662], %swap3A_665 {strides = array<i32>} : memref<2x128xi32, #tpu.memory_space<vmem>>, vector<1x16xi32>,
    %add3A_666 = arith.constant 48 : i32
    %add3A_667 = arith.addi %multiple_of3A_614, %add3A_666 : i32
    %get3A_668 = arith.index_cast %add3A_667 : i32 to index
    %get3A_669 = tpu.vector_load %arg6[%get3A_668] {strides = array<i32>} : memref<10240xi32, #tpu.memory_space<vmem>>, vector<16xi32>,
    %get3A_670 = vector.shape_cast %get3A_669 : vector<16xi32> to vector<16xi32>
    %shift_right_arithmetic3A_671 = arith.constant 14 : i32
    %shift_right_arithmetic3A_672 = vector.broadcast %shift_right_arithmetic3A_671 : i32 to vector<16xi32>
    %shift_right_arithmetic3A_673 = arith.shrsi %get3A_670, %shift_right_arithmetic3A_672 : vector<16xi32>
    %and3A_674 = arith.constant 65535 : i32
    %and3A_675 = vector.broadcast %and3A_674 : i32 to vector<16xi32>
    %and3A_676 = arith.andi %shift_right_arithmetic3A_673, %and3A_675 : vector<16xi32>
    %swap3A_677 = arith.constant 1 : i32
    %swap3A_678 = arith.index_cast %swap3A_677 : i32 to index
    %swap3A_679 = arith.constant 48 : index
    %swap3A_680 = tpu.vector_load %arg8[%swap3A_678, %swap3A_679] {strides = array<i32>} : memref<2x128xi32, #tpu.memory_space<vmem>>, vector<1x16xi32>,
    %swap3A_681 = vector.shape_cast %swap3A_680 : vector<1x16xi32> to vector<16xi32>
    %swap3A_682 = vector.shape_cast %and3A_676 : vector<16xi32> to vector<1x16xi32>
    tpu.vector_store %arg8[%swap3A_678, %swap3A_679], %swap3A_682 {strides = array<i32>} : memref<2x128xi32, #tpu.memory_space<vmem>>, vector<1x16xi32>,
    %add3A_683 = arith.constant 64 : i32
    %add3A_684 = arith.addi %multiple_of3A_614, %add3A_683 : i32
    %get3A_685 = arith.index_cast %add3A_684 : i32 to index
    %get3A_686 = tpu.vector_load %arg6[%get3A_685] {strides = array<i32>} : memref<10240xi32, #tpu.memory_space<vmem>>, vector<16xi32>,
    %get3A_687 = vector.shape_cast %get3A_686 : vector<16xi32> to vector<16xi32>
    %shift_right_arithmetic3A_688 = arith.constant 14 : i32
    %shift_right_arithmetic3A_689 = vector.broadcast %shift_right_arithmetic3A_688 : i32 to vector<16xi32>
    %shift_right_arithmetic3A_690 = arith.shrsi %get3A_687, %shift_right_arithmetic3A_689 : vector<16xi32>
    %and3A_691 = arith.constant 65535 : i32
    %and3A_692 = vector.broadcast %and3A_691 : i32 to vector<16xi32>
    %and3A_693 = arith.andi %shift_right_arithmetic3A_690, %and3A_692 : vector<16xi32>
    %swap3A_694 = arith.constant 1 : i32
    %swap3A_695 = arith.index_cast %swap3A_694 : i32 to index
    %swap3A_696 = arith.constant 64 : index
    %swap3A_697 = tpu.vector_load %arg8[%swap3A_695, %swap3A_696] {strides = array<i32>} : memref<2x128xi32, #tpu.memory_space<vmem>>, vector<1x16xi32>,
    %swap3A_698 = vector.shape_cast %swap3A_697 : vector<1x16xi32> to vector<16xi32>
    %swap3A_699 = vector.shape_cast %and3A_693 : vector<16xi32> to vector<1x16xi32>
    tpu.vector_store %arg8[%swap3A_695, %swap3A_696], %swap3A_699 {strides = array<i32>} : memref<2x128xi32, #tpu.memory_space<vmem>>, vector<1x16xi32>,
    %add3A_700 = arith.constant 80 : i32
    %add3A_701 = arith.addi %multiple_of3A_614, %add3A_700 : i32
    %get3A_702 = arith.index_cast %add3A_701 : i32 to index
    %get3A_703 = tpu.vector_load %arg6[%get3A_702] {strides = array<i32>} : memref<10240xi32, #tpu.memory_space<vmem>>, vector<16xi32>,
    %get3A_704 = vector.shape_cast %get3A_703 : vector<16xi32> to vector<16xi32>
    %shift_right_arithmetic3A_705 = arith.constant 14 : i32
    %shift_right_arithmetic3A_706 = vector.broadcast %shift_right_arithmetic3A_705 : i32 to vector<16xi32>
    %shift_right_arithmetic3A_707 = arith.shrsi %get3A_704, %shift_right_arithmetic3A_706 : vector<16xi32>
    %and3A_708 = arith.constant 65535 : i32
    %and3A_709 = vector.broadcast %and3A_708 : i32 to vector<16xi32>
    %and3A_710 = arith.andi %shift_right_arithmetic3A_707, %and3A_709 : vector<16xi32>
    %swap3A_711 = arith.constant 1 : i32
    %swap3A_712 = arith.index_cast %swap3A_711 : i32 to index
    %swap3A_713 = arith.constant 80 : index
    %swap3A_714 = tpu.vector_load %arg8[%swap3A_712, %swap3A_713] {strides = array<i32>} : memref<2x128xi32, #tpu.memory_space<vmem>>, vector<1x16xi32>,
    %swap3A_715 = vector.shape_cast %swap3A_714 : vector<1x16xi32> to vector<16xi32>
    %swap3A_716 = vector.shape_cast %and3A_710 : vector<16xi32> to vector<1x16xi32>
    tpu.vector_store %arg8[%swap3A_712, %swap3A_713], %swap3A_716 {strides = array<i32>} : memref<2x128xi32, #tpu.memory_space<vmem>>, vector<1x16xi32>,
    %add3A_717 = arith.constant 96 : i32
    %add3A_718 = arith.addi %multiple_of3A_614, %add3A_717 : i32
    %get3A_719 = arith.index_cast %add3A_718 : i32 to index
    %get3A_720 = tpu.vector_load %arg6[%get3A_719] {strides = array<i32>} : memref<10240xi32, #tpu.memory_space<vmem>>, vector<16xi32>,
    %get3A_721 = vector.shape_cast %get3A_720 : vector<16xi32> to vector<16xi32>
    %shift_right_arithmetic3A_722 = arith.constant 14 : i32
    %shift_right_arithmetic3A_723 = vector.broadcast %shift_right_arithmetic3A_722 : i32 to vector<16xi32>
    %shift_right_arithmetic3A_724 = arith.shrsi %get3A_721, %shift_right_arithmetic3A_723 : vector<16xi32>
    %and3A_725 = arith.constant 65535 : i32
    %and3A_726 = vector.broadcast %and3A_725 : i32 to vector<16xi32>
    %and3A_727 = arith.andi %shift_right_arithmetic3A_724, %and3A_726 : vector<16xi32>
    %swap3A_728 = arith.constant 1 : i32
    %swap3A_729 = arith.index_cast %swap3A_728 : i32 to index
    %swap3A_730 = arith.constant 96 : index
    %swap3A_731 = tpu.vector_load %arg8[%swap3A_729, %swap3A_730] {strides = array<i32>} : memref<2x128xi32, #tpu.memory_space<vmem>>, vector<1x16xi32>,
    %swap3A_732 = vector.shape_cast %swap3A_731 : vector<1x16xi32> to vector<16xi32>
    %swap3A_733 = vector.shape_cast %and3A_727 : vector<16xi32> to vector<1x16xi32>
    tpu.vector_store %arg8[%swap3A_729, %swap3A_730], %swap3A_733 {strides = array<i32>} : memref<2x128xi32, #tpu.memory_space<vmem>>, vector<1x16xi32>,
    %add3A_734 = arith.constant 112 : i32
    %add3A_735 = arith.addi %multiple_of3A_614, %add3A_734 : i32
    %get3A_736 = arith.index_cast %add3A_735 : i32 to index
    %get3A_737 = tpu.vector_load %arg6[%get3A_736] {strides = array<i32>} : memref<10240xi32, #tpu.memory_space<vmem>>, vector<16xi32>,
    %get3A_738 = vector.shape_cast %get3A_737 : vector<16xi32> to vector<16xi32>
    %shift_right_arithmetic3A_739 = arith.constant 14 : i32
    %shift_right_arithmetic3A_740 = vector.broadcast %shift_right_arithmetic3A_739 : i32 to vector<16xi32>
    %shift_right_arithmetic3A_741 = arith.shrsi %get3A_738, %shift_right_arithmetic3A_740 : vector<16xi32>
    %and3A_742 = arith.constant 65535 : i32
    %and3A_743 = vector.broadcast %and3A_742 : i32 to vector<16xi32>
    %and3A_744 = arith.andi %shift_right_arithmetic3A_741, %and3A_743 : vector<16xi32>
    %swap3A_745 = arith.constant 1 : i32
    %swap3A_746 = arith.index_cast %swap3A_745 : i32 to index
    %swap3A_747 = arith.constant 112 : index
    %swap3A_748 = tpu.vector_load %arg8[%swap3A_746, %swap3A_747] {strides = array<i32>} : memref<2x128xi32, #tpu.memory_space<vmem>>, vector<1x16xi32>,
    %swap3A_749 = vector.shape_cast %swap3A_748 : vector<1x16xi32> to vector<16xi32>
    %swap3A_750 = vector.shape_cast %and3A_744 : vector<16xi32> to vector<1x16xi32>
    tpu.vector_store %arg8[%swap3A_746, %swap3A_747], %swap3A_750 {strides = array<i32>} : memref<2x128xi32, #tpu.memory_space<vmem>>, vector<1x16xi32>,
    %dma_start3A_751 = arith.constant 1 : i32
    %dma_start3A_752 = arith.constant 0 : i32
    %dma_start3A_753 = tpu.memref_slice %arg8[%dma_start3A_751, %dma_start3A_752] : memref<2x128xi32, #tpu.memory_space<vmem>> -> memref<1x128xi32, #tpu.memory_space<vmem>>
    %dma_start3A_754 = tpu.memref_squeeze %dma_start3A_753 : memref<1x128xi32, #tpu.memory_space<vmem>> -> memref<128xi32, #tpu.memory_space<vmem>>
    %dma_start3A_755 = arith.constant 0 : i32
    %dma_start3A_756 = arith.constant 0 : i32
    %dma_start3A_757 = tpu.memref_slice %arg11[%dma_start3A_755, %dma_start3A_756] : memref<10112x128xf32, #tpu.memory_space<vmem_shared>> -> memref<10112x128xf32, #tpu.memory_space<vmem_shared>>
    tpu.enqueue_indirect_dma source(%arg10 : memref<128x128xf32, #tpu.memory_space<vmem>>) target(%dma_start3A_757 : memref<10112x128xf32, #tpu.memory_space<vmem_shared>>) offsets(%dma_start3A_754 : memref<128xi32, #tpu.memory_space<vmem>>) semaphore(%arg15 : memref<!tpu.dma_semaphore, #tpu.memory_space<semaphore_mem>>) {add = true}
    %jit3A = arith.constant 2 : i32
    %div3A = arith.divsi %select_n3A_2, %jit3A : i32
    %sign3A = arith.constant 0 : i32
    %sign3A_758 = arith.cmpi sgt, %select_n3A_2, %sign3A : i32
    %sign3A_759 = arith.extui %sign3A_758 : i1 to i32
    %sign3A_760 = arith.constant 0 : i32
    %sign3A_761 = arith.cmpi slt, %select_n3A_2, %sign3A_760 : i32
    %sign3A_762 = arith.extui %sign3A_761 : i1 to i32
    %sign3A_763 = arith.subi %sign3A_759, %sign3A_762 : i32
    %sign3A_764 = arith.constant 0 : i32
    %sign3A_765 = arith.cmpi sgt, %jit3A, %sign3A_764 : i32
    %sign3A_766 = arith.extui %sign3A_765 : i1 to i32
    %sign3A_767 = arith.constant 0 : i32
    %sign3A_768 = arith.cmpi slt, %jit3A, %sign3A_767 : i32
    %sign3A_769 = arith.extui %sign3A_768 : i1 to i32
    %sign3A_770 = arith.subi %sign3A_766, %sign3A_769 : i32
    %ne3A = arith.cmpi ne, %sign3A_763, %sign3A_770 : i32
    %rem3A = arith.remsi %select_n3A_2, %jit3A : i32
    %ne3A_771 = arith.constant 0 : i32
    %ne3A_772 = arith.cmpi ne, %rem3A, %ne3A_771 : i32
    %and3A_773 = arith.andi %ne3A, %ne3A_772 : i1
    %sub3A = arith.constant 1 : i32
    %sub3A_774 = arith.subi %div3A, %sub3A : i32
    %select_n3A_775 = arith.select %and3A_773, %sub3A_774, %div3A : i32
    %sub3A_776 = arith.constant 1 : i32
    %sub3A_777 = arith.subi %select_n3A_775, %sub3A_776 : i32
    %while3A = arith.constant 0 : i32
    %while3A_778 = arith.constant 1 : i32
    %while3A_779 = arith.subi %sub3A_777, %while3A_778 : i32
    %while3A_780 = arith.addi %while3A_778, %while3A_779 : i32
    %while3A_781 = arith.constant 1 : i32
    %while3A_782 = arith.divsi %while3A_779, %while3A_781 : i32
    %while3A_783 = arith.muli %while3A_782, %while3A_781 : i32
    %while3A_784 = arith.addi %while3A_778, %while3A_783 : i32
    %while3A_785 = arith.constant 1 : i32
    scf.for %while3A_1267 = %while3A_778 to %while3A_784 step %while3A_785  : i32 {
      %mul3A_1268 = arith.constant 2 : i32
      %mul3A_1269 = arith.muli %mul3A_1268, %while3A_1267 : i32
      %dma_wait3A_1270 = arith.constant 1 : i32
      %dma_wait3A_1271 = arith.constant 0 : i32
      %dma_wait3A_1272 = tpu.memref_slice %arg8[%dma_wait3A_1270, %dma_wait3A_1271] : memref<2x128xi32, #tpu.memory_space<vmem>> -> memref<1x128xi32, #tpu.memory_space<vmem>>
      %dma_wait3A_1273 = tpu.memref_squeeze %dma_wait3A_1272 : memref<1x128xi32, #tpu.memory_space<vmem>> -> memref<128xi32, #tpu.memory_space<vmem>>
      %dma_wait3A_1274 = arith.constant 0 : i32
      %dma_wait3A_1275 = arith.constant 0 : i32
      %dma_wait3A_1276 = tpu.memref_slice %arg11[%dma_wait3A_1274, %dma_wait3A_1275] : memref<10112x128xf32, #tpu.memory_space<vmem_shared>> -> memref<10112x128xf32, #tpu.memory_space<vmem_shared>>
      tpu.wait_indirect_dma semaphore(%arg15 : memref<!tpu.dma_semaphore, #tpu.memory_space<semaphore_mem>>) src(%arg10 : memref<128x128xf32, #tpu.memory_space<vmem>>) dst(%dma_wait3A_1276 : memref<10112x128xf32, #tpu.memory_space<vmem_shared>>)
      %add3A_1277 = arith.constant 1 : i32
      %add3A_1278 = arith.addi %mul3A_1269, %add3A_1277 : i32
      %mul3A_1279 = arith.constant 128 : i32
      %mul3A_1280 = arith.muli %add3A_1278, %mul3A_1279 : i32
      %multiple_of3A_1281 = tpu.assume_multiple %mul3A_1280, 128 : i32
      %add3A_1282 = arith.constant 0 : i32
      %add3A_1283 = arith.addi %multiple_of3A_1281, %add3A_1282 : i32
      %get3A_1284 = arith.index_cast %add3A_1283 : i32 to index
      %get3A_1285 = tpu.vector_load %arg6[%get3A_1284] {strides = array<i32>} : memref<10240xi32, #tpu.memory_space<vmem>>, vector<16xi32>,
      %get3A_1286 = vector.shape_cast %get3A_1285 : vector<16xi32> to vector<16xi32>
      %shift_right_arithmetic3A_1287 = arith.constant 0 : i32
      %shift_right_arithmetic3A_1288 = vector.broadcast %shift_right_arithmetic3A_1287 : i32 to vector<16xi32>
      %shift_right_arithmetic3A_1289 = arith.shrsi %get3A_1286, %shift_right_arithmetic3A_1288 : vector<16xi32>
      %and3A_1290 = arith.constant 16383 : i32
      %and3A_1291 = vector.broadcast %and3A_1290 : i32 to vector<16xi32>
      %and3A_1292 = arith.andi %shift_right_arithmetic3A_1289, %and3A_1291 : vector<16xi32>
      %swap3A_1293 = arith.constant 1 : i32
      %swap3A_1294 = arith.index_cast %swap3A_1293 : i32 to index
      %swap3A_1295 = arith.constant 0 : index
      %swap3A_1296 = tpu.vector_load %arg7[%swap3A_1294, %swap3A_1295] {strides = array<i32>} : memref<2x128xi32, #tpu.memory_space<vmem>>, vector<1x16xi32>,
      %swap3A_1297 = vector.shape_cast %swap3A_1296 : vector<1x16xi32> to vector<16xi32>
      %swap3A_1298 = vector.shape_cast %and3A_1292 : vector<16xi32> to vector<1x16xi32>
      tpu.vector_store %arg7[%swap3A_1294, %swap3A_1295], %swap3A_1298 {strides = array<i32>} : memref<2x128xi32, #tpu.memory_space<vmem>>, vector<1x16xi32>,
      %add3A_1299 = arith.constant 16 : i32
      %add3A_1300 = arith.addi %multiple_of3A_1281, %add3A_1299 : i32
      %get3A_1301 = arith.index_cast %add3A_1300 : i32 to index
      %get3A_1302 = tpu.vector_load %arg6[%get3A_1301] {strides = array<i32>} : memref<10240xi32, #tpu.memory_space<vmem>>, vector<16xi32>,
      %get3A_1303 = vector.shape_cast %get3A_1302 : vector<16xi32> to vector<16xi32>
      %shift_right_arithmetic3A_1304 = arith.constant 0 : i32
      %shift_right_arithmetic3A_1305 = vector.broadcast %shift_right_arithmetic3A_1304 : i32 to vector<16xi32>
      %shift_right_arithmetic3A_1306 = arith.shrsi %get3A_1303, %shift_right_arithmetic3A_1305 : vector<16xi32>
      %and3A_1307 = arith.constant 16383 : i32
      %and3A_1308 = vector.broadcast %and3A_1307 : i32 to vector<16xi32>
      %and3A_1309 = arith.andi %shift_right_arithmetic3A_1306, %and3A_1308 : vector<16xi32>
      %swap3A_1310 = arith.constant 1 : i32
      %swap3A_1311 = arith.index_cast %swap3A_1310 : i32 to index
      %swap3A_1312 = arith.constant 16 : index
      %swap3A_1313 = tpu.vector_load %arg7[%swap3A_1311, %swap3A_1312] {strides = array<i32>} : memref<2x128xi32, #tpu.memory_space<vmem>>, vector<1x16xi32>,
      %swap3A_1314 = vector.shape_cast %swap3A_1313 : vector<1x16xi32> to vector<16xi32>
      %swap3A_1315 = vector.shape_cast %and3A_1309 : vector<16xi32> to vector<1x16xi32>
      tpu.vector_store %arg7[%swap3A_1311, %swap3A_1312], %swap3A_1315 {strides = array<i32>} : memref<2x128xi32, #tpu.memory_space<vmem>>, vector<1x16xi32>,
      %add3A_1316 = arith.constant 32 : i32
      %add3A_1317 = arith.addi %multiple_of3A_1281, %add3A_1316 : i32
      %get3A_1318 = arith.index_cast %add3A_1317 : i32 to index
      %get3A_1319 = tpu.vector_load %arg6[%get3A_1318] {strides = array<i32>} : memref<10240xi32, #tpu.memory_space<vmem>>, vector<16xi32>,
      %get3A_1320 = vector.shape_cast %get3A_1319 : vector<16xi32> to vector<16xi32>
      %shift_right_arithmetic3A_1321 = arith.constant 0 : i32
      %shift_right_arithmetic3A_1322 = vector.broadcast %shift_right_arithmetic3A_1321 : i32 to vector<16xi32>
      %shift_right_arithmetic3A_1323 = arith.shrsi %get3A_1320, %shift_right_arithmetic3A_1322 : vector<16xi32>
      %and3A_1324 = arith.constant 16383 : i32
      %and3A_1325 = vector.broadcast %and3A_1324 : i32 to vector<16xi32>
      %and3A_1326 = arith.andi %shift_right_arithmetic3A_1323, %and3A_1325 : vector<16xi32>
      %swap3A_1327 = arith.constant 1 : i32
      %swap3A_1328 = arith.index_cast %swap3A_1327 : i32 to index
      %swap3A_1329 = arith.constant 32 : index
      %swap3A_1330 = tpu.vector_load %arg7[%swap3A_1328, %swap3A_1329] {strides = array<i32>} : memref<2x128xi32, #tpu.memory_space<vmem>>, vector<1x16xi32>,
      %swap3A_1331 = vector.shape_cast %swap3A_1330 : vector<1x16xi32> to vector<16xi32>
      %swap3A_1332 = vector.shape_cast %and3A_1326 : vector<16xi32> to vector<1x16xi32>
      tpu.vector_store %arg7[%swap3A_1328, %swap3A_1329], %swap3A_1332 {strides = array<i32>} : memref<2x128xi32, #tpu.memory_space<vmem>>, vector<1x16xi32>,
      %add3A_1333 = arith.constant 48 : i32
      %add3A_1334 = arith.addi %multiple_of3A_1281, %add3A_1333 : i32
      %get3A_1335 = arith.index_cast %add3A_1334 : i32 to index
      %get3A_1336 = tpu.vector_load %arg6[%get3A_1335] {strides = array<i32>} : memref<10240xi32, #tpu.memory_space<vmem>>, vector<16xi32>,
      %get3A_1337 = vector.shape_cast %get3A_1336 : vector<16xi32> to vector<16xi32>
      %shift_right_arithmetic3A_1338 = arith.constant 0 : i32
      %shift_right_arithmetic3A_1339 = vector.broadcast %shift_right_arithmetic3A_1338 : i32 to vector<16xi32>
      %shift_right_arithmetic3A_1340 = arith.shrsi %get3A_1337, %shift_right_arithmetic3A_1339 : vector<16xi32>
      %and3A_1341 = arith.constant 16383 : i32
      %and3A_1342 = vector.broadcast %and3A_1341 : i32 to vector<16xi32>
      %and3A_1343 = arith.andi %shift_right_arithmetic3A_1340, %and3A_1342 : vector<16xi32>
      %swap3A_1344 = arith.constant 1 : i32
      %swap3A_1345 = arith.index_cast %swap3A_1344 : i32 to index
      %swap3A_1346 = arith.constant 48 : index
      %swap3A_1347 = tpu.vector_load %arg7[%swap3A_1345, %swap3A_1346] {strides = array<i32>} : memref<2x128xi32, #tpu.memory_space<vmem>>, vector<1x16xi32>,
      %swap3A_1348 = vector.shape_cast %swap3A_1347 : vector<1x16xi32> to vector<16xi32>
      %swap3A_1349 = vector.shape_cast %and3A_1343 : vector<16xi32> to vector<1x16xi32>
      tpu.vector_store %arg7[%swap3A_1345, %swap3A_1346], %swap3A_1349 {strides = array<i32>} : memref<2x128xi32, #tpu.memory_space<vmem>>, vector<1x16xi32>,
      %add3A_1350 = arith.constant 64 : i32
      %add3A_1351 = arith.addi %multiple_of3A_1281, %add3A_1350 : i32
      %get3A_1352 = arith.index_cast %add3A_1351 : i32 to index
      %get3A_1353 = tpu.vector_load %arg6[%get3A_1352] {strides = array<i32>} : memref<10240xi32, #tpu.memory_space<vmem>>, vector<16xi32>,
      %get3A_1354 = vector.shape_cast %get3A_1353 : vector<16xi32> to vector<16xi32>
      %shift_right_arithmetic3A_1355 = arith.constant 0 : i32
      %shift_right_arithmetic3A_1356 = vector.broadcast %shift_right_arithmetic3A_1355 : i32 to vector<16xi32>
      %shift_right_arithmetic3A_1357 = arith.shrsi %get3A_1354, %shift_right_arithmetic3A_1356 : vector<16xi32>
      %and3A_1358 = arith.constant 16383 : i32
      %and3A_1359 = vector.broadcast %and3A_1358 : i32 to vector<16xi32>
      %and3A_1360 = arith.andi %shift_right_arithmetic3A_1357, %and3A_1359 : vector<16xi32>
      %swap3A_1361 = arith.constant 1 : i32
      %swap3A_1362 = arith.index_cast %swap3A_1361 : i32 to index
      %swap3A_1363 = arith.constant 64 : index
      %swap3A_1364 = tpu.vector_load %arg7[%swap3A_1362, %swap3A_1363] {strides = array<i32>} : memref<2x128xi32, #tpu.memory_space<vmem>>, vector<1x16xi32>,
      %swap3A_1365 = vector.shape_cast %swap3A_1364 : vector<1x16xi32> to vector<16xi32>
      %swap3A_1366 = vector.shape_cast %and3A_1360 : vector<16xi32> to vector<1x16xi32>
      tpu.vector_store %arg7[%swap3A_1362, %swap3A_1363], %swap3A_1366 {strides = array<i32>} : memref<2x128xi32, #tpu.memory_space<vmem>>, vector<1x16xi32>,
      %add3A_1367 = arith.constant 80 : i32
      %add3A_1368 = arith.addi %multiple_of3A_1281, %add3A_1367 : i32
      %get3A_1369 = arith.index_cast %add3A_1368 : i32 to index
      %get3A_1370 = tpu.vector_load %arg6[%get3A_1369] {strides = array<i32>} : memref<10240xi32, #tpu.memory_space<vmem>>, vector<16xi32>,
      %get3A_1371 = vector.shape_cast %get3A_1370 : vector<16xi32> to vector<16xi32>
      %shift_right_arithmetic3A_1372 = arith.constant 0 : i32
      %shift_right_arithmetic3A_1373 = vector.broadcast %shift_right_arithmetic3A_1372 : i32 to vector<16xi32>
      %shift_right_arithmetic3A_1374 = arith.shrsi %get3A_1371, %shift_right_arithmetic3A_1373 : vector<16xi32>
      %and3A_1375 = arith.constant 16383 : i32
      %and3A_1376 = vector.broadcast %and3A_1375 : i32 to vector<16xi32>
      %and3A_1377 = arith.andi %shift_right_arithmetic3A_1374, %and3A_1376 : vector<16xi32>
      %swap3A_1378 = arith.constant 1 : i32
      %swap3A_1379 = arith.index_cast %swap3A_1378 : i32 to index
      %swap3A_1380 = arith.constant 80 : index
      %swap3A_1381 = tpu.vector_load %arg7[%swap3A_1379, %swap3A_1380] {strides = array<i32>} : memref<2x128xi32, #tpu.memory_space<vmem>>, vector<1x16xi32>,
      %swap3A_1382 = vector.shape_cast %swap3A_1381 : vector<1x16xi32> to vector<16xi32>
      %swap3A_1383 = vector.shape_cast %and3A_1377 : vector<16xi32> to vector<1x16xi32>
      tpu.vector_store %arg7[%swap3A_1379, %swap3A_1380], %swap3A_1383 {strides = array<i32>} : memref<2x128xi32, #tpu.memory_space<vmem>>, vector<1x16xi32>,
      %add3A_1384 = arith.constant 96 : i32
      %add3A_1385 = arith.addi %multiple_of3A_1281, %add3A_1384 : i32
      %get3A_1386 = arith.index_cast %add3A_1385 : i32 to index
      %get3A_1387 = tpu.vector_load %arg6[%get3A_1386] {strides = array<i32>} : memref<10240xi32, #tpu.memory_space<vmem>>, vector<16xi32>,
      %get3A_1388 = vector.shape_cast %get3A_1387 : vector<16xi32> to vector<16xi32>
      %shift_right_arithmetic3A_1389 = arith.constant 0 : i32
      %shift_right_arithmetic3A_1390 = vector.broadcast %shift_right_arithmetic3A_1389 : i32 to vector<16xi32>
      %shift_right_arithmetic3A_1391 = arith.shrsi %get3A_1388, %shift_right_arithmetic3A_1390 : vector<16xi32>
      %and3A_1392 = arith.constant 16383 : i32
      %and3A_1393 = vector.broadcast %and3A_1392 : i32 to vector<16xi32>
      %and3A_1394 = arith.andi %shift_right_arithmetic3A_1391, %and3A_1393 : vector<16xi32>
      %swap3A_1395 = arith.constant 1 : i32
      %swap3A_1396 = arith.index_cast %swap3A_1395 : i32 to index
      %swap3A_1397 = arith.constant 96 : index
      %swap3A_1398 = tpu.vector_load %arg7[%swap3A_1396, %swap3A_1397] {strides = array<i32>} : memref<2x128xi32, #tpu.memory_space<vmem>>, vector<1x16xi32>,
      %swap3A_1399 = vector.shape_cast %swap3A_1398 : vector<1x16xi32> to vector<16xi32>
      %swap3A_1400 = vector.shape_cast %and3A_1394 : vector<16xi32> to vector<1x16xi32>
      tpu.vector_store %arg7[%swap3A_1396, %swap3A_1397], %swap3A_1400 {strides = array<i32>} : memref<2x128xi32, #tpu.memory_space<vmem>>, vector<1x16xi32>,
      %add3A_1401 = arith.constant 112 : i32
      %add3A_1402 = arith.addi %multiple_of3A_1281, %add3A_1401 : i32
      %get3A_1403 = arith.index_cast %add3A_1402 : i32 to index
      %get3A_1404 = tpu.vector_load %arg6[%get3A_1403] {strides = array<i32>} : memref<10240xi32, #tpu.memory_space<vmem>>, vector<16xi32>,
      %get3A_1405 = vector.shape_cast %get3A_1404 : vector<16xi32> to vector<16xi32>
      %shift_right_arithmetic3A_1406 = arith.constant 0 : i32
      %shift_right_arithmetic3A_1407 = vector.broadcast %shift_right_arithmetic3A_1406 : i32 to vector<16xi32>
      %shift_right_arithmetic3A_1408 = arith.shrsi %get3A_1405, %shift_right_arithmetic3A_1407 : vector<16xi32>
      %and3A_1409 = arith.constant 16383 : i32
      %and3A_1410 = vector.broadcast %and3A_1409 : i32 to vector<16xi32>
      %and3A_1411 = arith.andi %shift_right_arithmetic3A_1408, %and3A_1410 : vector<16xi32>
      %swap3A_1412 = arith.constant 1 : i32
      %swap3A_1413 = arith.index_cast %swap3A_1412 : i32 to index
      %swap3A_1414 = arith.constant 112 : index
      %swap3A_1415 = tpu.vector_load %arg7[%swap3A_1413, %swap3A_1414] {strides = array<i32>} : memref<2x128xi32, #tpu.memory_space<vmem>>, vector<1x16xi32>,
      %swap3A_1416 = vector.shape_cast %swap3A_1415 : vector<1x16xi32> to vector<16xi32>
      %swap3A_1417 = vector.shape_cast %and3A_1411 : vector<16xi32> to vector<1x16xi32>
      tpu.vector_store %arg7[%swap3A_1413, %swap3A_1414], %swap3A_1417 {strides = array<i32>} : memref<2x128xi32, #tpu.memory_space<vmem>>, vector<1x16xi32>,
      %dma_start3A_1418 = arith.constant 1 : i32
      %dma_start3A_1419 = arith.constant 0 : i32
      %dma_start3A_1420 = tpu.memref_slice %arg7[%dma_start3A_1418, %dma_start3A_1419] : memref<2x128xi32, #tpu.memory_space<vmem>> -> memref<1x128xi32, #tpu.memory_space<vmem>>
      %dma_start3A_1421 = tpu.memref_squeeze %dma_start3A_1420 : memref<1x128xi32, #tpu.memory_space<vmem>> -> memref<128xi32, #tpu.memory_space<vmem>>
      %dma_start3A_1422 = arith.constant 0 : i32
      %dma_start3A_1423 = arith.constant 0 : i32
      %dma_start3A_1424 = tpu.memref_slice %arg2[%dma_start3A_1422, %dma_start3A_1423] : memref<10000x128xf32, #tpu.memory_space<hbm>> -> memref<10000x128xf32, #tpu.memory_space<hbm>>
      tpu.enqueue_indirect_dma source(%dma_start3A_1424 : memref<10000x128xf32, #tpu.memory_space<hbm>>) target(%arg10 : memref<128x128xf32, #tpu.memory_space<vmem>>) offsets(%dma_start3A_1421 : memref<128xi32, #tpu.memory_space<vmem>>) semaphore(%arg13 : memref<!tpu.dma_semaphore, #tpu.memory_space<semaphore_mem>>)
      %dma_wait3A_1425 = arith.constant 0 : i32
      %dma_wait3A_1426 = arith.constant 0 : i32
      %dma_wait3A_1427 = tpu.memref_slice %arg7[%dma_wait3A_1425, %dma_wait3A_1426] : memref<2x128xi32, #tpu.memory_space<vmem>> -> memref<1x128xi32, #tpu.memory_space<vmem>>
      %dma_wait3A_1428 = tpu.memref_squeeze %dma_wait3A_1427 : memref<1x128xi32, #tpu.memory_space<vmem>> -> memref<128xi32, #tpu.memory_space<vmem>>
      %dma_wait3A_1429 = arith.constant 0 : i32
      %dma_wait3A_1430 = arith.constant 0 : i32
      %dma_wait3A_1431 = tpu.memref_slice %arg2[%dma_wait3A_1429, %dma_wait3A_1430] : memref<10000x128xf32, #tpu.memory_space<hbm>> -> memref<10000x128xf32, #tpu.memory_space<hbm>>
      tpu.wait_indirect_dma semaphore(%arg12 : memref<!tpu.dma_semaphore, #tpu.memory_space<semaphore_mem>>) src(%dma_wait3A_1431 : memref<10000x128xf32, #tpu.memory_space<hbm>>) dst(%arg9 : memref<128x128xf32, #tpu.memory_space<vmem>>)
      %mul3A_1432 = arith.constant 128 : i32
      %mul3A_1433 = arith.muli %mul3A_1269, %mul3A_1432 : i32
      %multiple_of3A_1434 = tpu.assume_multiple %mul3A_1433, 128 : i32
      %add3A_1435 = arith.constant 0 : i32
      %add3A_1436 = arith.addi %multiple_of3A_1434, %add3A_1435 : i32
      %get3A_1437 = arith.index_cast %add3A_1436 : i32 to index
      %get3A_1438 = tpu.vector_load %arg6[%get3A_1437] {strides = array<i32>} : memref<10240xi32, #tpu.memory_space<vmem>>, vector<16xi32>,
      %get3A_1439 = vector.shape_cast %get3A_1438 : vector<16xi32> to vector<16xi32>
      %shift_right_arithmetic3A_1440 = arith.constant 14 : i32
      %shift_right_arithmetic3A_1441 = vector.broadcast %shift_right_arithmetic3A_1440 : i32 to vector<16xi32>
      %shift_right_arithmetic3A_1442 = arith.shrsi %get3A_1439, %shift_right_arithmetic3A_1441 : vector<16xi32>
      %and3A_1443 = arith.constant 65535 : i32
      %and3A_1444 = vector.broadcast %and3A_1443 : i32 to vector<16xi32>
      %and3A_1445 = arith.andi %shift_right_arithmetic3A_1442, %and3A_1444 : vector<16xi32>
      %swap3A_1446 = arith.constant 0 : i32
      %swap3A_1447 = arith.index_cast %swap3A_1446 : i32 to index
      %swap3A_1448 = arith.constant 0 : index
      %swap3A_1449 = tpu.vector_load %arg8[%swap3A_1447, %swap3A_1448] {strides = array<i32>} : memref<2x128xi32, #tpu.memory_space<vmem>>, vector<1x16xi32>,
      %swap3A_1450 = vector.shape_cast %swap3A_1449 : vector<1x16xi32> to vector<16xi32>
      %swap3A_1451 = vector.shape_cast %and3A_1445 : vector<16xi32> to vector<1x16xi32>
      tpu.vector_store %arg8[%swap3A_1447, %swap3A_1448], %swap3A_1451 {strides = array<i32>} : memref<2x128xi32, #tpu.memory_space<vmem>>, vector<1x16xi32>,
      %add3A_1452 = arith.constant 16 : i32
      %add3A_1453 = arith.addi %multiple_of3A_1434, %add3A_1452 : i32
      %get3A_1454 = arith.index_cast %add3A_1453 : i32 to index
      %get3A_1455 = tpu.vector_load %arg6[%get3A_1454] {strides = array<i32>} : memref<10240xi32, #tpu.memory_space<vmem>>, vector<16xi32>,
      %get3A_1456 = vector.shape_cast %get3A_1455 : vector<16xi32> to vector<16xi32>
      %shift_right_arithmetic3A_1457 = arith.constant 14 : i32
      %shift_right_arithmetic3A_1458 = vector.broadcast %shift_right_arithmetic3A_1457 : i32 to vector<16xi32>
      %shift_right_arithmetic3A_1459 = arith.shrsi %get3A_1456, %shift_right_arithmetic3A_1458 : vector<16xi32>
      %and3A_1460 = arith.constant 65535 : i32
      %and3A_1461 = vector.broadcast %and3A_1460 : i32 to vector<16xi32>
      %and3A_1462 = arith.andi %shift_right_arithmetic3A_1459, %and3A_1461 : vector<16xi32>
      %swap3A_1463 = arith.constant 0 : i32
      %swap3A_1464 = arith.index_cast %swap3A_1463 : i32 to index
      %swap3A_1465 = arith.constant 16 : index
      %swap3A_1466 = tpu.vector_load %arg8[%swap3A_1464, %swap3A_1465] {strides = array<i32>} : memref<2x128xi32, #tpu.memory_space<vmem>>, vector<1x16xi32>,
      %swap3A_1467 = vector.shape_cast %swap3A_1466 : vector<1x16xi32> to vector<16xi32>
      %swap3A_1468 = vector.shape_cast %and3A_1462 : vector<16xi32> to vector<1x16xi32>
      tpu.vector_store %arg8[%swap3A_1464, %swap3A_1465], %swap3A_1468 {strides = array<i32>} : memref<2x128xi32, #tpu.memory_space<vmem>>, vector<1x16xi32>,
      %add3A_1469 = arith.constant 32 : i32
      %add3A_1470 = arith.addi %multiple_of3A_1434, %add3A_1469 : i32
      %get3A_1471 = arith.index_cast %add3A_1470 : i32 to index
      %get3A_1472 = tpu.vector_load %arg6[%get3A_1471] {strides = array<i32>} : memref<10240xi32, #tpu.memory_space<vmem>>, vector<16xi32>,
      %get3A_1473 = vector.shape_cast %get3A_1472 : vector<16xi32> to vector<16xi32>
      %shift_right_arithmetic3A_1474 = arith.constant 14 : i32
      %shift_right_arithmetic3A_1475 = vector.broadcast %shift_right_arithmetic3A_1474 : i32 to vector<16xi32>
      %shift_right_arithmetic3A_1476 = arith.shrsi %get3A_1473, %shift_right_arithmetic3A_1475 : vector<16xi32>
      %and3A_1477 = arith.constant 65535 : i32
      %and3A_1478 = vector.broadcast %and3A_1477 : i32 to vector<16xi32>
      %and3A_1479 = arith.andi %shift_right_arithmetic3A_1476, %and3A_1478 : vector<16xi32>
      %swap3A_1480 = arith.constant 0 : i32
      %swap3A_1481 = arith.index_cast %swap3A_1480 : i32 to index
      %swap3A_1482 = arith.constant 32 : index
      %swap3A_1483 = tpu.vector_load %arg8[%swap3A_1481, %swap3A_1482] {strides = array<i32>} : memref<2x128xi32, #tpu.memory_space<vmem>>, vector<1x16xi32>,
      %swap3A_1484 = vector.shape_cast %swap3A_1483 : vector<1x16xi32> to vector<16xi32>
      %swap3A_1485 = vector.shape_cast %and3A_1479 : vector<16xi32> to vector<1x16xi32>
      tpu.vector_store %arg8[%swap3A_1481, %swap3A_1482], %swap3A_1485 {strides = array<i32>} : memref<2x128xi32, #tpu.memory_space<vmem>>, vector<1x16xi32>,
      %add3A_1486 = arith.constant 48 : i32
      %add3A_1487 = arith.addi %multiple_of3A_1434, %add3A_1486 : i32
      %get3A_1488 = arith.index_cast %add3A_1487 : i32 to index
      %get3A_1489 = tpu.vector_load %arg6[%get3A_1488] {strides = array<i32>} : memref<10240xi32, #tpu.memory_space<vmem>>, vector<16xi32>,
      %get3A_1490 = vector.shape_cast %get3A_1489 : vector<16xi32> to vector<16xi32>
      %shift_right_arithmetic3A_1491 = arith.constant 14 : i32
      %shift_right_arithmetic3A_1492 = vector.broadcast %shift_right_arithmetic3A_1491 : i32 to vector<16xi32>
      %shift_right_arithmetic3A_1493 = arith.shrsi %get3A_1490, %shift_right_arithmetic3A_1492 : vector<16xi32>
      %and3A_1494 = arith.constant 65535 : i32
      %and3A_1495 = vector.broadcast %and3A_1494 : i32 to vector<16xi32>
      %and3A_1496 = arith.andi %shift_right_arithmetic3A_1493, %and3A_1495 : vector<16xi32>
      %swap3A_1497 = arith.constant 0 : i32
      %swap3A_1498 = arith.index_cast %swap3A_1497 : i32 to index
      %swap3A_1499 = arith.constant 48 : index
      %swap3A_1500 = tpu.vector_load %arg8[%swap3A_1498, %swap3A_1499] {strides = array<i32>} : memref<2x128xi32, #tpu.memory_space<vmem>>, vector<1x16xi32>,
      %swap3A_1501 = vector.shape_cast %swap3A_1500 : vector<1x16xi32> to vector<16xi32>
      %swap3A_1502 = vector.shape_cast %and3A_1496 : vector<16xi32> to vector<1x16xi32>
      tpu.vector_store %arg8[%swap3A_1498, %swap3A_1499], %swap3A_1502 {strides = array<i32>} : memref<2x128xi32, #tpu.memory_space<vmem>>, vector<1x16xi32>,
      %add3A_1503 = arith.constant 64 : i32
      %add3A_1504 = arith.addi %multiple_of3A_1434, %add3A_1503 : i32
      %get3A_1505 = arith.index_cast %add3A_1504 : i32 to index
      %get3A_1506 = tpu.vector_load %arg6[%get3A_1505] {strides = array<i32>} : memref<10240xi32, #tpu.memory_space<vmem>>, vector<16xi32>,
      %get3A_1507 = vector.shape_cast %get3A_1506 : vector<16xi32> to vector<16xi32>
      %shift_right_arithmetic3A_1508 = arith.constant 14 : i32
      %shift_right_arithmetic3A_1509 = vector.broadcast %shift_right_arithmetic3A_1508 : i32 to vector<16xi32>
      %shift_right_arithmetic3A_1510 = arith.shrsi %get3A_1507, %shift_right_arithmetic3A_1509 : vector<16xi32>
      %and3A_1511 = arith.constant 65535 : i32
      %and3A_1512 = vector.broadcast %and3A_1511 : i32 to vector<16xi32>
      %and3A_1513 = arith.andi %shift_right_arithmetic3A_1510, %and3A_1512 : vector<16xi32>
      %swap3A_1514 = arith.constant 0 : i32
      %swap3A_1515 = arith.index_cast %swap3A_1514 : i32 to index
      %swap3A_1516 = arith.constant 64 : index
      %swap3A_1517 = tpu.vector_load %arg8[%swap3A_1515, %swap3A_1516] {strides = array<i32>} : memref<2x128xi32, #tpu.memory_space<vmem>>, vector<1x16xi32>,
      %swap3A_1518 = vector.shape_cast %swap3A_1517 : vector<1x16xi32> to vector<16xi32>
      %swap3A_1519 = vector.shape_cast %and3A_1513 : vector<16xi32> to vector<1x16xi32>
      tpu.vector_store %arg8[%swap3A_1515, %swap3A_1516], %swap3A_1519 {strides = array<i32>} : memref<2x128xi32, #tpu.memory_space<vmem>>, vector<1x16xi32>,
      %add3A_1520 = arith.constant 80 : i32
      %add3A_1521 = arith.addi %multiple_of3A_1434, %add3A_1520 : i32
      %get3A_1522 = arith.index_cast %add3A_1521 : i32 to index
      %get3A_1523 = tpu.vector_load %arg6[%get3A_1522] {strides = array<i32>} : memref<10240xi32, #tpu.memory_space<vmem>>, vector<16xi32>,
      %get3A_1524 = vector.shape_cast %get3A_1523 : vector<16xi32> to vector<16xi32>
      %shift_right_arithmetic3A_1525 = arith.constant 14 : i32
      %shift_right_arithmetic3A_1526 = vector.broadcast %shift_right_arithmetic3A_1525 : i32 to vector<16xi32>
      %shift_right_arithmetic3A_1527 = arith.shrsi %get3A_1524, %shift_right_arithmetic3A_1526 : vector<16xi32>
      %and3A_1528 = arith.constant 65535 : i32
      %and3A_1529 = vector.broadcast %and3A_1528 : i32 to vector<16xi32>
      %and3A_1530 = arith.andi %shift_right_arithmetic3A_1527, %and3A_1529 : vector<16xi32>
      %swap3A_1531 = arith.constant 0 : i32
      %swap3A_1532 = arith.index_cast %swap3A_1531 : i32 to index
      %swap3A_1533 = arith.constant 80 : index
      %swap3A_1534 = tpu.vector_load %arg8[%swap3A_1532, %swap3A_1533] {strides = array<i32>} : memref<2x128xi32, #tpu.memory_space<vmem>>, vector<1x16xi32>,
      %swap3A_1535 = vector.shape_cast %swap3A_1534 : vector<1x16xi32> to vector<16xi32>
      %swap3A_1536 = vector.shape_cast %and3A_1530 : vector<16xi32> to vector<1x16xi32>
      tpu.vector_store %arg8[%swap3A_1532, %swap3A_1533], %swap3A_1536 {strides = array<i32>} : memref<2x128xi32, #tpu.memory_space<vmem>>, vector<1x16xi32>,
      %add3A_1537 = arith.constant 96 : i32
      %add3A_1538 = arith.addi %multiple_of3A_1434, %add3A_1537 : i32
      %get3A_1539 = arith.index_cast %add3A_1538 : i32 to index
      %get3A_1540 = tpu.vector_load %arg6[%get3A_1539] {strides = array<i32>} : memref<10240xi32, #tpu.memory_space<vmem>>, vector<16xi32>,
      %get3A_1541 = vector.shape_cast %get3A_1540 : vector<16xi32> to vector<16xi32>
      %shift_right_arithmetic3A_1542 = arith.constant 14 : i32
      %shift_right_arithmetic3A_1543 = vector.broadcast %shift_right_arithmetic3A_1542 : i32 to vector<16xi32>
      %shift_right_arithmetic3A_1544 = arith.shrsi %get3A_1541, %shift_right_arithmetic3A_1543 : vector<16xi32>
      %and3A_1545 = arith.constant 65535 : i32
      %and3A_1546 = vector.broadcast %and3A_1545 : i32 to vector<16xi32>
      %and3A_1547 = arith.andi %shift_right_arithmetic3A_1544, %and3A_1546 : vector<16xi32>
      %swap3A_1548 = arith.constant 0 : i32
      %swap3A_1549 = arith.index_cast %swap3A_1548 : i32 to index
      %swap3A_1550 = arith.constant 96 : index
      %swap3A_1551 = tpu.vector_load %arg8[%swap3A_1549, %swap3A_1550] {strides = array<i32>} : memref<2x128xi32, #tpu.memory_space<vmem>>, vector<1x16xi32>,
      %swap3A_1552 = vector.shape_cast %swap3A_1551 : vector<1x16xi32> to vector<16xi32>
      %swap3A_1553 = vector.shape_cast %and3A_1547 : vector<16xi32> to vector<1x16xi32>
      tpu.vector_store %arg8[%swap3A_1549, %swap3A_1550], %swap3A_1553 {strides = array<i32>} : memref<2x128xi32, #tpu.memory_space<vmem>>, vector<1x16xi32>,
      %add3A_1554 = arith.constant 112 : i32
      %add3A_1555 = arith.addi %multiple_of3A_1434, %add3A_1554 : i32
      %get3A_1556 = arith.index_cast %add3A_1555 : i32 to index
      %get3A_1557 = tpu.vector_load %arg6[%get3A_1556] {strides = array<i32>} : memref<10240xi32, #tpu.memory_space<vmem>>, vector<16xi32>,
      %get3A_1558 = vector.shape_cast %get3A_1557 : vector<16xi32> to vector<16xi32>
      %shift_right_arithmetic3A_1559 = arith.constant 14 : i32
      %shift_right_arithmetic3A_1560 = vector.broadcast %shift_right_arithmetic3A_1559 : i32 to vector<16xi32>
      %shift_right_arithmetic3A_1561 = arith.shrsi %get3A_1558, %shift_right_arithmetic3A_1560 : vector<16xi32>
      %and3A_1562 = arith.constant 65535 : i32
      %and3A_1563 = vector.broadcast %and3A_1562 : i32 to vector<16xi32>
      %and3A_1564 = arith.andi %shift_right_arithmetic3A_1561, %and3A_1563 : vector<16xi32>
      %swap3A_1565 = arith.constant 0 : i32
      %swap3A_1566 = arith.index_cast %swap3A_1565 : i32 to index
      %swap3A_1567 = arith.constant 112 : index
      %swap3A_1568 = tpu.vector_load %arg8[%swap3A_1566, %swap3A_1567] {strides = array<i32>} : memref<2x128xi32, #tpu.memory_space<vmem>>, vector<1x16xi32>,
      %swap3A_1569 = vector.shape_cast %swap3A_1568 : vector<1x16xi32> to vector<16xi32>
      %swap3A_1570 = vector.shape_cast %and3A_1564 : vector<16xi32> to vector<1x16xi32>
      tpu.vector_store %arg8[%swap3A_1566, %swap3A_1567], %swap3A_1570 {strides = array<i32>} : memref<2x128xi32, #tpu.memory_space<vmem>>, vector<1x16xi32>,
      %dma_start3A_1571 = arith.constant 0 : i32
      %dma_start3A_1572 = arith.constant 0 : i32
      %dma_start3A_1573 = tpu.memref_slice %arg8[%dma_start3A_1571, %dma_start3A_1572] : memref<2x128xi32, #tpu.memory_space<vmem>> -> memref<1x128xi32, #tpu.memory_space<vmem>>
      %dma_start3A_1574 = tpu.memref_squeeze %dma_start3A_1573 : memref<1x128xi32, #tpu.memory_space<vmem>> -> memref<128xi32, #tpu.memory_space<vmem>>
      %dma_start3A_1575 = arith.constant 0 : i32
      %dma_start3A_1576 = arith.constant 0 : i32
      %dma_start3A_1577 = tpu.memref_slice %arg11[%dma_start3A_1575, %dma_start3A_1576] : memref<10112x128xf32, #tpu.memory_space<vmem_shared>> -> memref<10112x128xf32, #tpu.memory_space<vmem_shared>>
      tpu.enqueue_indirect_dma source(%arg9 : memref<128x128xf32, #tpu.memory_space<vmem>>) target(%dma_start3A_1577 : memref<10112x128xf32, #tpu.memory_space<vmem_shared>>) offsets(%dma_start3A_1574 : memref<128xi32, #tpu.memory_space<vmem>>) semaphore(%arg14 : memref<!tpu.dma_semaphore, #tpu.memory_space<semaphore_mem>>) {add = true}
      %mul3A_1578 = arith.constant 2 : i32
      %mul3A_1579 = arith.muli %mul3A_1578, %while3A_1267 : i32
      %add3A_1580 = arith.constant 1 : i32
      %add3A_1581 = arith.addi %mul3A_1579, %add3A_1580 : i32
      %dma_wait3A_1582 = arith.constant 0 : i32
      %dma_wait3A_1583 = arith.constant 0 : i32
      %dma_wait3A_1584 = tpu.memref_slice %arg8[%dma_wait3A_1582, %dma_wait3A_1583] : memref<2x128xi32, #tpu.memory_space<vmem>> -> memref<1x128xi32, #tpu.memory_space<vmem>>
      %dma_wait3A_1585 = tpu.memref_squeeze %dma_wait3A_1584 : memref<1x128xi32, #tpu.memory_space<vmem>> -> memref<128xi32, #tpu.memory_space<vmem>>
      %dma_wait3A_1586 = arith.constant 0 : i32
      %dma_wait3A_1587 = arith.constant 0 : i32
      %dma_wait3A_1588 = tpu.memref_slice %arg11[%dma_wait3A_1586, %dma_wait3A_1587] : memref<10112x128xf32, #tpu.memory_space<vmem_shared>> -> memref<10112x128xf32, #tpu.memory_space<vmem_shared>>
      tpu.wait_indirect_dma semaphore(%arg14 : memref<!tpu.dma_semaphore, #tpu.memory_space<semaphore_mem>>) src(%arg9 : memref<128x128xf32, #tpu.memory_space<vmem>>) dst(%dma_wait3A_1588 : memref<10112x128xf32, #tpu.memory_space<vmem_shared>>)
      %add3A_1589 = arith.constant 1 : i32
      %add3A_1590 = arith.addi %add3A_1581, %add3A_1589 : i32
      %mul3A_1591 = arith.constant 128 : i32
      %mul3A_1592 = arith.muli %add3A_1590, %mul3A_1591 : i32
      %multiple_of3A_1593 = tpu.assume_multiple %mul3A_1592, 128 : i32
      %add3A_1594 = arith.constant 0 : i32
      %add3A_1595 = arith.addi %multiple_of3A_1593, %add3A_1594 : i32
      %get3A_1596 = arith.index_cast %add3A_1595 : i32 to index
      %get3A_1597 = tpu.vector_load %arg6[%get3A_1596] {strides = array<i32>} : memref<10240xi32, #tpu.memory_space<vmem>>, vector<16xi32>,
      %get3A_1598 = vector.shape_cast %get3A_1597 : vector<16xi32> to vector<16xi32>
      %shift_right_arithmetic3A_1599 = arith.constant 0 : i32
      %shift_right_arithmetic3A_1600 = vector.broadcast %shift_right_arithmetic3A_1599 : i32 to vector<16xi32>
      %shift_right_arithmetic3A_1601 = arith.shrsi %get3A_1598, %shift_right_arithmetic3A_1600 : vector<16xi32>
      %and3A_1602 = arith.constant 16383 : i32
      %and3A_1603 = vector.broadcast %and3A_1602 : i32 to vector<16xi32>
      %and3A_1604 = arith.andi %shift_right_arithmetic3A_1601, %and3A_1603 : vector<16xi32>
      %swap3A_1605 = arith.constant 0 : i32
      %swap3A_1606 = arith.index_cast %swap3A_1605 : i32 to index
      %swap3A_1607 = arith.constant 0 : index
      %swap3A_1608 = tpu.vector_load %arg7[%swap3A_1606, %swap3A_1607] {strides = array<i32>} : memref<2x128xi32, #tpu.memory_space<vmem>>, vector<1x16xi32>,
      %swap3A_1609 = vector.shape_cast %swap3A_1608 : vector<1x16xi32> to vector<16xi32>
      %swap3A_1610 = vector.shape_cast %and3A_1604 : vector<16xi32> to vector<1x16xi32>
      tpu.vector_store %arg7[%swap3A_1606, %swap3A_1607], %swap3A_1610 {strides = array<i32>} : memref<2x128xi32, #tpu.memory_space<vmem>>, vector<1x16xi32>,
      %add3A_1611 = arith.constant 16 : i32
      %add3A_1612 = arith.addi %multiple_of3A_1593, %add3A_1611 : i32
      %get3A_1613 = arith.index_cast %add3A_1612 : i32 to index
      %get3A_1614 = tpu.vector_load %arg6[%get3A_1613] {strides = array<i32>} : memref<10240xi32, #tpu.memory_space<vmem>>, vector<16xi32>,
      %get3A_1615 = vector.shape_cast %get3A_1614 : vector<16xi32> to vector<16xi32>
      %shift_right_arithmetic3A_1616 = arith.constant 0 : i32
      %shift_right_arithmetic3A_1617 = vector.broadcast %shift_right_arithmetic3A_1616 : i32 to vector<16xi32>
      %shift_right_arithmetic3A_1618 = arith.shrsi %get3A_1615, %shift_right_arithmetic3A_1617 : vector<16xi32>
      %and3A_1619 = arith.constant 16383 : i32
      %and3A_1620 = vector.broadcast %and3A_1619 : i32 to vector<16xi32>
      %and3A_1621 = arith.andi %shift_right_arithmetic3A_1618, %and3A_1620 : vector<16xi32>
      %swap3A_1622 = arith.constant 0 : i32
      %swap3A_1623 = arith.index_cast %swap3A_1622 : i32 to index
      %swap3A_1624 = arith.constant 16 : index
      %swap3A_1625 = tpu.vector_load %arg7[%swap3A_1623, %swap3A_1624] {strides = array<i32>} : memref<2x128xi32, #tpu.memory_space<vmem>>, vector<1x16xi32>,
      %swap3A_1626 = vector.shape_cast %swap3A_1625 : vector<1x16xi32> to vector<16xi32>
      %swap3A_1627 = vector.shape_cast %and3A_1621 : vector<16xi32> to vector<1x16xi32>
      tpu.vector_store %arg7[%swap3A_1623, %swap3A_1624], %swap3A_1627 {strides = array<i32>} : memref<2x128xi32, #tpu.memory_space<vmem>>, vector<1x16xi32>,
      %add3A_1628 = arith.constant 32 : i32
      %add3A_1629 = arith.addi %multiple_of3A_1593, %add3A_1628 : i32
      %get3A_1630 = arith.index_cast %add3A_1629 : i32 to index
      %get3A_1631 = tpu.vector_load %arg6[%get3A_1630] {strides = array<i32>} : memref<10240xi32, #tpu.memory_space<vmem>>, vector<16xi32>,
      %get3A_1632 = vector.shape_cast %get3A_1631 : vector<16xi32> to vector<16xi32>
      %shift_right_arithmetic3A_1633 = arith.constant 0 : i32
      %shift_right_arithmetic3A_1634 = vector.broadcast %shift_right_arithmetic3A_1633 : i32 to vector<16xi32>
      %shift_right_arithmetic3A_1635 = arith.shrsi %get3A_1632, %shift_right_arithmetic3A_1634 : vector<16xi32>
      %and3A_1636 = arith.constant 16383 : i32
      %and3A_1637 = vector.broadcast %and3A_1636 : i32 to vector<16xi32>
      %and3A_1638 = arith.andi %shift_right_arithmetic3A_1635, %and3A_1637 : vector<16xi32>
      %swap3A_1639 = arith.constant 0 : i32
      %swap3A_1640 = arith.index_cast %swap3A_1639 : i32 to index
      %swap3A_1641 = arith.constant 32 : index
      %swap3A_1642 = tpu.vector_load %arg7[%swap3A_1640, %swap3A_1641] {strides = array<i32>} : memref<2x128xi32, #tpu.memory_space<vmem>>, vector<1x16xi32>,
      %swap3A_1643 = vector.shape_cast %swap3A_1642 : vector<1x16xi32> to vector<16xi32>
      %swap3A_1644 = vector.shape_cast %and3A_1638 : vector<16xi32> to vector<1x16xi32>
      tpu.vector_store %arg7[%swap3A_1640, %swap3A_1641], %swap3A_1644 {strides = array<i32>} : memref<2x128xi32, #tpu.memory_space<vmem>>, vector<1x16xi32>,
      %add3A_1645 = arith.constant 48 : i32
      %add3A_1646 = arith.addi %multiple_of3A_1593, %add3A_1645 : i32
      %get3A_1647 = arith.index_cast %add3A_1646 : i32 to index
      %get3A_1648 = tpu.vector_load %arg6[%get3A_1647] {strides = array<i32>} : memref<10240xi32, #tpu.memory_space<vmem>>, vector<16xi32>,
      %get3A_1649 = vector.shape_cast %get3A_1648 : vector<16xi32> to vector<16xi32>
      %shift_right_arithmetic3A_1650 = arith.constant 0 : i32
      %shift_right_arithmetic3A_1651 = vector.broadcast %shift_right_arithmetic3A_1650 : i32 to vector<16xi32>
      %shift_right_arithmetic3A_1652 = arith.shrsi %get3A_1649, %shift_right_arithmetic3A_1651 : vector<16xi32>
      %and3A_1653 = arith.constant 16383 : i32
      %and3A_1654 = vector.broadcast %and3A_1653 : i32 to vector<16xi32>
      %and3A_1655 = arith.andi %shift_right_arithmetic3A_1652, %and3A_1654 : vector<16xi32>
      %swap3A_1656 = arith.constant 0 : i32
      %swap3A_1657 = arith.index_cast %swap3A_1656 : i32 to index
      %swap3A_1658 = arith.constant 48 : index
      %swap3A_1659 = tpu.vector_load %arg7[%swap3A_1657, %swap3A_1658] {strides = array<i32>} : memref<2x128xi32, #tpu.memory_space<vmem>>, vector<1x16xi32>,
      %swap3A_1660 = vector.shape_cast %swap3A_1659 : vector<1x16xi32> to vector<16xi32>
      %swap3A_1661 = vector.shape_cast %and3A_1655 : vector<16xi32> to vector<1x16xi32>
      tpu.vector_store %arg7[%swap3A_1657, %swap3A_1658], %swap3A_1661 {strides = array<i32>} : memref<2x128xi32, #tpu.memory_space<vmem>>, vector<1x16xi32>,
      %add3A_1662 = arith.constant 64 : i32
      %add3A_1663 = arith.addi %multiple_of3A_1593, %add3A_1662 : i32
      %get3A_1664 = arith.index_cast %add3A_1663 : i32 to index
      %get3A_1665 = tpu.vector_load %arg6[%get3A_1664] {strides = array<i32>} : memref<10240xi32, #tpu.memory_space<vmem>>, vector<16xi32>,
      %get3A_1666 = vector.shape_cast %get3A_1665 : vector<16xi32> to vector<16xi32>
      %shift_right_arithmetic3A_1667 = arith.constant 0 : i32
      %shift_right_arithmetic3A_1668 = vector.broadcast %shift_right_arithmetic3A_1667 : i32 to vector<16xi32>
      %shift_right_arithmetic3A_1669 = arith.shrsi %get3A_1666, %shift_right_arithmetic3A_1668 : vector<16xi32>
      %and3A_1670 = arith.constant 16383 : i32
      %and3A_1671 = vector.broadcast %and3A_1670 : i32 to vector<16xi32>
      %and3A_1672 = arith.andi %shift_right_arithmetic3A_1669, %and3A_1671 : vector<16xi32>
      %swap3A_1673 = arith.constant 0 : i32
      %swap3A_1674 = arith.index_cast %swap3A_1673 : i32 to index
      %swap3A_1675 = arith.constant 64 : index
      %swap3A_1676 = tpu.vector_load %arg7[%swap3A_1674, %swap3A_1675] {strides = array<i32>} : memref<2x128xi32, #tpu.memory_space<vmem>>, vector<1x16xi32>,
      %swap3A_1677 = vector.shape_cast %swap3A_1676 : vector<1x16xi32> to vector<16xi32>
      %swap3A_1678 = vector.shape_cast %and3A_1672 : vector<16xi32> to vector<1x16xi32>
      tpu.vector_store %arg7[%swap3A_1674, %swap3A_1675], %swap3A_1678 {strides = array<i32>} : memref<2x128xi32, #tpu.memory_space<vmem>>, vector<1x16xi32>,
      %add3A_1679 = arith.constant 80 : i32
      %add3A_1680 = arith.addi %multiple_of3A_1593, %add3A_1679 : i32
      %get3A_1681 = arith.index_cast %add3A_1680 : i32 to index
      %get3A_1682 = tpu.vector_load %arg6[%get3A_1681] {strides = array<i32>} : memref<10240xi32, #tpu.memory_space<vmem>>, vector<16xi32>,
      %get3A_1683 = vector.shape_cast %get3A_1682 : vector<16xi32> to vector<16xi32>
      %shift_right_arithmetic3A_1684 = arith.constant 0 : i32
      %shift_right_arithmetic3A_1685 = vector.broadcast %shift_right_arithmetic3A_1684 : i32 to vector<16xi32>
      %shift_right_arithmetic3A_1686 = arith.shrsi %get3A_1683, %shift_right_arithmetic3A_1685 : vector<16xi32>
      %and3A_1687 = arith.constant 16383 : i32
      %and3A_1688 = vector.broadcast %and3A_1687 : i32 to vector<16xi32>
      %and3A_1689 = arith.andi %shift_right_arithmetic3A_1686, %and3A_1688 : vector<16xi32>
      %swap3A_1690 = arith.constant 0 : i32
      %swap3A_1691 = arith.index_cast %swap3A_1690 : i32 to index
      %swap3A_1692 = arith.constant 80 : index
      %swap3A_1693 = tpu.vector_load %arg7[%swap3A_1691, %swap3A_1692] {strides = array<i32>} : memref<2x128xi32, #tpu.memory_space<vmem>>, vector<1x16xi32>,
      %swap3A_1694 = vector.shape_cast %swap3A_1693 : vector<1x16xi32> to vector<16xi32>
      %swap3A_1695 = vector.shape_cast %and3A_1689 : vector<16xi32> to vector<1x16xi32>
      tpu.vector_store %arg7[%swap3A_1691, %swap3A_1692], %swap3A_1695 {strides = array<i32>} : memref<2x128xi32, #tpu.memory_space<vmem>>, vector<1x16xi32>,
      %add3A_1696 = arith.constant 96 : i32
      %add3A_1697 = arith.addi %multiple_of3A_1593, %add3A_1696 : i32
      %get3A_1698 = arith.index_cast %add3A_1697 : i32 to index
      %get3A_1699 = tpu.vector_load %arg6[%get3A_1698] {strides = array<i32>} : memref<10240xi32, #tpu.memory_space<vmem>>, vector<16xi32>,
      %get3A_1700 = vector.shape_cast %get3A_1699 : vector<16xi32> to vector<16xi32>
      %shift_right_arithmetic3A_1701 = arith.constant 0 : i32
      %shift_right_arithmetic3A_1702 = vector.broadcast %shift_right_arithmetic3A_1701 : i32 to vector<16xi32>
      %shift_right_arithmetic3A_1703 = arith.shrsi %get3A_1700, %shift_right_arithmetic3A_1702 : vector<16xi32>
      %and3A_1704 = arith.constant 16383 : i32
      %and3A_1705 = vector.broadcast %and3A_1704 : i32 to vector<16xi32>
      %and3A_1706 = arith.andi %shift_right_arithmetic3A_1703, %and3A_1705 : vector<16xi32>
      %swap3A_1707 = arith.constant 0 : i32
      %swap3A_1708 = arith.index_cast %swap3A_1707 : i32 to index
      %swap3A_1709 = arith.constant 96 : index
      %swap3A_1710 = tpu.vector_load %arg7[%swap3A_1708, %swap3A_1709] {strides = array<i32>} : memref<2x128xi32, #tpu.memory_space<vmem>>, vector<1x16xi32>,
      %swap3A_1711 = vector.shape_cast %swap3A_1710 : vector<1x16xi32> to vector<16xi32>
      %swap3A_1712 = vector.shape_cast %and3A_1706 : vector<16xi32> to vector<1x16xi32>
      tpu.vector_store %arg7[%swap3A_1708, %swap3A_1709], %swap3A_1712 {strides = array<i32>} : memref<2x128xi32, #tpu.memory_space<vmem>>, vector<1x16xi32>,
      %add3A_1713 = arith.constant 112 : i32
      %add3A_1714 = arith.addi %multiple_of3A_1593, %add3A_1713 : i32
      %get3A_1715 = arith.index_cast %add3A_1714 : i32 to index
      %get3A_1716 = tpu.vector_load %arg6[%get3A_1715] {strides = array<i32>} : memref<10240xi32, #tpu.memory_space<vmem>>, vector<16xi32>,
      %get3A_1717 = vector.shape_cast %get3A_1716 : vector<16xi32> to vector<16xi32>
      %shift_right_arithmetic3A_1718 = arith.constant 0 : i32
      %shift_right_arithmetic3A_1719 = vector.broadcast %shift_right_arithmetic3A_1718 : i32 to vector<16xi32>
      %shift_right_arithmetic3A_1720 = arith.shrsi %get3A_1717, %shift_right_arithmetic3A_1719 : vector<16xi32>
      %and3A_1721 = arith.constant 16383 : i32
      %and3A_1722 = vector.broadcast %and3A_1721 : i32 to vector<16xi32>
      %and3A_1723 = arith.andi %shift_right_arithmetic3A_1720, %and3A_1722 : vector<16xi32>
      %swap3A_1724 = arith.constant 0 : i32
      %swap3A_1725 = arith.index_cast %swap3A_1724 : i32 to index
      %swap3A_1726 = arith.constant 112 : index
      %swap3A_1727 = tpu.vector_load %arg7[%swap3A_1725, %swap3A_1726] {strides = array<i32>} : memref<2x128xi32, #tpu.memory_space<vmem>>, vector<1x16xi32>,
      %swap3A_1728 = vector.shape_cast %swap3A_1727 : vector<1x16xi32> to vector<16xi32>
      %swap3A_1729 = vector.shape_cast %and3A_1723 : vector<16xi32> to vector<1x16xi32>
      tpu.vector_store %arg7[%swap3A_1725, %swap3A_1726], %swap3A_1729 {strides = array<i32>} : memref<2x128xi32, #tpu.memory_space<vmem>>, vector<1x16xi32>,
      %dma_start3A_1730 = arith.constant 0 : i32
      %dma_start3A_1731 = arith.constant 0 : i32
      %dma_start3A_1732 = tpu.memref_slice %arg7[%dma_start3A_1730, %dma_start3A_1731] : memref<2x128xi32, #tpu.memory_space<vmem>> -> memref<1x128xi32, #tpu.memory_space<vmem>>
      %dma_start3A_1733 = tpu.memref_squeeze %dma_start3A_1732 : memref<1x128xi32, #tpu.memory_space<vmem>> -> memref<128xi32, #tpu.memory_space<vmem>>
      %dma_start3A_1734 = arith.constant 0 : i32
      %dma_start3A_1735 = arith.constant 0 : i32
      %dma_start3A_1736 = tpu.memref_slice %arg2[%dma_start3A_1734, %dma_start3A_1735] : memref<10000x128xf32, #tpu.memory_space<hbm>> -> memref<10000x128xf32, #tpu.memory_space<hbm>>
      tpu.enqueue_indirect_dma source(%dma_start3A_1736 : memref<10000x128xf32, #tpu.memory_space<hbm>>) target(%arg9 : memref<128x128xf32, #tpu.memory_space<vmem>>) offsets(%dma_start3A_1733 : memref<128xi32, #tpu.memory_space<vmem>>) semaphore(%arg12 : memref<!tpu.dma_semaphore, #tpu.memory_space<semaphore_mem>>)
      %dma_wait3A_1737 = arith.constant 1 : i32
      %dma_wait3A_1738 = arith.constant 0 : i32
      %dma_wait3A_1739 = tpu.memref_slice %arg7[%dma_wait3A_1737, %dma_wait3A_1738] : memref<2x128xi32, #tpu.memory_space<vmem>> -> memref<1x128xi32, #tpu.memory_space<vmem>>
      %dma_wait3A_1740 = tpu.memref_squeeze %dma_wait3A_1739 : memref<1x128xi32, #tpu.memory_space<vmem>> -> memref<128xi32, #tpu.memory_space<vmem>>
      %dma_wait3A_1741 = arith.constant 0 : i32
      %dma_wait3A_1742 = arith.constant 0 : i32
      %dma_wait3A_1743 = tpu.memref_slice %arg2[%dma_wait3A_1741, %dma_wait3A_1742] : memref<10000x128xf32, #tpu.memory_space<hbm>> -> memref<10000x128xf32, #tpu.memory_space<hbm>>
      tpu.wait_indirect_dma semaphore(%arg13 : memref<!tpu.dma_semaphore, #tpu.memory_space<semaphore_mem>>) src(%dma_wait3A_1743 : memref<10000x128xf32, #tpu.memory_space<hbm>>) dst(%arg10 : memref<128x128xf32, #tpu.memory_space<vmem>>)
      %mul3A_1744 = arith.constant 128 : i32
      %mul3A_1745 = arith.muli %add3A_1581, %mul3A_1744 : i32
      %multiple_of3A_1746 = tpu.assume_multiple %mul3A_1745, 128 : i32
      %add3A_1747 = arith.constant 0 : i32
      %add3A_1748 = arith.addi %multiple_of3A_1746, %add3A_1747 : i32
      %get3A_1749 = arith.index_cast %add3A_1748 : i32 to index
      %get3A_1750 = tpu.vector_load %arg6[%get3A_1749] {strides = array<i32>} : memref<10240xi32, #tpu.memory_space<vmem>>, vector<16xi32>,
      %get3A_1751 = vector.shape_cast %get3A_1750 : vector<16xi32> to vector<16xi32>
      %shift_right_arithmetic3A_1752 = arith.constant 14 : i32
      %shift_right_arithmetic3A_1753 = vector.broadcast %shift_right_arithmetic3A_1752 : i32 to vector<16xi32>
      %shift_right_arithmetic3A_1754 = arith.shrsi %get3A_1751, %shift_right_arithmetic3A_1753 : vector<16xi32>
      %and3A_1755 = arith.constant 65535 : i32
      %and3A_1756 = vector.broadcast %and3A_1755 : i32 to vector<16xi32>
      %and3A_1757 = arith.andi %shift_right_arithmetic3A_1754, %and3A_1756 : vector<16xi32>
      %swap3A_1758 = arith.constant 1 : i32
      %swap3A_1759 = arith.index_cast %swap3A_1758 : i32 to index
      %swap3A_1760 = arith.constant 0 : index
      %swap3A_1761 = tpu.vector_load %arg8[%swap3A_1759, %swap3A_1760] {strides = array<i32>} : memref<2x128xi32, #tpu.memory_space<vmem>>, vector<1x16xi32>,
      %swap3A_1762 = vector.shape_cast %swap3A_1761 : vector<1x16xi32> to vector<16xi32>
      %swap3A_1763 = vector.shape_cast %and3A_1757 : vector<16xi32> to vector<1x16xi32>
      tpu.vector_store %arg8[%swap3A_1759, %swap3A_1760], %swap3A_1763 {strides = array<i32>} : memref<2x128xi32, #tpu.memory_space<vmem>>, vector<1x16xi32>,
      %add3A_1764 = arith.constant 16 : i32
      %add3A_1765 = arith.addi %multiple_of3A_1746, %add3A_1764 : i32
      %get3A_1766 = arith.index_cast %add3A_1765 : i32 to index
      %get3A_1767 = tpu.vector_load %arg6[%get3A_1766] {strides = array<i32>} : memref<10240xi32, #tpu.memory_space<vmem>>, vector<16xi32>,
      %get3A_1768 = vector.shape_cast %get3A_1767 : vector<16xi32> to vector<16xi32>
      %shift_right_arithmetic3A_1769 = arith.constant 14 : i32
      %shift_right_arithmetic3A_1770 = vector.broadcast %shift_right_arithmetic3A_1769 : i32 to vector<16xi32>
      %shift_right_arithmetic3A_1771 = arith.shrsi %get3A_1768, %shift_right_arithmetic3A_1770 : vector<16xi32>
      %and3A_1772 = arith.constant 65535 : i32
      %and3A_1773 = vector.broadcast %and3A_1772 : i32 to vector<16xi32>
      %and3A_1774 = arith.andi %shift_right_arithmetic3A_1771, %and3A_1773 : vector<16xi32>
      %swap3A_1775 = arith.constant 1 : i32
      %swap3A_1776 = arith.index_cast %swap3A_1775 : i32 to index
      %swap3A_1777 = arith.constant 16 : index
      %swap3A_1778 = tpu.vector_load %arg8[%swap3A_1776, %swap3A_1777] {strides = array<i32>} : memref<2x128xi32, #tpu.memory_space<vmem>>, vector<1x16xi32>,
      %swap3A_1779 = vector.shape_cast %swap3A_1778 : vector<1x16xi32> to vector<16xi32>
      %swap3A_1780 = vector.shape_cast %and3A_1774 : vector<16xi32> to vector<1x16xi32>
      tpu.vector_store %arg8[%swap3A_1776, %swap3A_1777], %swap3A_1780 {strides = array<i32>} : memref<2x128xi32, #tpu.memory_space<vmem>>, vector<1x16xi32>,
      %add3A_1781 = arith.constant 32 : i32
      %add3A_1782 = arith.addi %multiple_of3A_1746, %add3A_1781 : i32
      %get3A_1783 = arith.index_cast %add3A_1782 : i32 to index
      %get3A_1784 = tpu.vector_load %arg6[%get3A_1783] {strides = array<i32>} : memref<10240xi32, #tpu.memory_space<vmem>>, vector<16xi32>,
      %get3A_1785 = vector.shape_cast %get3A_1784 : vector<16xi32> to vector<16xi32>
      %shift_right_arithmetic3A_1786 = arith.constant 14 : i32
      %shift_right_arithmetic3A_1787 = vector.broadcast %shift_right_arithmetic3A_1786 : i32 to vector<16xi32>
      %shift_right_arithmetic3A_1788 = arith.shrsi %get3A_1785, %shift_right_arithmetic3A_1787 : vector<16xi32>
      %and3A_1789 = arith.constant 65535 : i32
      %and3A_1790 = vector.broadcast %and3A_1789 : i32 to vector<16xi32>
      %and3A_1791 = arith.andi %shift_right_arithmetic3A_1788, %and3A_1790 : vector<16xi32>
      %swap3A_1792 = arith.constant 1 : i32
      %swap3A_1793 = arith.index_cast %swap3A_1792 : i32 to index
      %swap3A_1794 = arith.constant 32 : index
      %swap3A_1795 = tpu.vector_load %arg8[%swap3A_1793, %swap3A_1794] {strides = array<i32>} : memref<2x128xi32, #tpu.memory_space<vmem>>, vector<1x16xi32>,
      %swap3A_1796 = vector.shape_cast %swap3A_1795 : vector<1x16xi32> to vector<16xi32>
      %swap3A_1797 = vector.shape_cast %and3A_1791 : vector<16xi32> to vector<1x16xi32>
      tpu.vector_store %arg8[%swap3A_1793, %swap3A_1794], %swap3A_1797 {strides = array<i32>} : memref<2x128xi32, #tpu.memory_space<vmem>>, vector<1x16xi32>,
      %add3A_1798 = arith.constant 48 : i32
      %add3A_1799 = arith.addi %multiple_of3A_1746, %add3A_1798 : i32
      %get3A_1800 = arith.index_cast %add3A_1799 : i32 to index
      %get3A_1801 = tpu.vector_load %arg6[%get3A_1800] {strides = array<i32>} : memref<10240xi32, #tpu.memory_space<vmem>>, vector<16xi32>,
      %get3A_1802 = vector.shape_cast %get3A_1801 : vector<16xi32> to vector<16xi32>
      %shift_right_arithmetic3A_1803 = arith.constant 14 : i32
      %shift_right_arithmetic3A_1804 = vector.broadcast %shift_right_arithmetic3A_1803 : i32 to vector<16xi32>
      %shift_right_arithmetic3A_1805 = arith.shrsi %get3A_1802, %shift_right_arithmetic3A_1804 : vector<16xi32>
      %and3A_1806 = arith.constant 65535 : i32
      %and3A_1807 = vector.broadcast %and3A_1806 : i32 to vector<16xi32>
      %and3A_1808 = arith.andi %shift_right_arithmetic3A_1805, %and3A_1807 : vector<16xi32>
      %swap3A_1809 = arith.constant 1 : i32
      %swap3A_1810 = arith.index_cast %swap3A_1809 : i32 to index
      %swap3A_1811 = arith.constant 48 : index
      %swap3A_1812 = tpu.vector_load %arg8[%swap3A_1810, %swap3A_1811] {strides = array<i32>} : memref<2x128xi32, #tpu.memory_space<vmem>>, vector<1x16xi32>,
      %swap3A_1813 = vector.shape_cast %swap3A_1812 : vector<1x16xi32> to vector<16xi32>
      %swap3A_1814 = vector.shape_cast %and3A_1808 : vector<16xi32> to vector<1x16xi32>
      tpu.vector_store %arg8[%swap3A_1810, %swap3A_1811], %swap3A_1814 {strides = array<i32>} : memref<2x128xi32, #tpu.memory_space<vmem>>, vector<1x16xi32>,
      %add3A_1815 = arith.constant 64 : i32
      %add3A_1816 = arith.addi %multiple_of3A_1746, %add3A_1815 : i32
      %get3A_1817 = arith.index_cast %add3A_1816 : i32 to index
      %get3A_1818 = tpu.vector_load %arg6[%get3A_1817] {strides = array<i32>} : memref<10240xi32, #tpu.memory_space<vmem>>, vector<16xi32>,
      %get3A_1819 = vector.shape_cast %get3A_1818 : vector<16xi32> to vector<16xi32>
      %shift_right_arithmetic3A_1820 = arith.constant 14 : i32
      %shift_right_arithmetic3A_1821 = vector.broadcast %shift_right_arithmetic3A_1820 : i32 to vector<16xi32>
      %shift_right_arithmetic3A_1822 = arith.shrsi %get3A_1819, %shift_right_arithmetic3A_1821 : vector<16xi32>
      %and3A_1823 = arith.constant 65535 : i32
      %and3A_1824 = vector.broadcast %and3A_1823 : i32 to vector<16xi32>
      %and3A_1825 = arith.andi %shift_right_arithmetic3A_1822, %and3A_1824 : vector<16xi32>
      %swap3A_1826 = arith.constant 1 : i32
      %swap3A_1827 = arith.index_cast %swap3A_1826 : i32 to index
      %swap3A_1828 = arith.constant 64 : index
      %swap3A_1829 = tpu.vector_load %arg8[%swap3A_1827, %swap3A_1828] {strides = array<i32>} : memref<2x128xi32, #tpu.memory_space<vmem>>, vector<1x16xi32>,
      %swap3A_1830 = vector.shape_cast %swap3A_1829 : vector<1x16xi32> to vector<16xi32>
      %swap3A_1831 = vector.shape_cast %and3A_1825 : vector<16xi32> to vector<1x16xi32>
      tpu.vector_store %arg8[%swap3A_1827, %swap3A_1828], %swap3A_1831 {strides = array<i32>} : memref<2x128xi32, #tpu.memory_space<vmem>>, vector<1x16xi32>,
      %add3A_1832 = arith.constant 80 : i32
      %add3A_1833 = arith.addi %multiple_of3A_1746, %add3A_1832 : i32
      %get3A_1834 = arith.index_cast %add3A_1833 : i32 to index
      %get3A_1835 = tpu.vector_load %arg6[%get3A_1834] {strides = array<i32>} : memref<10240xi32, #tpu.memory_space<vmem>>, vector<16xi32>,
      %get3A_1836 = vector.shape_cast %get3A_1835 : vector<16xi32> to vector<16xi32>
      %shift_right_arithmetic3A_1837 = arith.constant 14 : i32
      %shift_right_arithmetic3A_1838 = vector.broadcast %shift_right_arithmetic3A_1837 : i32 to vector<16xi32>
      %shift_right_arithmetic3A_1839 = arith.shrsi %get3A_1836, %shift_right_arithmetic3A_1838 : vector<16xi32>
      %and3A_1840 = arith.constant 65535 : i32
      %and3A_1841 = vector.broadcast %and3A_1840 : i32 to vector<16xi32>
      %and3A_1842 = arith.andi %shift_right_arithmetic3A_1839, %and3A_1841 : vector<16xi32>
      %swap3A_1843 = arith.constant 1 : i32
      %swap3A_1844 = arith.index_cast %swap3A_1843 : i32 to index
      %swap3A_1845 = arith.constant 80 : index
      %swap3A_1846 = tpu.vector_load %arg8[%swap3A_1844, %swap3A_1845] {strides = array<i32>} : memref<2x128xi32, #tpu.memory_space<vmem>>, vector<1x16xi32>,
      %swap3A_1847 = vector.shape_cast %swap3A_1846 : vector<1x16xi32> to vector<16xi32>
      %swap3A_1848 = vector.shape_cast %and3A_1842 : vector<16xi32> to vector<1x16xi32>
      tpu.vector_store %arg8[%swap3A_1844, %swap3A_1845], %swap3A_1848 {strides = array<i32>} : memref<2x128xi32, #tpu.memory_space<vmem>>, vector<1x16xi32>,
      %add3A_1849 = arith.constant 96 : i32
      %add3A_1850 = arith.addi %multiple_of3A_1746, %add3A_1849 : i32
      %get3A_1851 = arith.index_cast %add3A_1850 : i32 to index
      %get3A_1852 = tpu.vector_load %arg6[%get3A_1851] {strides = array<i32>} : memref<10240xi32, #tpu.memory_space<vmem>>, vector<16xi32>,
      %get3A_1853 = vector.shape_cast %get3A_1852 : vector<16xi32> to vector<16xi32>
      %shift_right_arithmetic3A_1854 = arith.constant 14 : i32
      %shift_right_arithmetic3A_1855 = vector.broadcast %shift_right_arithmetic3A_1854 : i32 to vector<16xi32>
      %shift_right_arithmetic3A_1856 = arith.shrsi %get3A_1853, %shift_right_arithmetic3A_1855 : vector<16xi32>
      %and3A_1857 = arith.constant 65535 : i32
      %and3A_1858 = vector.broadcast %and3A_1857 : i32 to vector<16xi32>
      %and3A_1859 = arith.andi %shift_right_arithmetic3A_1856, %and3A_1858 : vector<16xi32>
      %swap3A_1860 = arith.constant 1 : i32
      %swap3A_1861 = arith.index_cast %swap3A_1860 : i32 to index
      %swap3A_1862 = arith.constant 96 : index
      %swap3A_1863 = tpu.vector_load %arg8[%swap3A_1861, %swap3A_1862] {strides = array<i32>} : memref<2x128xi32, #tpu.memory_space<vmem>>, vector<1x16xi32>,
      %swap3A_1864 = vector.shape_cast %swap3A_1863 : vector<1x16xi32> to vector<16xi32>
      %swap3A_1865 = vector.shape_cast %and3A_1859 : vector<16xi32> to vector<1x16xi32>
      tpu.vector_store %arg8[%swap3A_1861, %swap3A_1862], %swap3A_1865 {strides = array<i32>} : memref<2x128xi32, #tpu.memory_space<vmem>>, vector<1x16xi32>,
      %add3A_1866 = arith.constant 112 : i32
      %add3A_1867 = arith.addi %multiple_of3A_1746, %add3A_1866 : i32
      %get3A_1868 = arith.index_cast %add3A_1867 : i32 to index
      %get3A_1869 = tpu.vector_load %arg6[%get3A_1868] {strides = array<i32>} : memref<10240xi32, #tpu.memory_space<vmem>>, vector<16xi32>,
      %get3A_1870 = vector.shape_cast %get3A_1869 : vector<16xi32> to vector<16xi32>
      %shift_right_arithmetic3A_1871 = arith.constant 14 : i32
      %shift_right_arithmetic3A_1872 = vector.broadcast %shift_right_arithmetic3A_1871 : i32 to vector<16xi32>
      %shift_right_arithmetic3A_1873 = arith.shrsi %get3A_1870, %shift_right_arithmetic3A_1872 : vector<16xi32>
      %and3A_1874 = arith.constant 65535 : i32
      %and3A_1875 = vector.broadcast %and3A_1874 : i32 to vector<16xi32>
      %and3A_1876 = arith.andi %shift_right_arithmetic3A_1873, %and3A_1875 : vector<16xi32>
      %swap3A_1877 = arith.constant 1 : i32
      %swap3A_1878 = arith.index_cast %swap3A_1877 : i32 to index
      %swap3A_1879 = arith.constant 112 : index
      %swap3A_1880 = tpu.vector_load %arg8[%swap3A_1878, %swap3A_1879] {strides = array<i32>} : memref<2x128xi32, #tpu.memory_space<vmem>>, vector<1x16xi32>,
      %swap3A_1881 = vector.shape_cast %swap3A_1880 : vector<1x16xi32> to vector<16xi32>
      %swap3A_1882 = vector.shape_cast %and3A_1876 : vector<16xi32> to vector<1x16xi32>
      tpu.vector_store %arg8[%swap3A_1878, %swap3A_1879], %swap3A_1882 {strides = array<i32>} : memref<2x128xi32, #tpu.memory_space<vmem>>, vector<1x16xi32>,
      %dma_start3A_1883 = arith.constant 1 : i32
      %dma_start3A_1884 = arith.constant 0 : i32
      %dma_start3A_1885 = tpu.memref_slice %arg8[%dma_start3A_1883, %dma_start3A_1884] : memref<2x128xi32, #tpu.memory_space<vmem>> -> memref<1x128xi32, #tpu.memory_space<vmem>>
      %dma_start3A_1886 = tpu.memref_squeeze %dma_start3A_1885 : memref<1x128xi32, #tpu.memory_space<vmem>> -> memref<128xi32, #tpu.memory_space<vmem>>
      %dma_start3A_1887 = arith.constant 0 : i32
      %dma_start3A_1888 = arith.constant 0 : i32
      %dma_start3A_1889 = tpu.memref_slice %arg11[%dma_start3A_1887, %dma_start3A_1888] : memref<10112x128xf32, #tpu.memory_space<vmem_shared>> -> memref<10112x128xf32, #tpu.memory_space<vmem_shared>>
      tpu.enqueue_indirect_dma source(%arg10 : memref<128x128xf32, #tpu.memory_space<vmem>>) target(%dma_start3A_1889 : memref<10112x128xf32, #tpu.memory_space<vmem_shared>>) offsets(%dma_start3A_1886 : memref<128xi32, #tpu.memory_space<vmem>>) semaphore(%arg15 : memref<!tpu.dma_semaphore, #tpu.memory_space<semaphore_mem>>) {add = true}
    }
    %while3A_786 = arith.constant 1 : i32
    scf.for %while3A_1267 = %while3A_784 to %while3A_780 step %while3A_786  : i32 {
      %mul3A_1268 = arith.constant 2 : i32
      %mul3A_1269 = arith.muli %mul3A_1268, %while3A_1267 : i32
      %dma_wait3A_1270 = arith.constant 1 : i32
      %dma_wait3A_1271 = arith.constant 0 : i32
      %dma_wait3A_1272 = tpu.memref_slice %arg8[%dma_wait3A_1270, %dma_wait3A_1271] : memref<2x128xi32, #tpu.memory_space<vmem>> -> memref<1x128xi32, #tpu.memory_space<vmem>>
      %dma_wait3A_1273 = tpu.memref_squeeze %dma_wait3A_1272 : memref<1x128xi32, #tpu.memory_space<vmem>> -> memref<128xi32, #tpu.memory_space<vmem>>
      %dma_wait3A_1274 = arith.constant 0 : i32
      %dma_wait3A_1275 = arith.constant 0 : i32
      %dma_wait3A_1276 = tpu.memref_slice %arg11[%dma_wait3A_1274, %dma_wait3A_1275] : memref<10112x128xf32, #tpu.memory_space<vmem_shared>> -> memref<10112x128xf32, #tpu.memory_space<vmem_shared>>
      tpu.wait_indirect_dma semaphore(%arg15 : memref<!tpu.dma_semaphore, #tpu.memory_space<semaphore_mem>>) src(%arg10 : memref<128x128xf32, #tpu.memory_space<vmem>>) dst(%dma_wait3A_1276 : memref<10112x128xf32, #tpu.memory_space<vmem_shared>>)
      %add3A_1277 = arith.constant 1 : i32
      %add3A_1278 = arith.addi %mul3A_1269, %add3A_1277 : i32
      %mul3A_1279 = arith.constant 128 : i32
      %mul3A_1280 = arith.muli %add3A_1278, %mul3A_1279 : i32
      %multiple_of3A_1281 = tpu.assume_multiple %mul3A_1280, 128 : i32
      %add3A_1282 = arith.constant 0 : i32
      %add3A_1283 = arith.addi %multiple_of3A_1281, %add3A_1282 : i32
      %get3A_1284 = arith.index_cast %add3A_1283 : i32 to index
      %get3A_1285 = tpu.vector_load %arg6[%get3A_1284] {strides = array<i32>} : memref<10240xi32, #tpu.memory_space<vmem>>, vector<16xi32>,
      %get3A_1286 = vector.shape_cast %get3A_1285 : vector<16xi32> to vector<16xi32>
      %shift_right_arithmetic3A_1287 = arith.constant 0 : i32
      %shift_right_arithmetic3A_1288 = vector.broadcast %shift_right_arithmetic3A_1287 : i32 to vector<16xi32>
      %shift_right_arithmetic3A_1289 = arith.shrsi %get3A_1286, %shift_right_arithmetic3A_1288 : vector<16xi32>
      %and3A_1290 = arith.constant 16383 : i32
      %and3A_1291 = vector.broadcast %and3A_1290 : i32 to vector<16xi32>
      %and3A_1292 = arith.andi %shift_right_arithmetic3A_1289, %and3A_1291 : vector<16xi32>
      %swap3A_1293 = arith.constant 1 : i32
      %swap3A_1294 = arith.index_cast %swap3A_1293 : i32 to index
      %swap3A_1295 = arith.constant 0 : index
      %swap3A_1296 = tpu.vector_load %arg7[%swap3A_1294, %swap3A_1295] {strides = array<i32>} : memref<2x128xi32, #tpu.memory_space<vmem>>, vector<1x16xi32>,
      %swap3A_1297 = vector.shape_cast %swap3A_1296 : vector<1x16xi32> to vector<16xi32>
      %swap3A_1298 = vector.shape_cast %and3A_1292 : vector<16xi32> to vector<1x16xi32>
      tpu.vector_store %arg7[%swap3A_1294, %swap3A_1295], %swap3A_1298 {strides = array<i32>} : memref<2x128xi32, #tpu.memory_space<vmem>>, vector<1x16xi32>,
      %add3A_1299 = arith.constant 16 : i32
      %add3A_1300 = arith.addi %multiple_of3A_1281, %add3A_1299 : i32
      %get3A_1301 = arith.index_cast %add3A_1300 : i32 to index
      %get3A_1302 = tpu.vector_load %arg6[%get3A_1301] {strides = array<i32>} : memref<10240xi32, #tpu.memory_space<vmem>>, vector<16xi32>,
      %get3A_1303 = vector.shape_cast %get3A_1302 : vector<16xi32> to vector<16xi32>
      %shift_right_arithmetic3A_1304 = arith.constant 0 : i32
      %shift_right_arithmetic3A_1305 = vector.broadcast %shift_right_arithmetic3A_1304 : i32 to vector<16xi32>
      %shift_right_arithmetic3A_1306 = arith.shrsi %get3A_1303, %shift_right_arithmetic3A_1305 : vector<16xi32>
      %and3A_1307 = arith.constant 16383 : i32
      %and3A_1308 = vector.broadcast %and3A_1307 : i32 to vector<16xi32>
      %and3A_1309 = arith.andi %shift_right_arithmetic3A_1306, %and3A_1308 : vector<16xi32>
      %swap3A_1310 = arith.constant 1 : i32
      %swap3A_1311 = arith.index_cast %swap3A_1310 : i32 to index
      %swap3A_1312 = arith.constant 16 : index
      %swap3A_1313 = tpu.vector_load %arg7[%swap3A_1311, %swap3A_1312] {strides = array<i32>} : memref<2x128xi32, #tpu.memory_space<vmem>>, vector<1x16xi32>,
      %swap3A_1314 = vector.shape_cast %swap3A_1313 : vector<1x16xi32> to vector<16xi32>
      %swap3A_1315 = vector.shape_cast %and3A_1309 : vector<16xi32> to vector<1x16xi32>
      tpu.vector_store %arg7[%swap3A_1311, %swap3A_1312], %swap3A_1315 {strides = array<i32>} : memref<2x128xi32, #tpu.memory_space<vmem>>, vector<1x16xi32>,
      %add3A_1316 = arith.constant 32 : i32
      %add3A_1317 = arith.addi %multiple_of3A_1281, %add3A_1316 : i32
      %get3A_1318 = arith.index_cast %add3A_1317 : i32 to index
      %get3A_1319 = tpu.vector_load %arg6[%get3A_1318] {strides = array<i32>} : memref<10240xi32, #tpu.memory_space<vmem>>, vector<16xi32>,
      %get3A_1320 = vector.shape_cast %get3A_1319 : vector<16xi32> to vector<16xi32>
      %shift_right_arithmetic3A_1321 = arith.constant 0 : i32
      %shift_right_arithmetic3A_1322 = vector.broadcast %shift_right_arithmetic3A_1321 : i32 to vector<16xi32>
      %shift_right_arithmetic3A_1323 = arith.shrsi %get3A_1320, %shift_right_arithmetic3A_1322 : vector<16xi32>
      %and3A_1324 = arith.constant 16383 : i32
      %and3A_1325 = vector.broadcast %and3A_1324 : i32 to vector<16xi32>
      %and3A_1326 = arith.andi %shift_right_arithmetic3A_1323, %and3A_1325 : vector<16xi32>
      %swap3A_1327 = arith.constant 1 : i32
      %swap3A_1328 = arith.index_cast %swap3A_1327 : i32 to index
      %swap3A_1329 = arith.constant 32 : index
      %swap3A_1330 = tpu.vector_load %arg7[%swap3A_1328, %swap3A_1329] {strides = array<i32>} : memref<2x128xi32, #tpu.memory_space<vmem>>, vector<1x16xi32>,
      %swap3A_1331 = vector.shape_cast %swap3A_1330 : vector<1x16xi32> to vector<16xi32>
      %swap3A_1332 = vector.shape_cast %and3A_1326 : vector<16xi32> to vector<1x16xi32>
      tpu.vector_store %arg7[%swap3A_1328, %swap3A_1329], %swap3A_1332 {strides = array<i32>} : memref<2x128xi32, #tpu.memory_space<vmem>>, vector<1x16xi32>,
      %add3A_1333 = arith.constant 48 : i32
      %add3A_1334 = arith.addi %multiple_of3A_1281, %add3A_1333 : i32
      %get3A_1335 = arith.index_cast %add3A_1334 : i32 to index
      %get3A_1336 = tpu.vector_load %arg6[%get3A_1335] {strides = array<i32>} : memref<10240xi32, #tpu.memory_space<vmem>>, vector<16xi32>,
      %get3A_1337 = vector.shape_cast %get3A_1336 : vector<16xi32> to vector<16xi32>
      %shift_right_arithmetic3A_1338 = arith.constant 0 : i32
      %shift_right_arithmetic3A_1339 = vector.broadcast %shift_right_arithmetic3A_1338 : i32 to vector<16xi32>
      %shift_right_arithmetic3A_1340 = arith.shrsi %get3A_1337, %shift_right_arithmetic3A_1339 : vector<16xi32>
      %and3A_1341 = arith.constant 16383 : i32
      %and3A_1342 = vector.broadcast %and3A_1341 : i32 to vector<16xi32>
      %and3A_1343 = arith.andi %shift_right_arithmetic3A_1340, %and3A_1342 : vector<16xi32>
      %swap3A_1344 = arith.constant 1 : i32
      %swap3A_1345 = arith.index_cast %swap3A_1344 : i32 to index
      %swap3A_1346 = arith.constant 48 : index
      %swap3A_1347 = tpu.vector_load %arg7[%swap3A_1345, %swap3A_1346] {strides = array<i32>} : memref<2x128xi32, #tpu.memory_space<vmem>>, vector<1x16xi32>,
      %swap3A_1348 = vector.shape_cast %swap3A_1347 : vector<1x16xi32> to vector<16xi32>
      %swap3A_1349 = vector.shape_cast %and3A_1343 : vector<16xi32> to vector<1x16xi32>
      tpu.vector_store %arg7[%swap3A_1345, %swap3A_1346], %swap3A_1349 {strides = array<i32>} : memref<2x128xi32, #tpu.memory_space<vmem>>, vector<1x16xi32>,
      %add3A_1350 = arith.constant 64 : i32
      %add3A_1351 = arith.addi %multiple_of3A_1281, %add3A_1350 : i32
      %get3A_1352 = arith.index_cast %add3A_1351 : i32 to index
      %get3A_1353 = tpu.vector_load %arg6[%get3A_1352] {strides = array<i32>} : memref<10240xi32, #tpu.memory_space<vmem>>, vector<16xi32>,
      %get3A_1354 = vector.shape_cast %get3A_1353 : vector<16xi32> to vector<16xi32>
      %shift_right_arithmetic3A_1355 = arith.constant 0 : i32
      %shift_right_arithmetic3A_1356 = vector.broadcast %shift_right_arithmetic3A_1355 : i32 to vector<16xi32>
      %shift_right_arithmetic3A_1357 = arith.shrsi %get3A_1354, %shift_right_arithmetic3A_1356 : vector<16xi32>
      %and3A_1358 = arith.constant 16383 : i32
      %and3A_1359 = vector.broadcast %and3A_1358 : i32 to vector<16xi32>
      %and3A_1360 = arith.andi %shift_right_arithmetic3A_1357, %and3A_1359 : vector<16xi32>
      %swap3A_1361 = arith.constant 1 : i32
      %swap3A_1362 = arith.index_cast %swap3A_1361 : i32 to index
      %swap3A_1363 = arith.constant 64 : index
      %swap3A_1364 = tpu.vector_load %arg7[%swap3A_1362, %swap3A_1363] {strides = array<i32>} : memref<2x128xi32, #tpu.memory_space<vmem>>, vector<1x16xi32>,
      %swap3A_1365 = vector.shape_cast %swap3A_1364 : vector<1x16xi32> to vector<16xi32>
      %swap3A_1366 = vector.shape_cast %and3A_1360 : vector<16xi32> to vector<1x16xi32>
      tpu.vector_store %arg7[%swap3A_1362, %swap3A_1363], %swap3A_1366 {strides = array<i32>} : memref<2x128xi32, #tpu.memory_space<vmem>>, vector<1x16xi32>,
      %add3A_1367 = arith.constant 80 : i32
      %add3A_1368 = arith.addi %multiple_of3A_1281, %add3A_1367 : i32
      %get3A_1369 = arith.index_cast %add3A_1368 : i32 to index
      %get3A_1370 = tpu.vector_load %arg6[%get3A_1369] {strides = array<i32>} : memref<10240xi32, #tpu.memory_space<vmem>>, vector<16xi32>,
      %get3A_1371 = vector.shape_cast %get3A_1370 : vector<16xi32> to vector<16xi32>
      %shift_right_arithmetic3A_1372 = arith.constant 0 : i32
      %shift_right_arithmetic3A_1373 = vector.broadcast %shift_right_arithmetic3A_1372 : i32 to vector<16xi32>
      %shift_right_arithmetic3A_1374 = arith.shrsi %get3A_1371, %shift_right_arithmetic3A_1373 : vector<16xi32>
      %and3A_1375 = arith.constant 16383 : i32
      %and3A_1376 = vector.broadcast %and3A_1375 : i32 to vector<16xi32>
      %and3A_1377 = arith.andi %shift_right_arithmetic3A_1374, %and3A_1376 : vector<16xi32>
      %swap3A_1378 = arith.constant 1 : i32
      %swap3A_1379 = arith.index_cast %swap3A_1378 : i32 to index
      %swap3A_1380 = arith.constant 80 : index
      %swap3A_1381 = tpu.vector_load %arg7[%swap3A_1379, %swap3A_1380] {strides = array<i32>} : memref<2x128xi32, #tpu.memory_space<vmem>>, vector<1x16xi32>,
      %swap3A_1382 = vector.shape_cast %swap3A_1381 : vector<1x16xi32> to vector<16xi32>
      %swap3A_1383 = vector.shape_cast %and3A_1377 : vector<16xi32> to vector<1x16xi32>
      tpu.vector_store %arg7[%swap3A_1379, %swap3A_1380], %swap3A_1383 {strides = array<i32>} : memref<2x128xi32, #tpu.memory_space<vmem>>, vector<1x16xi32>,
      %add3A_1384 = arith.constant 96 : i32
      %add3A_1385 = arith.addi %multiple_of3A_1281, %add3A_1384 : i32
      %get3A_1386 = arith.index_cast %add3A_1385 : i32 to index
      %get3A_1387 = tpu.vector_load %arg6[%get3A_1386] {strides = array<i32>} : memref<10240xi32, #tpu.memory_space<vmem>>, vector<16xi32>,
      %get3A_1388 = vector.shape_cast %get3A_1387 : vector<16xi32> to vector<16xi32>
      %shift_right_arithmetic3A_1389 = arith.constant 0 : i32
      %shift_right_arithmetic3A_1390 = vector.broadcast %shift_right_arithmetic3A_1389 : i32 to vector<16xi32>
      %shift_right_arithmetic3A_1391 = arith.shrsi %get3A_1388, %shift_right_arithmetic3A_1390 : vector<16xi32>
      %and3A_1392 = arith.constant 16383 : i32
      %and3A_1393 = vector.broadcast %and3A_1392 : i32 to vector<16xi32>
      %and3A_1394 = arith.andi %shift_right_arithmetic3A_1391, %and3A_1393 : vector<16xi32>
      %swap3A_1395 = arith.constant 1 : i32
      %swap3A_1396 = arith.index_cast %swap3A_1395 : i32 to index
      %swap3A_1397 = arith.constant 96 : index
      %swap3A_1398 = tpu.vector_load %arg7[%swap3A_1396, %swap3A_1397] {strides = array<i32>} : memref<2x128xi32, #tpu.memory_space<vmem>>, vector<1x16xi32>,
      %swap3A_1399 = vector.shape_cast %swap3A_1398 : vector<1x16xi32> to vector<16xi32>
      %swap3A_1400 = vector.shape_cast %and3A_1394 : vector<16xi32> to vector<1x16xi32>
      tpu.vector_store %arg7[%swap3A_1396, %swap3A_1397], %swap3A_1400 {strides = array<i32>} : memref<2x128xi32, #tpu.memory_space<vmem>>, vector<1x16xi32>,
      %add3A_1401 = arith.constant 112 : i32
      %add3A_1402 = arith.addi %multiple_of3A_1281, %add3A_1401 : i32
      %get3A_1403 = arith.index_cast %add3A_1402 : i32 to index
      %get3A_1404 = tpu.vector_load %arg6[%get3A_1403] {strides = array<i32>} : memref<10240xi32, #tpu.memory_space<vmem>>, vector<16xi32>,
      %get3A_1405 = vector.shape_cast %get3A_1404 : vector<16xi32> to vector<16xi32>
      %shift_right_arithmetic3A_1406 = arith.constant 0 : i32
      %shift_right_arithmetic3A_1407 = vector.broadcast %shift_right_arithmetic3A_1406 : i32 to vector<16xi32>
      %shift_right_arithmetic3A_1408 = arith.shrsi %get3A_1405, %shift_right_arithmetic3A_1407 : vector<16xi32>
      %and3A_1409 = arith.constant 16383 : i32
      %and3A_1410 = vector.broadcast %and3A_1409 : i32 to vector<16xi32>
      %and3A_1411 = arith.andi %shift_right_arithmetic3A_1408, %and3A_1410 : vector<16xi32>
      %swap3A_1412 = arith.constant 1 : i32
      %swap3A_1413 = arith.index_cast %swap3A_1412 : i32 to index
      %swap3A_1414 = arith.constant 112 : index
      %swap3A_1415 = tpu.vector_load %arg7[%swap3A_1413, %swap3A_1414] {strides = array<i32>} : memref<2x128xi32, #tpu.memory_space<vmem>>, vector<1x16xi32>,
      %swap3A_1416 = vector.shape_cast %swap3A_1415 : vector<1x16xi32> to vector<16xi32>
      %swap3A_1417 = vector.shape_cast %and3A_1411 : vector<16xi32> to vector<1x16xi32>
      tpu.vector_store %arg7[%swap3A_1413, %swap3A_1414], %swap3A_1417 {strides = array<i32>} : memref<2x128xi32, #tpu.memory_space<vmem>>, vector<1x16xi32>,
      %dma_start3A_1418 = arith.constant 1 : i32
      %dma_start3A_1419 = arith.constant 0 : i32
      %dma_start3A_1420 = tpu.memref_slice %arg7[%dma_start3A_1418, %dma_start3A_1419] : memref<2x128xi32, #tpu.memory_space<vmem>> -> memref<1x128xi32, #tpu.memory_space<vmem>>
      %dma_start3A_1421 = tpu.memref_squeeze %dma_start3A_1420 : memref<1x128xi32, #tpu.memory_space<vmem>> -> memref<128xi32, #tpu.memory_space<vmem>>
      %dma_start3A_1422 = arith.constant 0 : i32
      %dma_start3A_1423 = arith.constant 0 : i32
      %dma_start3A_1424 = tpu.memref_slice %arg2[%dma_start3A_1422, %dma_start3A_1423] : memref<10000x128xf32, #tpu.memory_space<hbm>> -> memref<10000x128xf32, #tpu.memory_space<hbm>>
      tpu.enqueue_indirect_dma source(%dma_start3A_1424 : memref<10000x128xf32, #tpu.memory_space<hbm>>) target(%arg10 : memref<128x128xf32, #tpu.memory_space<vmem>>) offsets(%dma_start3A_1421 : memref<128xi32, #tpu.memory_space<vmem>>) semaphore(%arg13 : memref<!tpu.dma_semaphore, #tpu.memory_space<semaphore_mem>>)
      %dma_wait3A_1425 = arith.constant 0 : i32
      %dma_wait3A_1426 = arith.constant 0 : i32
      %dma_wait3A_1427 = tpu.memref_slice %arg7[%dma_wait3A_1425, %dma_wait3A_1426] : memref<2x128xi32, #tpu.memory_space<vmem>> -> memref<1x128xi32, #tpu.memory_space<vmem>>
      %dma_wait3A_1428 = tpu.memref_squeeze %dma_wait3A_1427 : memref<1x128xi32, #tpu.memory_space<vmem>> -> memref<128xi32, #tpu.memory_space<vmem>>
      %dma_wait3A_1429 = arith.constant 0 : i32
      %dma_wait3A_1430 = arith.constant 0 : i32
      %dma_wait3A_1431 = tpu.memref_slice %arg2[%dma_wait3A_1429, %dma_wait3A_1430] : memref<10000x128xf32, #tpu.memory_space<hbm>> -> memref<10000x128xf32, #tpu.memory_space<hbm>>
      tpu.wait_indirect_dma semaphore(%arg12 : memref<!tpu.dma_semaphore, #tpu.memory_space<semaphore_mem>>) src(%dma_wait3A_1431 : memref<10000x128xf32, #tpu.memory_space<hbm>>) dst(%arg9 : memref<128x128xf32, #tpu.memory_space<vmem>>)
      %mul3A_1432 = arith.constant 128 : i32
      %mul3A_1433 = arith.muli %mul3A_1269, %mul3A_1432 : i32
      %multiple_of3A_1434 = tpu.assume_multiple %mul3A_1433, 128 : i32
      %add3A_1435 = arith.constant 0 : i32
      %add3A_1436 = arith.addi %multiple_of3A_1434, %add3A_1435 : i32
      %get3A_1437 = arith.index_cast %add3A_1436 : i32 to index
      %get3A_1438 = tpu.vector_load %arg6[%get3A_1437] {strides = array<i32>} : memref<10240xi32, #tpu.memory_space<vmem>>, vector<16xi32>,
      %get3A_1439 = vector.shape_cast %get3A_1438 : vector<16xi32> to vector<16xi32>
      %shift_right_arithmetic3A_1440 = arith.constant 14 : i32
      %shift_right_arithmetic3A_1441 = vector.broadcast %shift_right_arithmetic3A_1440 : i32 to vector<16xi32>
      %shift_right_arithmetic3A_1442 = arith.shrsi %get3A_1439, %shift_right_arithmetic3A_1441 : vector<16xi32>
      %and3A_1443 = arith.constant 65535 : i32
      %and3A_1444 = vector.broadcast %and3A_1443 : i32 to vector<16xi32>
      %and3A_1445 = arith.andi %shift_right_arithmetic3A_1442, %and3A_1444 : vector<16xi32>
      %swap3A_1446 = arith.constant 0 : i32
      %swap3A_1447 = arith.index_cast %swap3A_1446 : i32 to index
      %swap3A_1448 = arith.constant 0 : index
      %swap3A_1449 = tpu.vector_load %arg8[%swap3A_1447, %swap3A_1448] {strides = array<i32>} : memref<2x128xi32, #tpu.memory_space<vmem>>, vector<1x16xi32>,
      %swap3A_1450 = vector.shape_cast %swap3A_1449 : vector<1x16xi32> to vector<16xi32>
      %swap3A_1451 = vector.shape_cast %and3A_1445 : vector<16xi32> to vector<1x16xi32>
      tpu.vector_store %arg8[%swap3A_1447, %swap3A_1448], %swap3A_1451 {strides = array<i32>} : memref<2x128xi32, #tpu.memory_space<vmem>>, vector<1x16xi32>,
      %add3A_1452 = arith.constant 16 : i32
      %add3A_1453 = arith.addi %multiple_of3A_1434, %add3A_1452 : i32
      %get3A_1454 = arith.index_cast %add3A_1453 : i32 to index
      %get3A_1455 = tpu.vector_load %arg6[%get3A_1454] {strides = array<i32>} : memref<10240xi32, #tpu.memory_space<vmem>>, vector<16xi32>,
      %get3A_1456 = vector.shape_cast %get3A_1455 : vector<16xi32> to vector<16xi32>
      %shift_right_arithmetic3A_1457 = arith.constant 14 : i32
      %shift_right_arithmetic3A_1458 = vector.broadcast %shift_right_arithmetic3A_1457 : i32 to vector<16xi32>
      %shift_right_arithmetic3A_1459 = arith.shrsi %get3A_1456, %shift_right_arithmetic3A_1458 : vector<16xi32>
      %and3A_1460 = arith.constant 65535 : i32
      %and3A_1461 = vector.broadcast %and3A_1460 : i32 to vector<16xi32>
      %and3A_1462 = arith.andi %shift_right_arithmetic3A_1459, %and3A_1461 : vector<16xi32>
      %swap3A_1463 = arith.constant 0 : i32
      %swap3A_1464 = arith.index_cast %swap3A_1463 : i32 to index
      %swap3A_1465 = arith.constant 16 : index
      %swap3A_1466 = tpu.vector_load %arg8[%swap3A_1464, %swap3A_1465] {strides = array<i32>} : memref<2x128xi32, #tpu.memory_space<vmem>>, vector<1x16xi32>,
      %swap3A_1467 = vector.shape_cast %swap3A_1466 : vector<1x16xi32> to vector<16xi32>
      %swap3A_1468 = vector.shape_cast %and3A_1462 : vector<16xi32> to vector<1x16xi32>
      tpu.vector_store %arg8[%swap3A_1464, %swap3A_1465], %swap3A_1468 {strides = array<i32>} : memref<2x128xi32, #tpu.memory_space<vmem>>, vector<1x16xi32>,
      %add3A_1469 = arith.constant 32 : i32
      %add3A_1470 = arith.addi %multiple_of3A_1434, %add3A_1469 : i32
      %get3A_1471 = arith.index_cast %add3A_1470 : i32 to index
      %get3A_1472 = tpu.vector_load %arg6[%get3A_1471] {strides = array<i32>} : memref<10240xi32, #tpu.memory_space<vmem>>, vector<16xi32>,
      %get3A_1473 = vector.shape_cast %get3A_1472 : vector<16xi32> to vector<16xi32>
      %shift_right_arithmetic3A_1474 = arith.constant 14 : i32
      %shift_right_arithmetic3A_1475 = vector.broadcast %shift_right_arithmetic3A_1474 : i32 to vector<16xi32>
      %shift_right_arithmetic3A_1476 = arith.shrsi %get3A_1473, %shift_right_arithmetic3A_1475 : vector<16xi32>
      %and3A_1477 = arith.constant 65535 : i32
      %and3A_1478 = vector.broadcast %and3A_1477 : i32 to vector<16xi32>
      %and3A_1479 = arith.andi %shift_right_arithmetic3A_1476, %and3A_1478 : vector<16xi32>
      %swap3A_1480 = arith.constant 0 : i32
      %swap3A_1481 = arith.index_cast %swap3A_1480 : i32 to index
      %swap3A_1482 = arith.constant 32 : index
      %swap3A_1483 = tpu.vector_load %arg8[%swap3A_1481, %swap3A_1482] {strides = array<i32>} : memref<2x128xi32, #tpu.memory_space<vmem>>, vector<1x16xi32>,
      %swap3A_1484 = vector.shape_cast %swap3A_1483 : vector<1x16xi32> to vector<16xi32>
      %swap3A_1485 = vector.shape_cast %and3A_1479 : vector<16xi32> to vector<1x16xi32>
      tpu.vector_store %arg8[%swap3A_1481, %swap3A_1482], %swap3A_1485 {strides = array<i32>} : memref<2x128xi32, #tpu.memory_space<vmem>>, vector<1x16xi32>,
      %add3A_1486 = arith.constant 48 : i32
      %add3A_1487 = arith.addi %multiple_of3A_1434, %add3A_1486 : i32
      %get3A_1488 = arith.index_cast %add3A_1487 : i32 to index
      %get3A_1489 = tpu.vector_load %arg6[%get3A_1488] {strides = array<i32>} : memref<10240xi32, #tpu.memory_space<vmem>>, vector<16xi32>,
      %get3A_1490 = vector.shape_cast %get3A_1489 : vector<16xi32> to vector<16xi32>
      %shift_right_arithmetic3A_1491 = arith.constant 14 : i32
      %shift_right_arithmetic3A_1492 = vector.broadcast %shift_right_arithmetic3A_1491 : i32 to vector<16xi32>
      %shift_right_arithmetic3A_1493 = arith.shrsi %get3A_1490, %shift_right_arithmetic3A_1492 : vector<16xi32>
      %and3A_1494 = arith.constant 65535 : i32
      %and3A_1495 = vector.broadcast %and3A_1494 : i32 to vector<16xi32>
      %and3A_1496 = arith.andi %shift_right_arithmetic3A_1493, %and3A_1495 : vector<16xi32>
      %swap3A_1497 = arith.constant 0 : i32
      %swap3A_1498 = arith.index_cast %swap3A_1497 : i32 to index
      %swap3A_1499 = arith.constant 48 : index
      %swap3A_1500 = tpu.vector_load %arg8[%swap3A_1498, %swap3A_1499] {strides = array<i32>} : memref<2x128xi32, #tpu.memory_space<vmem>>, vector<1x16xi32>,
      %swap3A_1501 = vector.shape_cast %swap3A_1500 : vector<1x16xi32> to vector<16xi32>
      %swap3A_1502 = vector.shape_cast %and3A_1496 : vector<16xi32> to vector<1x16xi32>
      tpu.vector_store %arg8[%swap3A_1498, %swap3A_1499], %swap3A_1502 {strides = array<i32>} : memref<2x128xi32, #tpu.memory_space<vmem>>, vector<1x16xi32>,
      %add3A_1503 = arith.constant 64 : i32
      %add3A_1504 = arith.addi %multiple_of3A_1434, %add3A_1503 : i32
      %get3A_1505 = arith.index_cast %add3A_1504 : i32 to index
      %get3A_1506 = tpu.vector_load %arg6[%get3A_1505] {strides = array<i32>} : memref<10240xi32, #tpu.memory_space<vmem>>, vector<16xi32>,
      %get3A_1507 = vector.shape_cast %get3A_1506 : vector<16xi32> to vector<16xi32>
      %shift_right_arithmetic3A_1508 = arith.constant 14 : i32
      %shift_right_arithmetic3A_1509 = vector.broadcast %shift_right_arithmetic3A_1508 : i32 to vector<16xi32>
      %shift_right_arithmetic3A_1510 = arith.shrsi %get3A_1507, %shift_right_arithmetic3A_1509 : vector<16xi32>
      %and3A_1511 = arith.constant 65535 : i32
      %and3A_1512 = vector.broadcast %and3A_1511 : i32 to vector<16xi32>
      %and3A_1513 = arith.andi %shift_right_arithmetic3A_1510, %and3A_1512 : vector<16xi32>
      %swap3A_1514 = arith.constant 0 : i32
      %swap3A_1515 = arith.index_cast %swap3A_1514 : i32 to index
      %swap3A_1516 = arith.constant 64 : index
      %swap3A_1517 = tpu.vector_load %arg8[%swap3A_1515, %swap3A_1516] {strides = array<i32>} : memref<2x128xi32, #tpu.memory_space<vmem>>, vector<1x16xi32>,
      %swap3A_1518 = vector.shape_cast %swap3A_1517 : vector<1x16xi32> to vector<16xi32>
      %swap3A_1519 = vector.shape_cast %and3A_1513 : vector<16xi32> to vector<1x16xi32>
      tpu.vector_store %arg8[%swap3A_1515, %swap3A_1516], %swap3A_1519 {strides = array<i32>} : memref<2x128xi32, #tpu.memory_space<vmem>>, vector<1x16xi32>,
      %add3A_1520 = arith.constant 80 : i32
      %add3A_1521 = arith.addi %multiple_of3A_1434, %add3A_1520 : i32
      %get3A_1522 = arith.index_cast %add3A_1521 : i32 to index
      %get3A_1523 = tpu.vector_load %arg6[%get3A_1522] {strides = array<i32>} : memref<10240xi32, #tpu.memory_space<vmem>>, vector<16xi32>,
      %get3A_1524 = vector.shape_cast %get3A_1523 : vector<16xi32> to vector<16xi32>
      %shift_right_arithmetic3A_1525 = arith.constant 14 : i32
      %shift_right_arithmetic3A_1526 = vector.broadcast %shift_right_arithmetic3A_1525 : i32 to vector<16xi32>
      %shift_right_arithmetic3A_1527 = arith.shrsi %get3A_1524, %shift_right_arithmetic3A_1526 : vector<16xi32>
      %and3A_1528 = arith.constant 65535 : i32
      %and3A_1529 = vector.broadcast %and3A_1528 : i32 to vector<16xi32>
      %and3A_1530 = arith.andi %shift_right_arithmetic3A_1527, %and3A_1529 : vector<16xi32>
      %swap3A_1531 = arith.constant 0 : i32
      %swap3A_1532 = arith.index_cast %swap3A_1531 : i32 to index
      %swap3A_1533 = arith.constant 80 : index
      %swap3A_1534 = tpu.vector_load %arg8[%swap3A_1532, %swap3A_1533] {strides = array<i32>} : memref<2x128xi32, #tpu.memory_space<vmem>>, vector<1x16xi32>,
      %swap3A_1535 = vector.shape_cast %swap3A_1534 : vector<1x16xi32> to vector<16xi32>
      %swap3A_1536 = vector.shape_cast %and3A_1530 : vector<16xi32> to vector<1x16xi32>
      tpu.vector_store %arg8[%swap3A_1532, %swap3A_1533], %swap3A_1536 {strides = array<i32>} : memref<2x128xi32, #tpu.memory_space<vmem>>, vector<1x16xi32>,
      %add3A_1537 = arith.constant 96 : i32
      %add3A_1538 = arith.addi %multiple_of3A_1434, %add3A_1537 : i32
      %get3A_1539 = arith.index_cast %add3A_1538 : i32 to index
      %get3A_1540 = tpu.vector_load %arg6[%get3A_1539] {strides = array<i32>} : memref<10240xi32, #tpu.memory_space<vmem>>, vector<16xi32>,
      %get3A_1541 = vector.shape_cast %get3A_1540 : vector<16xi32> to vector<16xi32>
      %shift_right_arithmetic3A_1542 = arith.constant 14 : i32
      %shift_right_arithmetic3A_1543 = vector.broadcast %shift_right_arithmetic3A_1542 : i32 to vector<16xi32>
      %shift_right_arithmetic3A_1544 = arith.shrsi %get3A_1541, %shift_right_arithmetic3A_1543 : vector<16xi32>
      %and3A_1545 = arith.constant 65535 : i32
      %and3A_1546 = vector.broadcast %and3A_1545 : i32 to vector<16xi32>
      %and3A_1547 = arith.andi %shift_right_arithmetic3A_1544, %and3A_1546 : vector<16xi32>
      %swap3A_1548 = arith.constant 0 : i32
      %swap3A_1549 = arith.index_cast %swap3A_1548 : i32 to index
      %swap3A_1550 = arith.constant 96 : index
      %swap3A_1551 = tpu.vector_load %arg8[%swap3A_1549, %swap3A_1550] {strides = array<i32>} : memref<2x128xi32, #tpu.memory_space<vmem>>, vector<1x16xi32>,
      %swap3A_1552 = vector.shape_cast %swap3A_1551 : vector<1x16xi32> to vector<16xi32>
      %swap3A_1553 = vector.shape_cast %and3A_1547 : vector<16xi32> to vector<1x16xi32>
      tpu.vector_store %arg8[%swap3A_1549, %swap3A_1550], %swap3A_1553 {strides = array<i32>} : memref<2x128xi32, #tpu.memory_space<vmem>>, vector<1x16xi32>,
      %add3A_1554 = arith.constant 112 : i32
      %add3A_1555 = arith.addi %multiple_of3A_1434, %add3A_1554 : i32
      %get3A_1556 = arith.index_cast %add3A_1555 : i32 to index
      %get3A_1557 = tpu.vector_load %arg6[%get3A_1556] {strides = array<i32>} : memref<10240xi32, #tpu.memory_space<vmem>>, vector<16xi32>,
      %get3A_1558 = vector.shape_cast %get3A_1557 : vector<16xi32> to vector<16xi32>
      %shift_right_arithmetic3A_1559 = arith.constant 14 : i32
      %shift_right_arithmetic3A_1560 = vector.broadcast %shift_right_arithmetic3A_1559 : i32 to vector<16xi32>
      %shift_right_arithmetic3A_1561 = arith.shrsi %get3A_1558, %shift_right_arithmetic3A_1560 : vector<16xi32>
      %and3A_1562 = arith.constant 65535 : i32
      %and3A_1563 = vector.broadcast %and3A_1562 : i32 to vector<16xi32>
      %and3A_1564 = arith.andi %shift_right_arithmetic3A_1561, %and3A_1563 : vector<16xi32>
      %swap3A_1565 = arith.constant 0 : i32
      %swap3A_1566 = arith.index_cast %swap3A_1565 : i32 to index
      %swap3A_1567 = arith.constant 112 : index
      %swap3A_1568 = tpu.vector_load %arg8[%swap3A_1566, %swap3A_1567] {strides = array<i32>} : memref<2x128xi32, #tpu.memory_space<vmem>>, vector<1x16xi32>,
      %swap3A_1569 = vector.shape_cast %swap3A_1568 : vector<1x16xi32> to vector<16xi32>
      %swap3A_1570 = vector.shape_cast %and3A_1564 : vector<16xi32> to vector<1x16xi32>
      tpu.vector_store %arg8[%swap3A_1566, %swap3A_1567], %swap3A_1570 {strides = array<i32>} : memref<2x128xi32, #tpu.memory_space<vmem>>, vector<1x16xi32>,
      %dma_start3A_1571 = arith.constant 0 : i32
      %dma_start3A_1572 = arith.constant 0 : i32
      %dma_start3A_1573 = tpu.memref_slice %arg8[%dma_start3A_1571, %dma_start3A_1572] : memref<2x128xi32, #tpu.memory_space<vmem>> -> memref<1x128xi32, #tpu.memory_space<vmem>>
      %dma_start3A_1574 = tpu.memref_squeeze %dma_start3A_1573 : memref<1x128xi32, #tpu.memory_space<vmem>> -> memref<128xi32, #tpu.memory_space<vmem>>
      %dma_start3A_1575 = arith.constant 0 : i32
      %dma_start3A_1576 = arith.constant 0 : i32
      %dma_start3A_1577 = tpu.memref_slice %arg11[%dma_start3A_1575, %dma_start3A_1576] : memref<10112x128xf32, #tpu.memory_space<vmem_shared>> -> memref<10112x128xf32, #tpu.memory_space<vmem_shared>>
      tpu.enqueue_indirect_dma source(%arg9 : memref<128x128xf32, #tpu.memory_space<vmem>>) target(%dma_start3A_1577 : memref<10112x128xf32, #tpu.memory_space<vmem_shared>>) offsets(%dma_start3A_1574 : memref<128xi32, #tpu.memory_space<vmem>>) semaphore(%arg14 : memref<!tpu.dma_semaphore, #tpu.memory_space<semaphore_mem>>) {add = true}
      %mul3A_1578 = arith.constant 2 : i32
      %mul3A_1579 = arith.muli %mul3A_1578, %while3A_1267 : i32
      %add3A_1580 = arith.constant 1 : i32
      %add3A_1581 = arith.addi %mul3A_1579, %add3A_1580 : i32
      %dma_wait3A_1582 = arith.constant 0 : i32
      %dma_wait3A_1583 = arith.constant 0 : i32
      %dma_wait3A_1584 = tpu.memref_slice %arg8[%dma_wait3A_1582, %dma_wait3A_1583] : memref<2x128xi32, #tpu.memory_space<vmem>> -> memref<1x128xi32, #tpu.memory_space<vmem>>
      %dma_wait3A_1585 = tpu.memref_squeeze %dma_wait3A_1584 : memref<1x128xi32, #tpu.memory_space<vmem>> -> memref<128xi32, #tpu.memory_space<vmem>>
      %dma_wait3A_1586 = arith.constant 0 : i32
      %dma_wait3A_1587 = arith.constant 0 : i32
      %dma_wait3A_1588 = tpu.memref_slice %arg11[%dma_wait3A_1586, %dma_wait3A_1587] : memref<10112x128xf32, #tpu.memory_space<vmem_shared>> -> memref<10112x128xf32, #tpu.memory_space<vmem_shared>>
      tpu.wait_indirect_dma semaphore(%arg14 : memref<!tpu.dma_semaphore, #tpu.memory_space<semaphore_mem>>) src(%arg9 : memref<128x128xf32, #tpu.memory_space<vmem>>) dst(%dma_wait3A_1588 : memref<10112x128xf32, #tpu.memory_space<vmem_shared>>)
      %add3A_1589 = arith.constant 1 : i32
      %add3A_1590 = arith.addi %add3A_1581, %add3A_1589 : i32
      %mul3A_1591 = arith.constant 128 : i32
      %mul3A_1592 = arith.muli %add3A_1590, %mul3A_1591 : i32
      %multiple_of3A_1593 = tpu.assume_multiple %mul3A_1592, 128 : i32
      %add3A_1594 = arith.constant 0 : i32
      %add3A_1595 = arith.addi %multiple_of3A_1593, %add3A_1594 : i32
      %get3A_1596 = arith.index_cast %add3A_1595 : i32 to index
      %get3A_1597 = tpu.vector_load %arg6[%get3A_1596] {strides = array<i32>} : memref<10240xi32, #tpu.memory_space<vmem>>, vector<16xi32>,
      %get3A_1598 = vector.shape_cast %get3A_1597 : vector<16xi32> to vector<16xi32>
      %shift_right_arithmetic3A_1599 = arith.constant 0 : i32
      %shift_right_arithmetic3A_1600 = vector.broadcast %shift_right_arithmetic3A_1599 : i32 to vector<16xi32>
      %shift_right_arithmetic3A_1601 = arith.shrsi %get3A_1598, %shift_right_arithmetic3A_1600 : vector<16xi32>
      %and3A_1602 = arith.constant 16383 : i32
      %and3A_1603 = vector.broadcast %and3A_1602 : i32 to vector<16xi32>
      %and3A_1604 = arith.andi %shift_right_arithmetic3A_1601, %and3A_1603 : vector<16xi32>
      %swap3A_1605 = arith.constant 0 : i32
      %swap3A_1606 = arith.index_cast %swap3A_1605 : i32 to index
      %swap3A_1607 = arith.constant 0 : index
      %swap3A_1608 = tpu.vector_load %arg7[%swap3A_1606, %swap3A_1607] {strides = array<i32>} : memref<2x128xi32, #tpu.memory_space<vmem>>, vector<1x16xi32>,
      %swap3A_1609 = vector.shape_cast %swap3A_1608 : vector<1x16xi32> to vector<16xi32>
      %swap3A_1610 = vector.shape_cast %and3A_1604 : vector<16xi32> to vector<1x16xi32>
      tpu.vector_store %arg7[%swap3A_1606, %swap3A_1607], %swap3A_1610 {strides = array<i32>} : memref<2x128xi32, #tpu.memory_space<vmem>>, vector<1x16xi32>,
      %add3A_1611 = arith.constant 16 : i32
      %add3A_1612 = arith.addi %multiple_of3A_1593, %add3A_1611 : i32
      %get3A_1613 = arith.index_cast %add3A_1612 : i32 to index
      %get3A_1614 = tpu.vector_load %arg6[%get3A_1613] {strides = array<i32>} : memref<10240xi32, #tpu.memory_space<vmem>>, vector<16xi32>,
      %get3A_1615 = vector.shape_cast %get3A_1614 : vector<16xi32> to vector<16xi32>
      %shift_right_arithmetic3A_1616 = arith.constant 0 : i32
      %shift_right_arithmetic3A_1617 = vector.broadcast %shift_right_arithmetic3A_1616 : i32 to vector<16xi32>
      %shift_right_arithmetic3A_1618 = arith.shrsi %get3A_1615, %shift_right_arithmetic3A_1617 : vector<16xi32>
      %and3A_1619 = arith.constant 16383 : i32
      %and3A_1620 = vector.broadcast %and3A_1619 : i32 to vector<16xi32>
      %and3A_1621 = arith.andi %shift_right_arithmetic3A_1618, %and3A_1620 : vector<16xi32>
      %swap3A_1622 = arith.constant 0 : i32
      %swap3A_1623 = arith.index_cast %swap3A_1622 : i32 to index
      %swap3A_1624 = arith.constant 16 : index
      %swap3A_1625 = tpu.vector_load %arg7[%swap3A_1623, %swap3A_1624] {strides = array<i32>} : memref<2x128xi32, #tpu.memory_space<vmem>>, vector<1x16xi32>,
      %swap3A_1626 = vector.shape_cast %swap3A_1625 : vector<1x16xi32> to vector<16xi32>
      %swap3A_1627 = vector.shape_cast %and3A_1621 : vector<16xi32> to vector<1x16xi32>
      tpu.vector_store %arg7[%swap3A_1623, %swap3A_1624], %swap3A_1627 {strides = array<i32>} : memref<2x128xi32, #tpu.memory_space<vmem>>, vector<1x16xi32>,
      %add3A_1628 = arith.constant 32 : i32
      %add3A_1629 = arith.addi %multiple_of3A_1593, %add3A_1628 : i32
      %get3A_1630 = arith.index_cast %add3A_1629 : i32 to index
      %get3A_1631 = tpu.vector_load %arg6[%get3A_1630] {strides = array<i32>} : memref<10240xi32, #tpu.memory_space<vmem>>, vector<16xi32>,
      %get3A_1632 = vector.shape_cast %get3A_1631 : vector<16xi32> to vector<16xi32>
      %shift_right_arithmetic3A_1633 = arith.constant 0 : i32
      %shift_right_arithmetic3A_1634 = vector.broadcast %shift_right_arithmetic3A_1633 : i32 to vector<16xi32>
      %shift_right_arithmetic3A_1635 = arith.shrsi %get3A_1632, %shift_right_arithmetic3A_1634 : vector<16xi32>
      %and3A_1636 = arith.constant 16383 : i32
      %and3A_1637 = vector.broadcast %and3A_1636 : i32 to vector<16xi32>
      %and3A_1638 = arith.andi %shift_right_arithmetic3A_1635, %and3A_1637 : vector<16xi32>
      %swap3A_1639 = arith.constant 0 : i32
      %swap3A_1640 = arith.index_cast %swap3A_1639 : i32 to index
      %swap3A_1641 = arith.constant 32 : index
      %swap3A_1642 = tpu.vector_load %arg7[%swap3A_1640, %swap3A_1641] {strides = array<i32>} : memref<2x128xi32, #tpu.memory_space<vmem>>, vector<1x16xi32>,
      %swap3A_1643 = vector.shape_cast %swap3A_1642 : vector<1x16xi32> to vector<16xi32>
      %swap3A_1644 = vector.shape_cast %and3A_1638 : vector<16xi32> to vector<1x16xi32>
      tpu.vector_store %arg7[%swap3A_1640, %swap3A_1641], %swap3A_1644 {strides = array<i32>} : memref<2x128xi32, #tpu.memory_space<vmem>>, vector<1x16xi32>,
      %add3A_1645 = arith.constant 48 : i32
      %add3A_1646 = arith.addi %multiple_of3A_1593, %add3A_1645 : i32
      %get3A_1647 = arith.index_cast %add3A_1646 : i32 to index
      %get3A_1648 = tpu.vector_load %arg6[%get3A_1647] {strides = array<i32>} : memref<10240xi32, #tpu.memory_space<vmem>>, vector<16xi32>,
      %get3A_1649 = vector.shape_cast %get3A_1648 : vector<16xi32> to vector<16xi32>
      %shift_right_arithmetic3A_1650 = arith.constant 0 : i32
      %shift_right_arithmetic3A_1651 = vector.broadcast %shift_right_arithmetic3A_1650 : i32 to vector<16xi32>
      %shift_right_arithmetic3A_1652 = arith.shrsi %get3A_1649, %shift_right_arithmetic3A_1651 : vector<16xi32>
      %and3A_1653 = arith.constant 16383 : i32
      %and3A_1654 = vector.broadcast %and3A_1653 : i32 to vector<16xi32>
      %and3A_1655 = arith.andi %shift_right_arithmetic3A_1652, %and3A_1654 : vector<16xi32>
      %swap3A_1656 = arith.constant 0 : i32
      %swap3A_1657 = arith.index_cast %swap3A_1656 : i32 to index
      %swap3A_1658 = arith.constant 48 : index
      %swap3A_1659 = tpu.vector_load %arg7[%swap3A_1657, %swap3A_1658] {strides = array<i32>} : memref<2x128xi32, #tpu.memory_space<vmem>>, vector<1x16xi32>,
      %swap3A_1660 = vector.shape_cast %swap3A_1659 : vector<1x16xi32> to vector<16xi32>
      %swap3A_1661 = vector.shape_cast %and3A_1655 : vector<16xi32> to vector<1x16xi32>
      tpu.vector_store %arg7[%swap3A_1657, %swap3A_1658], %swap3A_1661 {strides = array<i32>} : memref<2x128xi32, #tpu.memory_space<vmem>>, vector<1x16xi32>,
      %add3A_1662 = arith.constant 64 : i32
      %add3A_1663 = arith.addi %multiple_of3A_1593, %add3A_1662 : i32
      %get3A_1664 = arith.index_cast %add3A_1663 : i32 to index
      %get3A_1665 = tpu.vector_load %arg6[%get3A_1664] {strides = array<i32>} : memref<10240xi32, #tpu.memory_space<vmem>>, vector<16xi32>,
      %get3A_1666 = vector.shape_cast %get3A_1665 : vector<16xi32> to vector<16xi32>
      %shift_right_arithmetic3A_1667 = arith.constant 0 : i32
      %shift_right_arithmetic3A_1668 = vector.broadcast %shift_right_arithmetic3A_1667 : i32 to vector<16xi32>
      %shift_right_arithmetic3A_1669 = arith.shrsi %get3A_1666, %shift_right_arithmetic3A_1668 : vector<16xi32>
      %and3A_1670 = arith.constant 16383 : i32
      %and3A_1671 = vector.broadcast %and3A_1670 : i32 to vector<16xi32>
      %and3A_1672 = arith.andi %shift_right_arithmetic3A_1669, %and3A_1671 : vector<16xi32>
      %swap3A_1673 = arith.constant 0 : i32
      %swap3A_1674 = arith.index_cast %swap3A_1673 : i32 to index
      %swap3A_1675 = arith.constant 64 : index
      %swap3A_1676 = tpu.vector_load %arg7[%swap3A_1674, %swap3A_1675] {strides = array<i32>} : memref<2x128xi32, #tpu.memory_space<vmem>>, vector<1x16xi32>,
      %swap3A_1677 = vector.shape_cast %swap3A_1676 : vector<1x16xi32> to vector<16xi32>
      %swap3A_1678 = vector.shape_cast %and3A_1672 : vector<16xi32> to vector<1x16xi32>
      tpu.vector_store %arg7[%swap3A_1674, %swap3A_1675], %swap3A_1678 {strides = array<i32>} : memref<2x128xi32, #tpu.memory_space<vmem>>, vector<1x16xi32>,
      %add3A_1679 = arith.constant 80 : i32
      %add3A_1680 = arith.addi %multiple_of3A_1593, %add3A_1679 : i32
      %get3A_1681 = arith.index_cast %add3A_1680 : i32 to index
      %get3A_1682 = tpu.vector_load %arg6[%get3A_1681] {strides = array<i32>} : memref<10240xi32, #tpu.memory_space<vmem>>, vector<16xi32>,
      %get3A_1683 = vector.shape_cast %get3A_1682 : vector<16xi32> to vector<16xi32>
      %shift_right_arithmetic3A_1684 = arith.constant 0 : i32
      %shift_right_arithmetic3A_1685 = vector.broadcast %shift_right_arithmetic3A_1684 : i32 to vector<16xi32>
      %shift_right_arithmetic3A_1686 = arith.shrsi %get3A_1683, %shift_right_arithmetic3A_1685 : vector<16xi32>
      %and3A_1687 = arith.constant 16383 : i32
      %and3A_1688 = vector.broadcast %and3A_1687 : i32 to vector<16xi32>
      %and3A_1689 = arith.andi %shift_right_arithmetic3A_1686, %and3A_1688 : vector<16xi32>
      %swap3A_1690 = arith.constant 0 : i32
      %swap3A_1691 = arith.index_cast %swap3A_1690 : i32 to index
      %swap3A_1692 = arith.constant 80 : index
      %swap3A_1693 = tpu.vector_load %arg7[%swap3A_1691, %swap3A_1692] {strides = array<i32>} : memref<2x128xi32, #tpu.memory_space<vmem>>, vector<1x16xi32>,
      %swap3A_1694 = vector.shape_cast %swap3A_1693 : vector<1x16xi32> to vector<16xi32>
      %swap3A_1695 = vector.shape_cast %and3A_1689 : vector<16xi32> to vector<1x16xi32>
      tpu.vector_store %arg7[%swap3A_1691, %swap3A_1692], %swap3A_1695 {strides = array<i32>} : memref<2x128xi32, #tpu.memory_space<vmem>>, vector<1x16xi32>,
      %add3A_1696 = arith.constant 96 : i32
      %add3A_1697 = arith.addi %multiple_of3A_1593, %add3A_1696 : i32
      %get3A_1698 = arith.index_cast %add3A_1697 : i32 to index
      %get3A_1699 = tpu.vector_load %arg6[%get3A_1698] {strides = array<i32>} : memref<10240xi32, #tpu.memory_space<vmem>>, vector<16xi32>,
      %get3A_1700 = vector.shape_cast %get3A_1699 : vector<16xi32> to vector<16xi32>
      %shift_right_arithmetic3A_1701 = arith.constant 0 : i32
      %shift_right_arithmetic3A_1702 = vector.broadcast %shift_right_arithmetic3A_1701 : i32 to vector<16xi32>
      %shift_right_arithmetic3A_1703 = arith.shrsi %get3A_1700, %shift_right_arithmetic3A_1702 : vector<16xi32>
      %and3A_1704 = arith.constant 16383 : i32
      %and3A_1705 = vector.broadcast %and3A_1704 : i32 to vector<16xi32>
      %and3A_1706 = arith.andi %shift_right_arithmetic3A_1703, %and3A_1705 : vector<16xi32>
      %swap3A_1707 = arith.constant 0 : i32
      %swap3A_1708 = arith.index_cast %swap3A_1707 : i32 to index
      %swap3A_1709 = arith.constant 96 : index
      %swap3A_1710 = tpu.vector_load %arg7[%swap3A_1708, %swap3A_1709] {strides = array<i32>} : memref<2x128xi32, #tpu.memory_space<vmem>>, vector<1x16xi32>,
      %swap3A_1711 = vector.shape_cast %swap3A_1710 : vector<1x16xi32> to vector<16xi32>
      %swap3A_1712 = vector.shape_cast %and3A_1706 : vector<16xi32> to vector<1x16xi32>
      tpu.vector_store %arg7[%swap3A_1708, %swap3A_1709], %swap3A_1712 {strides = array<i32>} : memref<2x128xi32, #tpu.memory_space<vmem>>, vector<1x16xi32>,
      %add3A_1713 = arith.constant 112 : i32
      %add3A_1714 = arith.addi %multiple_of3A_1593, %add3A_1713 : i32
      %get3A_1715 = arith.index_cast %add3A_1714 : i32 to index
      %get3A_1716 = tpu.vector_load %arg6[%get3A_1715] {strides = array<i32>} : memref<10240xi32, #tpu.memory_space<vmem>>, vector<16xi32>,
      %get3A_1717 = vector.shape_cast %get3A_1716 : vector<16xi32> to vector<16xi32>
      %shift_right_arithmetic3A_1718 = arith.constant 0 : i32
      %shift_right_arithmetic3A_1719 = vector.broadcast %shift_right_arithmetic3A_1718 : i32 to vector<16xi32>
      %shift_right_arithmetic3A_1720 = arith.shrsi %get3A_1717, %shift_right_arithmetic3A_1719 : vector<16xi32>
      %and3A_1721 = arith.constant 16383 : i32
      %and3A_1722 = vector.broadcast %and3A_1721 : i32 to vector<16xi32>
      %and3A_1723 = arith.andi %shift_right_arithmetic3A_1720, %and3A_1722 : vector<16xi32>
      %swap3A_1724 = arith.constant 0 : i32
      %swap3A_1725 = arith.index_cast %swap3A_1724 : i32 to index
      %swap3A_1726 = arith.constant 112 : index
      %swap3A_1727 = tpu.vector_load %arg7[%swap3A_1725, %swap3A_1726] {strides = array<i32>} : memref<2x128xi32, #tpu.memory_space<vmem>>, vector<1x16xi32>,
      %swap3A_1728 = vector.shape_cast %swap3A_1727 : vector<1x16xi32> to vector<16xi32>
      %swap3A_1729 = vector.shape_cast %and3A_1723 : vector<16xi32> to vector<1x16xi32>
      tpu.vector_store %arg7[%swap3A_1725, %swap3A_1726], %swap3A_1729 {strides = array<i32>} : memref<2x128xi32, #tpu.memory_space<vmem>>, vector<1x16xi32>,
      %dma_start3A_1730 = arith.constant 0 : i32
      %dma_start3A_1731 = arith.constant 0 : i32
      %dma_start3A_1732 = tpu.memref_slice %arg7[%dma_start3A_1730, %dma_start3A_1731] : memref<2x128xi32, #tpu.memory_space<vmem>> -> memref<1x128xi32, #tpu.memory_space<vmem>>
      %dma_start3A_1733 = tpu.memref_squeeze %dma_start3A_1732 : memref<1x128xi32, #tpu.memory_space<vmem>> -> memref<128xi32, #tpu.memory_space<vmem>>
      %dma_start3A_1734 = arith.constant 0 : i32
      %dma_start3A_1735 = arith.constant 0 : i32
      %dma_start3A_1736 = tpu.memref_slice %arg2[%dma_start3A_1734, %dma_start3A_1735] : memref<10000x128xf32, #tpu.memory_space<hbm>> -> memref<10000x128xf32, #tpu.memory_space<hbm>>
      tpu.enqueue_indirect_dma source(%dma_start3A_1736 : memref<10000x128xf32, #tpu.memory_space<hbm>>) target(%arg9 : memref<128x128xf32, #tpu.memory_space<vmem>>) offsets(%dma_start3A_1733 : memref<128xi32, #tpu.memory_space<vmem>>) semaphore(%arg12 : memref<!tpu.dma_semaphore, #tpu.memory_space<semaphore_mem>>)
      %dma_wait3A_1737 = arith.constant 1 : i32
      %dma_wait3A_1738 = arith.constant 0 : i32
      %dma_wait3A_1739 = tpu.memref_slice %arg7[%dma_wait3A_1737, %dma_wait3A_1738] : memref<2x128xi32, #tpu.memory_space<vmem>> -> memref<1x128xi32, #tpu.memory_space<vmem>>
      %dma_wait3A_1740 = tpu.memref_squeeze %dma_wait3A_1739 : memref<1x128xi32, #tpu.memory_space<vmem>> -> memref<128xi32, #tpu.memory_space<vmem>>
      %dma_wait3A_1741 = arith.constant 0 : i32
      %dma_wait3A_1742 = arith.constant 0 : i32
      %dma_wait3A_1743 = tpu.memref_slice %arg2[%dma_wait3A_1741, %dma_wait3A_1742] : memref<10000x128xf32, #tpu.memory_space<hbm>> -> memref<10000x128xf32, #tpu.memory_space<hbm>>
      tpu.wait_indirect_dma semaphore(%arg13 : memref<!tpu.dma_semaphore, #tpu.memory_space<semaphore_mem>>) src(%dma_wait3A_1743 : memref<10000x128xf32, #tpu.memory_space<hbm>>) dst(%arg10 : memref<128x128xf32, #tpu.memory_space<vmem>>)
      %mul3A_1744 = arith.constant 128 : i32
      %mul3A_1745 = arith.muli %add3A_1581, %mul3A_1744 : i32
      %multiple_of3A_1746 = tpu.assume_multiple %mul3A_1745, 128 : i32
      %add3A_1747 = arith.constant 0 : i32
      %add3A_1748 = arith.addi %multiple_of3A_1746, %add3A_1747 : i32
      %get3A_1749 = arith.index_cast %add3A_1748 : i32 to index
      %get3A_1750 = tpu.vector_load %arg6[%get3A_1749] {strides = array<i32>} : memref<10240xi32, #tpu.memory_space<vmem>>, vector<16xi32>,
      %get3A_1751 = vector.shape_cast %get3A_1750 : vector<16xi32> to vector<16xi32>
      %shift_right_arithmetic3A_1752 = arith.constant 14 : i32
      %shift_right_arithmetic3A_1753 = vector.broadcast %shift_right_arithmetic3A_1752 : i32 to vector<16xi32>
      %shift_right_arithmetic3A_1754 = arith.shrsi %get3A_1751, %shift_right_arithmetic3A_1753 : vector<16xi32>
      %and3A_1755 = arith.constant 65535 : i32
      %and3A_1756 = vector.broadcast %and3A_1755 : i32 to vector<16xi32>
      %and3A_1757 = arith.andi %shift_right_arithmetic3A_1754, %and3A_1756 : vector<16xi32>
      %swap3A_1758 = arith.constant 1 : i32
      %swap3A_1759 = arith.index_cast %swap3A_1758 : i32 to index
      %swap3A_1760 = arith.constant 0 : index
      %swap3A_1761 = tpu.vector_load %arg8[%swap3A_1759, %swap3A_1760] {strides = array<i32>} : memref<2x128xi32, #tpu.memory_space<vmem>>, vector<1x16xi32>,
      %swap3A_1762 = vector.shape_cast %swap3A_1761 : vector<1x16xi32> to vector<16xi32>
      %swap3A_1763 = vector.shape_cast %and3A_1757 : vector<16xi32> to vector<1x16xi32>
      tpu.vector_store %arg8[%swap3A_1759, %swap3A_1760], %swap3A_1763 {strides = array<i32>} : memref<2x128xi32, #tpu.memory_space<vmem>>, vector<1x16xi32>,
      %add3A_1764 = arith.constant 16 : i32
      %add3A_1765 = arith.addi %multiple_of3A_1746, %add3A_1764 : i32
      %get3A_1766 = arith.index_cast %add3A_1765 : i32 to index
      %get3A_1767 = tpu.vector_load %arg6[%get3A_1766] {strides = array<i32>} : memref<10240xi32, #tpu.memory_space<vmem>>, vector<16xi32>,
      %get3A_1768 = vector.shape_cast %get3A_1767 : vector<16xi32> to vector<16xi32>
      %shift_right_arithmetic3A_1769 = arith.constant 14 : i32
      %shift_right_arithmetic3A_1770 = vector.broadcast %shift_right_arithmetic3A_1769 : i32 to vector<16xi32>
      %shift_right_arithmetic3A_1771 = arith.shrsi %get3A_1768, %shift_right_arithmetic3A_1770 : vector<16xi32>
      %and3A_1772 = arith.constant 65535 : i32
      %and3A_1773 = vector.broadcast %and3A_1772 : i32 to vector<16xi32>
      %and3A_1774 = arith.andi %shift_right_arithmetic3A_1771, %and3A_1773 : vector<16xi32>
      %swap3A_1775 = arith.constant 1 : i32
      %swap3A_1776 = arith.index_cast %swap3A_1775 : i32 to index
      %swap3A_1777 = arith.constant 16 : index
      %swap3A_1778 = tpu.vector_load %arg8[%swap3A_1776, %swap3A_1777] {strides = array<i32>} : memref<2x128xi32, #tpu.memory_space<vmem>>, vector<1x16xi32>,
      %swap3A_1779 = vector.shape_cast %swap3A_1778 : vector<1x16xi32> to vector<16xi32>
      %swap3A_1780 = vector.shape_cast %and3A_1774 : vector<16xi32> to vector<1x16xi32>
      tpu.vector_store %arg8[%swap3A_1776, %swap3A_1777], %swap3A_1780 {strides = array<i32>} : memref<2x128xi32, #tpu.memory_space<vmem>>, vector<1x16xi32>,
      %add3A_1781 = arith.constant 32 : i32
      %add3A_1782 = arith.addi %multiple_of3A_1746, %add3A_1781 : i32
      %get3A_1783 = arith.index_cast %add3A_1782 : i32 to index
      %get3A_1784 = tpu.vector_load %arg6[%get3A_1783] {strides = array<i32>} : memref<10240xi32, #tpu.memory_space<vmem>>, vector<16xi32>,
      %get3A_1785 = vector.shape_cast %get3A_1784 : vector<16xi32> to vector<16xi32>
      %shift_right_arithmetic3A_1786 = arith.constant 14 : i32
      %shift_right_arithmetic3A_1787 = vector.broadcast %shift_right_arithmetic3A_1786 : i32 to vector<16xi32>
      %shift_right_arithmetic3A_1788 = arith.shrsi %get3A_1785, %shift_right_arithmetic3A_1787 : vector<16xi32>
      %and3A_1789 = arith.constant 65535 : i32
      %and3A_1790 = vector.broadcast %and3A_1789 : i32 to vector<16xi32>
      %and3A_1791 = arith.andi %shift_right_arithmetic3A_1788, %and3A_1790 : vector<16xi32>
      %swap3A_1792 = arith.constant 1 : i32
      %swap3A_1793 = arith.index_cast %swap3A_1792 : i32 to index
      %swap3A_1794 = arith.constant 32 : index
      %swap3A_1795 = tpu.vector_load %arg8[%swap3A_1793, %swap3A_1794] {strides = array<i32>} : memref<2x128xi32, #tpu.memory_space<vmem>>, vector<1x16xi32>,
      %swap3A_1796 = vector.shape_cast %swap3A_1795 : vector<1x16xi32> to vector<16xi32>
      %swap3A_1797 = vector.shape_cast %and3A_1791 : vector<16xi32> to vector<1x16xi32>
      tpu.vector_store %arg8[%swap3A_1793, %swap3A_1794], %swap3A_1797 {strides = array<i32>} : memref<2x128xi32, #tpu.memory_space<vmem>>, vector<1x16xi32>,
      %add3A_1798 = arith.constant 48 : i32
      %add3A_1799 = arith.addi %multiple_of3A_1746, %add3A_1798 : i32
      %get3A_1800 = arith.index_cast %add3A_1799 : i32 to index
      %get3A_1801 = tpu.vector_load %arg6[%get3A_1800] {strides = array<i32>} : memref<10240xi32, #tpu.memory_space<vmem>>, vector<16xi32>,
      %get3A_1802 = vector.shape_cast %get3A_1801 : vector<16xi32> to vector<16xi32>
      %shift_right_arithmetic3A_1803 = arith.constant 14 : i32
      %shift_right_arithmetic3A_1804 = vector.broadcast %shift_right_arithmetic3A_1803 : i32 to vector<16xi32>
      %shift_right_arithmetic3A_1805 = arith.shrsi %get3A_1802, %shift_right_arithmetic3A_1804 : vector<16xi32>
      %and3A_1806 = arith.constant 65535 : i32
      %and3A_1807 = vector.broadcast %and3A_1806 : i32 to vector<16xi32>
      %and3A_1808 = arith.andi %shift_right_arithmetic3A_1805, %and3A_1807 : vector<16xi32>
      %swap3A_1809 = arith.constant 1 : i32
      %swap3A_1810 = arith.index_cast %swap3A_1809 : i32 to index
      %swap3A_1811 = arith.constant 48 : index
      %swap3A_1812 = tpu.vector_load %arg8[%swap3A_1810, %swap3A_1811] {strides = array<i32>} : memref<2x128xi32, #tpu.memory_space<vmem>>, vector<1x16xi32>,
      %swap3A_1813 = vector.shape_cast %swap3A_1812 : vector<1x16xi32> to vector<16xi32>
      %swap3A_1814 = vector.shape_cast %and3A_1808 : vector<16xi32> to vector<1x16xi32>
      tpu.vector_store %arg8[%swap3A_1810, %swap3A_1811], %swap3A_1814 {strides = array<i32>} : memref<2x128xi32, #tpu.memory_space<vmem>>, vector<1x16xi32>,
      %add3A_1815 = arith.constant 64 : i32
      %add3A_1816 = arith.addi %multiple_of3A_1746, %add3A_1815 : i32
      %get3A_1817 = arith.index_cast %add3A_1816 : i32 to index
      %get3A_1818 = tpu.vector_load %arg6[%get3A_1817] {strides = array<i32>} : memref<10240xi32, #tpu.memory_space<vmem>>, vector<16xi32>,
      %get3A_1819 = vector.shape_cast %get3A_1818 : vector<16xi32> to vector<16xi32>
      %shift_right_arithmetic3A_1820 = arith.constant 14 : i32
      %shift_right_arithmetic3A_1821 = vector.broadcast %shift_right_arithmetic3A_1820 : i32 to vector<16xi32>
      %shift_right_arithmetic3A_1822 = arith.shrsi %get3A_1819, %shift_right_arithmetic3A_1821 : vector<16xi32>
      %and3A_1823 = arith.constant 65535 : i32
      %and3A_1824 = vector.broadcast %and3A_1823 : i32 to vector<16xi32>
      %and3A_1825 = arith.andi %shift_right_arithmetic3A_1822, %and3A_1824 : vector<16xi32>
      %swap3A_1826 = arith.constant 1 : i32
      %swap3A_1827 = arith.index_cast %swap3A_1826 : i32 to index
      %swap3A_1828 = arith.constant 64 : index
      %swap3A_1829 = tpu.vector_load %arg8[%swap3A_1827, %swap3A_1828] {strides = array<i32>} : memref<2x128xi32, #tpu.memory_space<vmem>>, vector<1x16xi32>,
      %swap3A_1830 = vector.shape_cast %swap3A_1829 : vector<1x16xi32> to vector<16xi32>
      %swap3A_1831 = vector.shape_cast %and3A_1825 : vector<16xi32> to vector<1x16xi32>
      tpu.vector_store %arg8[%swap3A_1827, %swap3A_1828], %swap3A_1831 {strides = array<i32>} : memref<2x128xi32, #tpu.memory_space<vmem>>, vector<1x16xi32>,
      %add3A_1832 = arith.constant 80 : i32
      %add3A_1833 = arith.addi %multiple_of3A_1746, %add3A_1832 : i32
      %get3A_1834 = arith.index_cast %add3A_1833 : i32 to index
      %get3A_1835 = tpu.vector_load %arg6[%get3A_1834] {strides = array<i32>} : memref<10240xi32, #tpu.memory_space<vmem>>, vector<16xi32>,
      %get3A_1836 = vector.shape_cast %get3A_1835 : vector<16xi32> to vector<16xi32>
      %shift_right_arithmetic3A_1837 = arith.constant 14 : i32
      %shift_right_arithmetic3A_1838 = vector.broadcast %shift_right_arithmetic3A_1837 : i32 to vector<16xi32>
      %shift_right_arithmetic3A_1839 = arith.shrsi %get3A_1836, %shift_right_arithmetic3A_1838 : vector<16xi32>
      %and3A_1840 = arith.constant 65535 : i32
      %and3A_1841 = vector.broadcast %and3A_1840 : i32 to vector<16xi32>
      %and3A_1842 = arith.andi %shift_right_arithmetic3A_1839, %and3A_1841 : vector<16xi32>
      %swap3A_1843 = arith.constant 1 : i32
      %swap3A_1844 = arith.index_cast %swap3A_1843 : i32 to index
      %swap3A_1845 = arith.constant 80 : index
      %swap3A_1846 = tpu.vector_load %arg8[%swap3A_1844, %swap3A_1845] {strides = array<i32>} : memref<2x128xi32, #tpu.memory_space<vmem>>, vector<1x16xi32>,
      %swap3A_1847 = vector.shape_cast %swap3A_1846 : vector<1x16xi32> to vector<16xi32>
      %swap3A_1848 = vector.shape_cast %and3A_1842 : vector<16xi32> to vector<1x16xi32>
      tpu.vector_store %arg8[%swap3A_1844, %swap3A_1845], %swap3A_1848 {strides = array<i32>} : memref<2x128xi32, #tpu.memory_space<vmem>>, vector<1x16xi32>,
      %add3A_1849 = arith.constant 96 : i32
      %add3A_1850 = arith.addi %multiple_of3A_1746, %add3A_1849 : i32
      %get3A_1851 = arith.index_cast %add3A_1850 : i32 to index
      %get3A_1852 = tpu.vector_load %arg6[%get3A_1851] {strides = array<i32>} : memref<10240xi32, #tpu.memory_space<vmem>>, vector<16xi32>,
      %get3A_1853 = vector.shape_cast %get3A_1852 : vector<16xi32> to vector<16xi32>
      %shift_right_arithmetic3A_1854 = arith.constant 14 : i32
      %shift_right_arithmetic3A_1855 = vector.broadcast %shift_right_arithmetic3A_1854 : i32 to vector<16xi32>
      %shift_right_arithmetic3A_1856 = arith.shrsi %get3A_1853, %shift_right_arithmetic3A_1855 : vector<16xi32>
      %and3A_1857 = arith.constant 65535 : i32
      %and3A_1858 = vector.broadcast %and3A_1857 : i32 to vector<16xi32>
      %and3A_1859 = arith.andi %shift_right_arithmetic3A_1856, %and3A_1858 : vector<16xi32>
      %swap3A_1860 = arith.constant 1 : i32
      %swap3A_1861 = arith.index_cast %swap3A_1860 : i32 to index
      %swap3A_1862 = arith.constant 96 : index
      %swap3A_1863 = tpu.vector_load %arg8[%swap3A_1861, %swap3A_1862] {strides = array<i32>} : memref<2x128xi32, #tpu.memory_space<vmem>>, vector<1x16xi32>,
      %swap3A_1864 = vector.shape_cast %swap3A_1863 : vector<1x16xi32> to vector<16xi32>
      %swap3A_1865 = vector.shape_cast %and3A_1859 : vector<16xi32> to vector<1x16xi32>
      tpu.vector_store %arg8[%swap3A_1861, %swap3A_1862], %swap3A_1865 {strides = array<i32>} : memref<2x128xi32, #tpu.memory_space<vmem>>, vector<1x16xi32>,
      %add3A_1866 = arith.constant 112 : i32
      %add3A_1867 = arith.addi %multiple_of3A_1746, %add3A_1866 : i32
      %get3A_1868 = arith.index_cast %add3A_1867 : i32 to index
      %get3A_1869 = tpu.vector_load %arg6[%get3A_1868] {strides = array<i32>} : memref<10240xi32, #tpu.memory_space<vmem>>, vector<16xi32>,
      %get3A_1870 = vector.shape_cast %get3A_1869 : vector<16xi32> to vector<16xi32>
      %shift_right_arithmetic3A_1871 = arith.constant 14 : i32
      %shift_right_arithmetic3A_1872 = vector.broadcast %shift_right_arithmetic3A_1871 : i32 to vector<16xi32>
      %shift_right_arithmetic3A_1873 = arith.shrsi %get3A_1870, %shift_right_arithmetic3A_1872 : vector<16xi32>
      %and3A_1874 = arith.constant 65535 : i32
      %and3A_1875 = vector.broadcast %and3A_1874 : i32 to vector<16xi32>
      %and3A_1876 = arith.andi %shift_right_arithmetic3A_1873, %and3A_1875 : vector<16xi32>
      %swap3A_1877 = arith.constant 1 : i32
      %swap3A_1878 = arith.index_cast %swap3A_1877 : i32 to index
      %swap3A_1879 = arith.constant 112 : index
      %swap3A_1880 = tpu.vector_load %arg8[%swap3A_1878, %swap3A_1879] {strides = array<i32>} : memref<2x128xi32, #tpu.memory_space<vmem>>, vector<1x16xi32>,
      %swap3A_1881 = vector.shape_cast %swap3A_1880 : vector<1x16xi32> to vector<16xi32>
      %swap3A_1882 = vector.shape_cast %and3A_1876 : vector<16xi32> to vector<1x16xi32>
      tpu.vector_store %arg8[%swap3A_1878, %swap3A_1879], %swap3A_1882 {strides = array<i32>} : memref<2x128xi32, #tpu.memory_space<vmem>>, vector<1x16xi32>,
      %dma_start3A_1883 = arith.constant 1 : i32
      %dma_start3A_1884 = arith.constant 0 : i32
      %dma_start3A_1885 = tpu.memref_slice %arg8[%dma_start3A_1883, %dma_start3A_1884] : memref<2x128xi32, #tpu.memory_space<vmem>> -> memref<1x128xi32, #tpu.memory_space<vmem>>
      %dma_start3A_1886 = tpu.memref_squeeze %dma_start3A_1885 : memref<1x128xi32, #tpu.memory_space<vmem>> -> memref<128xi32, #tpu.memory_space<vmem>>
      %dma_start3A_1887 = arith.constant 0 : i32
      %dma_start3A_1888 = arith.constant 0 : i32
      %dma_start3A_1889 = tpu.memref_slice %arg11[%dma_start3A_1887, %dma_start3A_1888] : memref<10112x128xf32, #tpu.memory_space<vmem_shared>> -> memref<10112x128xf32, #tpu.memory_space<vmem_shared>>
      tpu.enqueue_indirect_dma source(%arg10 : memref<128x128xf32, #tpu.memory_space<vmem>>) target(%dma_start3A_1889 : memref<10112x128xf32, #tpu.memory_space<vmem_shared>>) offsets(%dma_start3A_1886 : memref<128xi32, #tpu.memory_space<vmem>>) semaphore(%arg15 : memref<!tpu.dma_semaphore, #tpu.memory_space<semaphore_mem>>) {add = true}
    }
    %sub3A_787 = arith.constant 2 : i32
    %sub3A_788 = arith.subi %select_n3A_2, %sub3A_787 : i32
    %dma_wait3A_789 = arith.constant 1 : i32
    %dma_wait3A_790 = arith.constant 0 : i32
    %dma_wait3A_791 = tpu.memref_slice %arg8[%dma_wait3A_789, %dma_wait3A_790] : memref<2x128xi32, #tpu.memory_space<vmem>> -> memref<1x128xi32, #tpu.memory_space<vmem>>
    %dma_wait3A_792 = tpu.memref_squeeze %dma_wait3A_791 : memref<1x128xi32, #tpu.memory_space<vmem>> -> memref<128xi32, #tpu.memory_space<vmem>>
    %dma_wait3A_793 = arith.constant 0 : i32
    %dma_wait3A_794 = arith.constant 0 : i32
    %dma_wait3A_795 = tpu.memref_slice %arg11[%dma_wait3A_793, %dma_wait3A_794] : memref<10112x128xf32, #tpu.memory_space<vmem_shared>> -> memref<10112x128xf32, #tpu.memory_space<vmem_shared>>
    tpu.wait_indirect_dma semaphore(%arg15 : memref<!tpu.dma_semaphore, #tpu.memory_space<semaphore_mem>>) src(%arg10 : memref<128x128xf32, #tpu.memory_space<vmem>>) dst(%dma_wait3A_795 : memref<10112x128xf32, #tpu.memory_space<vmem_shared>>)
    %add3A_796 = arith.constant 1 : i32
    %add3A_797 = arith.addi %sub3A_788, %add3A_796 : i32
    %mul3A_798 = arith.constant 128 : i32
    %mul3A_799 = arith.muli %add3A_797, %mul3A_798 : i32
    %multiple_of3A_800 = tpu.assume_multiple %mul3A_799, 128 : i32
    %add3A_801 = arith.constant 0 : i32
    %add3A_802 = arith.addi %multiple_of3A_800, %add3A_801 : i32
    %get3A_803 = arith.index_cast %add3A_802 : i32 to index
    %get3A_804 = tpu.vector_load %arg6[%get3A_803] {strides = array<i32>} : memref<10240xi32, #tpu.memory_space<vmem>>, vector<16xi32>,
    %get3A_805 = vector.shape_cast %get3A_804 : vector<16xi32> to vector<16xi32>
    %shift_right_arithmetic3A_806 = arith.constant 0 : i32
    %shift_right_arithmetic3A_807 = vector.broadcast %shift_right_arithmetic3A_806 : i32 to vector<16xi32>
    %shift_right_arithmetic3A_808 = arith.shrsi %get3A_805, %shift_right_arithmetic3A_807 : vector<16xi32>
    %and3A_809 = arith.constant 16383 : i32
    %and3A_810 = vector.broadcast %and3A_809 : i32 to vector<16xi32>
    %and3A_811 = arith.andi %shift_right_arithmetic3A_808, %and3A_810 : vector<16xi32>
    %swap3A_812 = arith.constant 1 : i32
    %swap3A_813 = arith.index_cast %swap3A_812 : i32 to index
    %swap3A_814 = arith.constant 0 : index
    %swap3A_815 = tpu.vector_load %arg7[%swap3A_813, %swap3A_814] {strides = array<i32>} : memref<2x128xi32, #tpu.memory_space<vmem>>, vector<1x16xi32>,
    %swap3A_816 = vector.shape_cast %swap3A_815 : vector<1x16xi32> to vector<16xi32>
    %swap3A_817 = vector.shape_cast %and3A_811 : vector<16xi32> to vector<1x16xi32>
    tpu.vector_store %arg7[%swap3A_813, %swap3A_814], %swap3A_817 {strides = array<i32>} : memref<2x128xi32, #tpu.memory_space<vmem>>, vector<1x16xi32>,
    %add3A_818 = arith.constant 16 : i32
    %add3A_819 = arith.addi %multiple_of3A_800, %add3A_818 : i32
    %get3A_820 = arith.index_cast %add3A_819 : i32 to index
    %get3A_821 = tpu.vector_load %arg6[%get3A_820] {strides = array<i32>} : memref<10240xi32, #tpu.memory_space<vmem>>, vector<16xi32>,
    %get3A_822 = vector.shape_cast %get3A_821 : vector<16xi32> to vector<16xi32>
    %shift_right_arithmetic3A_823 = arith.constant 0 : i32
    %shift_right_arithmetic3A_824 = vector.broadcast %shift_right_arithmetic3A_823 : i32 to vector<16xi32>
    %shift_right_arithmetic3A_825 = arith.shrsi %get3A_822, %shift_right_arithmetic3A_824 : vector<16xi32>
    %and3A_826 = arith.constant 16383 : i32
    %and3A_827 = vector.broadcast %and3A_826 : i32 to vector<16xi32>
    %and3A_828 = arith.andi %shift_right_arithmetic3A_825, %and3A_827 : vector<16xi32>
    %swap3A_829 = arith.constant 1 : i32
    %swap3A_830 = arith.index_cast %swap3A_829 : i32 to index
    %swap3A_831 = arith.constant 16 : index
    %swap3A_832 = tpu.vector_load %arg7[%swap3A_830, %swap3A_831] {strides = array<i32>} : memref<2x128xi32, #tpu.memory_space<vmem>>, vector<1x16xi32>,
    %swap3A_833 = vector.shape_cast %swap3A_832 : vector<1x16xi32> to vector<16xi32>
    %swap3A_834 = vector.shape_cast %and3A_828 : vector<16xi32> to vector<1x16xi32>
    tpu.vector_store %arg7[%swap3A_830, %swap3A_831], %swap3A_834 {strides = array<i32>} : memref<2x128xi32, #tpu.memory_space<vmem>>, vector<1x16xi32>,
    %add3A_835 = arith.constant 32 : i32
    %add3A_836 = arith.addi %multiple_of3A_800, %add3A_835 : i32
    %get3A_837 = arith.index_cast %add3A_836 : i32 to index
    %get3A_838 = tpu.vector_load %arg6[%get3A_837] {strides = array<i32>} : memref<10240xi32, #tpu.memory_space<vmem>>, vector<16xi32>,
    %get3A_839 = vector.shape_cast %get3A_838 : vector<16xi32> to vector<16xi32>
    %shift_right_arithmetic3A_840 = arith.constant 0 : i32
    %shift_right_arithmetic3A_841 = vector.broadcast %shift_right_arithmetic3A_840 : i32 to vector<16xi32>
    %shift_right_arithmetic3A_842 = arith.shrsi %get3A_839, %shift_right_arithmetic3A_841 : vector<16xi32>
    %and3A_843 = arith.constant 16383 : i32
    %and3A_844 = vector.broadcast %and3A_843 : i32 to vector<16xi32>
    %and3A_845 = arith.andi %shift_right_arithmetic3A_842, %and3A_844 : vector<16xi32>
    %swap3A_846 = arith.constant 1 : i32
    %swap3A_847 = arith.index_cast %swap3A_846 : i32 to index
    %swap3A_848 = arith.constant 32 : index
    %swap3A_849 = tpu.vector_load %arg7[%swap3A_847, %swap3A_848] {strides = array<i32>} : memref<2x128xi32, #tpu.memory_space<vmem>>, vector<1x16xi32>,
    %swap3A_850 = vector.shape_cast %swap3A_849 : vector<1x16xi32> to vector<16xi32>
    %swap3A_851 = vector.shape_cast %and3A_845 : vector<16xi32> to vector<1x16xi32>
    tpu.vector_store %arg7[%swap3A_847, %swap3A_848], %swap3A_851 {strides = array<i32>} : memref<2x128xi32, #tpu.memory_space<vmem>>, vector<1x16xi32>,
    %add3A_852 = arith.constant 48 : i32
    %add3A_853 = arith.addi %multiple_of3A_800, %add3A_852 : i32
    %get3A_854 = arith.index_cast %add3A_853 : i32 to index
    %get3A_855 = tpu.vector_load %arg6[%get3A_854] {strides = array<i32>} : memref<10240xi32, #tpu.memory_space<vmem>>, vector<16xi32>,
    %get3A_856 = vector.shape_cast %get3A_855 : vector<16xi32> to vector<16xi32>
    %shift_right_arithmetic3A_857 = arith.constant 0 : i32
    %shift_right_arithmetic3A_858 = vector.broadcast %shift_right_arithmetic3A_857 : i32 to vector<16xi32>
    %shift_right_arithmetic3A_859 = arith.shrsi %get3A_856, %shift_right_arithmetic3A_858 : vector<16xi32>
    %and3A_860 = arith.constant 16383 : i32
    %and3A_861 = vector.broadcast %and3A_860 : i32 to vector<16xi32>
    %and3A_862 = arith.andi %shift_right_arithmetic3A_859, %and3A_861 : vector<16xi32>
    %swap3A_863 = arith.constant 1 : i32
    %swap3A_864 = arith.index_cast %swap3A_863 : i32 to index
    %swap3A_865 = arith.constant 48 : index
    %swap3A_866 = tpu.vector_load %arg7[%swap3A_864, %swap3A_865] {strides = array<i32>} : memref<2x128xi32, #tpu.memory_space<vmem>>, vector<1x16xi32>,
    %swap3A_867 = vector.shape_cast %swap3A_866 : vector<1x16xi32> to vector<16xi32>
    %swap3A_868 = vector.shape_cast %and3A_862 : vector<16xi32> to vector<1x16xi32>
    tpu.vector_store %arg7[%swap3A_864, %swap3A_865], %swap3A_868 {strides = array<i32>} : memref<2x128xi32, #tpu.memory_space<vmem>>, vector<1x16xi32>,
    %add3A_869 = arith.constant 64 : i32
    %add3A_870 = arith.addi %multiple_of3A_800, %add3A_869 : i32
    %get3A_871 = arith.index_cast %add3A_870 : i32 to index
    %get3A_872 = tpu.vector_load %arg6[%get3A_871] {strides = array<i32>} : memref<10240xi32, #tpu.memory_space<vmem>>, vector<16xi32>,
    %get3A_873 = vector.shape_cast %get3A_872 : vector<16xi32> to vector<16xi32>
    %shift_right_arithmetic3A_874 = arith.constant 0 : i32
    %shift_right_arithmetic3A_875 = vector.broadcast %shift_right_arithmetic3A_874 : i32 to vector<16xi32>
    %shift_right_arithmetic3A_876 = arith.shrsi %get3A_873, %shift_right_arithmetic3A_875 : vector<16xi32>
    %and3A_877 = arith.constant 16383 : i32
    %and3A_878 = vector.broadcast %and3A_877 : i32 to vector<16xi32>
    %and3A_879 = arith.andi %shift_right_arithmetic3A_876, %and3A_878 : vector<16xi32>
    %swap3A_880 = arith.constant 1 : i32
    %swap3A_881 = arith.index_cast %swap3A_880 : i32 to index
    %swap3A_882 = arith.constant 64 : index
    %swap3A_883 = tpu.vector_load %arg7[%swap3A_881, %swap3A_882] {strides = array<i32>} : memref<2x128xi32, #tpu.memory_space<vmem>>, vector<1x16xi32>,
    %swap3A_884 = vector.shape_cast %swap3A_883 : vector<1x16xi32> to vector<16xi32>
    %swap3A_885 = vector.shape_cast %and3A_879 : vector<16xi32> to vector<1x16xi32>
    tpu.vector_store %arg7[%swap3A_881, %swap3A_882], %swap3A_885 {strides = array<i32>} : memref<2x128xi32, #tpu.memory_space<vmem>>, vector<1x16xi32>,
    %add3A_886 = arith.constant 80 : i32
    %add3A_887 = arith.addi %multiple_of3A_800, %add3A_886 : i32
    %get3A_888 = arith.index_cast %add3A_887 : i32 to index
    %get3A_889 = tpu.vector_load %arg6[%get3A_888] {strides = array<i32>} : memref<10240xi32, #tpu.memory_space<vmem>>, vector<16xi32>,
    %get3A_890 = vector.shape_cast %get3A_889 : vector<16xi32> to vector<16xi32>
    %shift_right_arithmetic3A_891 = arith.constant 0 : i32
    %shift_right_arithmetic3A_892 = vector.broadcast %shift_right_arithmetic3A_891 : i32 to vector<16xi32>
    %shift_right_arithmetic3A_893 = arith.shrsi %get3A_890, %shift_right_arithmetic3A_892 : vector<16xi32>
    %and3A_894 = arith.constant 16383 : i32
    %and3A_895 = vector.broadcast %and3A_894 : i32 to vector<16xi32>
    %and3A_896 = arith.andi %shift_right_arithmetic3A_893, %and3A_895 : vector<16xi32>
    %swap3A_897 = arith.constant 1 : i32
    %swap3A_898 = arith.index_cast %swap3A_897 : i32 to index
    %swap3A_899 = arith.constant 80 : index
    %swap3A_900 = tpu.vector_load %arg7[%swap3A_898, %swap3A_899] {strides = array<i32>} : memref<2x128xi32, #tpu.memory_space<vmem>>, vector<1x16xi32>,
    %swap3A_901 = vector.shape_cast %swap3A_900 : vector<1x16xi32> to vector<16xi32>
    %swap3A_902 = vector.shape_cast %and3A_896 : vector<16xi32> to vector<1x16xi32>
    tpu.vector_store %arg7[%swap3A_898, %swap3A_899], %swap3A_902 {strides = array<i32>} : memref<2x128xi32, #tpu.memory_space<vmem>>, vector<1x16xi32>,
    %add3A_903 = arith.constant 96 : i32
    %add3A_904 = arith.addi %multiple_of3A_800, %add3A_903 : i32
    %get3A_905 = arith.index_cast %add3A_904 : i32 to index
    %get3A_906 = tpu.vector_load %arg6[%get3A_905] {strides = array<i32>} : memref<10240xi32, #tpu.memory_space<vmem>>, vector<16xi32>,
    %get3A_907 = vector.shape_cast %get3A_906 : vector<16xi32> to vector<16xi32>
    %shift_right_arithmetic3A_908 = arith.constant 0 : i32
    %shift_right_arithmetic3A_909 = vector.broadcast %shift_right_arithmetic3A_908 : i32 to vector<16xi32>
    %shift_right_arithmetic3A_910 = arith.shrsi %get3A_907, %shift_right_arithmetic3A_909 : vector<16xi32>
    %and3A_911 = arith.constant 16383 : i32
    %and3A_912 = vector.broadcast %and3A_911 : i32 to vector<16xi32>
    %and3A_913 = arith.andi %shift_right_arithmetic3A_910, %and3A_912 : vector<16xi32>
    %swap3A_914 = arith.constant 1 : i32
    %swap3A_915 = arith.index_cast %swap3A_914 : i32 to index
    %swap3A_916 = arith.constant 96 : index
    %swap3A_917 = tpu.vector_load %arg7[%swap3A_915, %swap3A_916] {strides = array<i32>} : memref<2x128xi32, #tpu.memory_space<vmem>>, vector<1x16xi32>,
    %swap3A_918 = vector.shape_cast %swap3A_917 : vector<1x16xi32> to vector<16xi32>
    %swap3A_919 = vector.shape_cast %and3A_913 : vector<16xi32> to vector<1x16xi32>
    tpu.vector_store %arg7[%swap3A_915, %swap3A_916], %swap3A_919 {strides = array<i32>} : memref<2x128xi32, #tpu.memory_space<vmem>>, vector<1x16xi32>,
    %add3A_920 = arith.constant 112 : i32
    %add3A_921 = arith.addi %multiple_of3A_800, %add3A_920 : i32
    %get3A_922 = arith.index_cast %add3A_921 : i32 to index
    %get3A_923 = tpu.vector_load %arg6[%get3A_922] {strides = array<i32>} : memref<10240xi32, #tpu.memory_space<vmem>>, vector<16xi32>,
    %get3A_924 = vector.shape_cast %get3A_923 : vector<16xi32> to vector<16xi32>
    %shift_right_arithmetic3A_925 = arith.constant 0 : i32
    %shift_right_arithmetic3A_926 = vector.broadcast %shift_right_arithmetic3A_925 : i32 to vector<16xi32>
    %shift_right_arithmetic3A_927 = arith.shrsi %get3A_924, %shift_right_arithmetic3A_926 : vector<16xi32>
    %and3A_928 = arith.constant 16383 : i32
    %and3A_929 = vector.broadcast %and3A_928 : i32 to vector<16xi32>
    %and3A_930 = arith.andi %shift_right_arithmetic3A_927, %and3A_929 : vector<16xi32>
    %swap3A_931 = arith.constant 1 : i32
    %swap3A_932 = arith.index_cast %swap3A_931 : i32 to index
    %swap3A_933 = arith.constant 112 : index
    %swap3A_934 = tpu.vector_load %arg7[%swap3A_932, %swap3A_933] {strides = array<i32>} : memref<2x128xi32, #tpu.memory_space<vmem>>, vector<1x16xi32>,
    %swap3A_935 = vector.shape_cast %swap3A_934 : vector<1x16xi32> to vector<16xi32>
    %swap3A_936 = vector.shape_cast %and3A_930 : vector<16xi32> to vector<1x16xi32>
    tpu.vector_store %arg7[%swap3A_932, %swap3A_933], %swap3A_936 {strides = array<i32>} : memref<2x128xi32, #tpu.memory_space<vmem>>, vector<1x16xi32>,
    %dma_start3A_937 = arith.constant 1 : i32
    %dma_start3A_938 = arith.constant 0 : i32
    %dma_start3A_939 = tpu.memref_slice %arg7[%dma_start3A_937, %dma_start3A_938] : memref<2x128xi32, #tpu.memory_space<vmem>> -> memref<1x128xi32, #tpu.memory_space<vmem>>
    %dma_start3A_940 = tpu.memref_squeeze %dma_start3A_939 : memref<1x128xi32, #tpu.memory_space<vmem>> -> memref<128xi32, #tpu.memory_space<vmem>>
    %dma_start3A_941 = arith.constant 0 : i32
    %dma_start3A_942 = arith.constant 0 : i32
    %dma_start3A_943 = tpu.memref_slice %arg2[%dma_start3A_941, %dma_start3A_942] : memref<10000x128xf32, #tpu.memory_space<hbm>> -> memref<10000x128xf32, #tpu.memory_space<hbm>>
    tpu.enqueue_indirect_dma source(%dma_start3A_943 : memref<10000x128xf32, #tpu.memory_space<hbm>>) target(%arg10 : memref<128x128xf32, #tpu.memory_space<vmem>>) offsets(%dma_start3A_940 : memref<128xi32, #tpu.memory_space<vmem>>) semaphore(%arg13 : memref<!tpu.dma_semaphore, #tpu.memory_space<semaphore_mem>>)
    %dma_wait3A_944 = arith.constant 0 : i32
    %dma_wait3A_945 = arith.constant 0 : i32
    %dma_wait3A_946 = tpu.memref_slice %arg7[%dma_wait3A_944, %dma_wait3A_945] : memref<2x128xi32, #tpu.memory_space<vmem>> -> memref<1x128xi32, #tpu.memory_space<vmem>>
    %dma_wait3A_947 = tpu.memref_squeeze %dma_wait3A_946 : memref<1x128xi32, #tpu.memory_space<vmem>> -> memref<128xi32, #tpu.memory_space<vmem>>
    %dma_wait3A_948 = arith.constant 0 : i32
    %dma_wait3A_949 = arith.constant 0 : i32
    %dma_wait3A_950 = tpu.memref_slice %arg2[%dma_wait3A_948, %dma_wait3A_949] : memref<10000x128xf32, #tpu.memory_space<hbm>> -> memref<10000x128xf32, #tpu.memory_space<hbm>>
    tpu.wait_indirect_dma semaphore(%arg12 : memref<!tpu.dma_semaphore, #tpu.memory_space<semaphore_mem>>) src(%dma_wait3A_950 : memref<10000x128xf32, #tpu.memory_space<hbm>>) dst(%arg9 : memref<128x128xf32, #tpu.memory_space<vmem>>)
    %mul3A_951 = arith.constant 128 : i32
    %mul3A_952 = arith.muli %sub3A_788, %mul3A_951 : i32
    %multiple_of3A_953 = tpu.assume_multiple %mul3A_952, 128 : i32
    %add3A_954 = arith.constant 0 : i32
    %add3A_955 = arith.addi %multiple_of3A_953, %add3A_954 : i32
    %get3A_956 = arith.index_cast %add3A_955 : i32 to index
    %get3A_957 = tpu.vector_load %arg6[%get3A_956] {strides = array<i32>} : memref<10240xi32, #tpu.memory_space<vmem>>, vector<16xi32>,
    %get3A_958 = vector.shape_cast %get3A_957 : vector<16xi32> to vector<16xi32>
    %shift_right_arithmetic3A_959 = arith.constant 14 : i32
    %shift_right_arithmetic3A_960 = vector.broadcast %shift_right_arithmetic3A_959 : i32 to vector<16xi32>
    %shift_right_arithmetic3A_961 = arith.shrsi %get3A_958, %shift_right_arithmetic3A_960 : vector<16xi32>
    %and3A_962 = arith.constant 65535 : i32
    %and3A_963 = vector.broadcast %and3A_962 : i32 to vector<16xi32>
    %and3A_964 = arith.andi %shift_right_arithmetic3A_961, %and3A_963 : vector<16xi32>
    %swap3A_965 = arith.constant 0 : i32
    %swap3A_966 = arith.index_cast %swap3A_965 : i32 to index
    %swap3A_967 = arith.constant 0 : index
    %swap3A_968 = tpu.vector_load %arg8[%swap3A_966, %swap3A_967] {strides = array<i32>} : memref<2x128xi32, #tpu.memory_space<vmem>>, vector<1x16xi32>,
    %swap3A_969 = vector.shape_cast %swap3A_968 : vector<1x16xi32> to vector<16xi32>
    %swap3A_970 = vector.shape_cast %and3A_964 : vector<16xi32> to vector<1x16xi32>
    tpu.vector_store %arg8[%swap3A_966, %swap3A_967], %swap3A_970 {strides = array<i32>} : memref<2x128xi32, #tpu.memory_space<vmem>>, vector<1x16xi32>,
    %add3A_971 = arith.constant 16 : i32
    %add3A_972 = arith.addi %multiple_of3A_953, %add3A_971 : i32
    %get3A_973 = arith.index_cast %add3A_972 : i32 to index
    %get3A_974 = tpu.vector_load %arg6[%get3A_973] {strides = array<i32>} : memref<10240xi32, #tpu.memory_space<vmem>>, vector<16xi32>,
    %get3A_975 = vector.shape_cast %get3A_974 : vector<16xi32> to vector<16xi32>
    %shift_right_arithmetic3A_976 = arith.constant 14 : i32
    %shift_right_arithmetic3A_977 = vector.broadcast %shift_right_arithmetic3A_976 : i32 to vector<16xi32>
    %shift_right_arithmetic3A_978 = arith.shrsi %get3A_975, %shift_right_arithmetic3A_977 : vector<16xi32>
    %and3A_979 = arith.constant 65535 : i32
    %and3A_980 = vector.broadcast %and3A_979 : i32 to vector<16xi32>
    %and3A_981 = arith.andi %shift_right_arithmetic3A_978, %and3A_980 : vector<16xi32>
    %swap3A_982 = arith.constant 0 : i32
    %swap3A_983 = arith.index_cast %swap3A_982 : i32 to index
    %swap3A_984 = arith.constant 16 : index
    %swap3A_985 = tpu.vector_load %arg8[%swap3A_983, %swap3A_984] {strides = array<i32>} : memref<2x128xi32, #tpu.memory_space<vmem>>, vector<1x16xi32>,
    %swap3A_986 = vector.shape_cast %swap3A_985 : vector<1x16xi32> to vector<16xi32>
    %swap3A_987 = vector.shape_cast %and3A_981 : vector<16xi32> to vector<1x16xi32>
    tpu.vector_store %arg8[%swap3A_983, %swap3A_984], %swap3A_987 {strides = array<i32>} : memref<2x128xi32, #tpu.memory_space<vmem>>, vector<1x16xi32>,
    %add3A_988 = arith.constant 32 : i32
    %add3A_989 = arith.addi %multiple_of3A_953, %add3A_988 : i32
    %get3A_990 = arith.index_cast %add3A_989 : i32 to index
    %get3A_991 = tpu.vector_load %arg6[%get3A_990] {strides = array<i32>} : memref<10240xi32, #tpu.memory_space<vmem>>, vector<16xi32>,
    %get3A_992 = vector.shape_cast %get3A_991 : vector<16xi32> to vector<16xi32>
    %shift_right_arithmetic3A_993 = arith.constant 14 : i32
    %shift_right_arithmetic3A_994 = vector.broadcast %shift_right_arithmetic3A_993 : i32 to vector<16xi32>
    %shift_right_arithmetic3A_995 = arith.shrsi %get3A_992, %shift_right_arithmetic3A_994 : vector<16xi32>
    %and3A_996 = arith.constant 65535 : i32
    %and3A_997 = vector.broadcast %and3A_996 : i32 to vector<16xi32>
    %and3A_998 = arith.andi %shift_right_arithmetic3A_995, %and3A_997 : vector<16xi32>
    %swap3A_999 = arith.constant 0 : i32
    %swap3A_1000 = arith.index_cast %swap3A_999 : i32 to index
    %swap3A_1001 = arith.constant 32 : index
    %swap3A_1002 = tpu.vector_load %arg8[%swap3A_1000, %swap3A_1001] {strides = array<i32>} : memref<2x128xi32, #tpu.memory_space<vmem>>, vector<1x16xi32>,
    %swap3A_1003 = vector.shape_cast %swap3A_1002 : vector<1x16xi32> to vector<16xi32>
    %swap3A_1004 = vector.shape_cast %and3A_998 : vector<16xi32> to vector<1x16xi32>
    tpu.vector_store %arg8[%swap3A_1000, %swap3A_1001], %swap3A_1004 {strides = array<i32>} : memref<2x128xi32, #tpu.memory_space<vmem>>, vector<1x16xi32>,
    %add3A_1005 = arith.constant 48 : i32
    %add3A_1006 = arith.addi %multiple_of3A_953, %add3A_1005 : i32
    %get3A_1007 = arith.index_cast %add3A_1006 : i32 to index
    %get3A_1008 = tpu.vector_load %arg6[%get3A_1007] {strides = array<i32>} : memref<10240xi32, #tpu.memory_space<vmem>>, vector<16xi32>,
    %get3A_1009 = vector.shape_cast %get3A_1008 : vector<16xi32> to vector<16xi32>
    %shift_right_arithmetic3A_1010 = arith.constant 14 : i32
    %shift_right_arithmetic3A_1011 = vector.broadcast %shift_right_arithmetic3A_1010 : i32 to vector<16xi32>
    %shift_right_arithmetic3A_1012 = arith.shrsi %get3A_1009, %shift_right_arithmetic3A_1011 : vector<16xi32>
    %and3A_1013 = arith.constant 65535 : i32
    %and3A_1014 = vector.broadcast %and3A_1013 : i32 to vector<16xi32>
    %and3A_1015 = arith.andi %shift_right_arithmetic3A_1012, %and3A_1014 : vector<16xi32>
    %swap3A_1016 = arith.constant 0 : i32
    %swap3A_1017 = arith.index_cast %swap3A_1016 : i32 to index
    %swap3A_1018 = arith.constant 48 : index
    %swap3A_1019 = tpu.vector_load %arg8[%swap3A_1017, %swap3A_1018] {strides = array<i32>} : memref<2x128xi32, #tpu.memory_space<vmem>>, vector<1x16xi32>,
    %swap3A_1020 = vector.shape_cast %swap3A_1019 : vector<1x16xi32> to vector<16xi32>
    %swap3A_1021 = vector.shape_cast %and3A_1015 : vector<16xi32> to vector<1x16xi32>
    tpu.vector_store %arg8[%swap3A_1017, %swap3A_1018], %swap3A_1021 {strides = array<i32>} : memref<2x128xi32, #tpu.memory_space<vmem>>, vector<1x16xi32>,
    %add3A_1022 = arith.constant 64 : i32
    %add3A_1023 = arith.addi %multiple_of3A_953, %add3A_1022 : i32
    %get3A_1024 = arith.index_cast %add3A_1023 : i32 to index
    %get3A_1025 = tpu.vector_load %arg6[%get3A_1024] {strides = array<i32>} : memref<10240xi32, #tpu.memory_space<vmem>>, vector<16xi32>,
    %get3A_1026 = vector.shape_cast %get3A_1025 : vector<16xi32> to vector<16xi32>
    %shift_right_arithmetic3A_1027 = arith.constant 14 : i32
    %shift_right_arithmetic3A_1028 = vector.broadcast %shift_right_arithmetic3A_1027 : i32 to vector<16xi32>
    %shift_right_arithmetic3A_1029 = arith.shrsi %get3A_1026, %shift_right_arithmetic3A_1028 : vector<16xi32>
    %and3A_1030 = arith.constant 65535 : i32
    %and3A_1031 = vector.broadcast %and3A_1030 : i32 to vector<16xi32>
    %and3A_1032 = arith.andi %shift_right_arithmetic3A_1029, %and3A_1031 : vector<16xi32>
    %swap3A_1033 = arith.constant 0 : i32
    %swap3A_1034 = arith.index_cast %swap3A_1033 : i32 to index
    %swap3A_1035 = arith.constant 64 : index
    %swap3A_1036 = tpu.vector_load %arg8[%swap3A_1034, %swap3A_1035] {strides = array<i32>} : memref<2x128xi32, #tpu.memory_space<vmem>>, vector<1x16xi32>,
    %swap3A_1037 = vector.shape_cast %swap3A_1036 : vector<1x16xi32> to vector<16xi32>
    %swap3A_1038 = vector.shape_cast %and3A_1032 : vector<16xi32> to vector<1x16xi32>
    tpu.vector_store %arg8[%swap3A_1034, %swap3A_1035], %swap3A_1038 {strides = array<i32>} : memref<2x128xi32, #tpu.memory_space<vmem>>, vector<1x16xi32>,
    %add3A_1039 = arith.constant 80 : i32
    %add3A_1040 = arith.addi %multiple_of3A_953, %add3A_1039 : i32
    %get3A_1041 = arith.index_cast %add3A_1040 : i32 to index
    %get3A_1042 = tpu.vector_load %arg6[%get3A_1041] {strides = array<i32>} : memref<10240xi32, #tpu.memory_space<vmem>>, vector<16xi32>,
    %get3A_1043 = vector.shape_cast %get3A_1042 : vector<16xi32> to vector<16xi32>
    %shift_right_arithmetic3A_1044 = arith.constant 14 : i32
    %shift_right_arithmetic3A_1045 = vector.broadcast %shift_right_arithmetic3A_1044 : i32 to vector<16xi32>
    %shift_right_arithmetic3A_1046 = arith.shrsi %get3A_1043, %shift_right_arithmetic3A_1045 : vector<16xi32>
    %and3A_1047 = arith.constant 65535 : i32
    %and3A_1048 = vector.broadcast %and3A_1047 : i32 to vector<16xi32>
    %and3A_1049 = arith.andi %shift_right_arithmetic3A_1046, %and3A_1048 : vector<16xi32>
    %swap3A_1050 = arith.constant 0 : i32
    %swap3A_1051 = arith.index_cast %swap3A_1050 : i32 to index
    %swap3A_1052 = arith.constant 80 : index
    %swap3A_1053 = tpu.vector_load %arg8[%swap3A_1051, %swap3A_1052] {strides = array<i32>} : memref<2x128xi32, #tpu.memory_space<vmem>>, vector<1x16xi32>,
    %swap3A_1054 = vector.shape_cast %swap3A_1053 : vector<1x16xi32> to vector<16xi32>
    %swap3A_1055 = vector.shape_cast %and3A_1049 : vector<16xi32> to vector<1x16xi32>
    tpu.vector_store %arg8[%swap3A_1051, %swap3A_1052], %swap3A_1055 {strides = array<i32>} : memref<2x128xi32, #tpu.memory_space<vmem>>, vector<1x16xi32>,
    %add3A_1056 = arith.constant 96 : i32
    %add3A_1057 = arith.addi %multiple_of3A_953, %add3A_1056 : i32
    %get3A_1058 = arith.index_cast %add3A_1057 : i32 to index
    %get3A_1059 = tpu.vector_load %arg6[%get3A_1058] {strides = array<i32>} : memref<10240xi32, #tpu.memory_space<vmem>>, vector<16xi32>,
    %get3A_1060 = vector.shape_cast %get3A_1059 : vector<16xi32> to vector<16xi32>
    %shift_right_arithmetic3A_1061 = arith.constant 14 : i32
    %shift_right_arithmetic3A_1062 = vector.broadcast %shift_right_arithmetic3A_1061 : i32 to vector<16xi32>
    %shift_right_arithmetic3A_1063 = arith.shrsi %get3A_1060, %shift_right_arithmetic3A_1062 : vector<16xi32>
    %and3A_1064 = arith.constant 65535 : i32
    %and3A_1065 = vector.broadcast %and3A_1064 : i32 to vector<16xi32>
    %and3A_1066 = arith.andi %shift_right_arithmetic3A_1063, %and3A_1065 : vector<16xi32>
    %swap3A_1067 = arith.constant 0 : i32
    %swap3A_1068 = arith.index_cast %swap3A_1067 : i32 to index
    %swap3A_1069 = arith.constant 96 : index
    %swap3A_1070 = tpu.vector_load %arg8[%swap3A_1068, %swap3A_1069] {strides = array<i32>} : memref<2x128xi32, #tpu.memory_space<vmem>>, vector<1x16xi32>,
    %swap3A_1071 = vector.shape_cast %swap3A_1070 : vector<1x16xi32> to vector<16xi32>
    %swap3A_1072 = vector.shape_cast %and3A_1066 : vector<16xi32> to vector<1x16xi32>
    tpu.vector_store %arg8[%swap3A_1068, %swap3A_1069], %swap3A_1072 {strides = array<i32>} : memref<2x128xi32, #tpu.memory_space<vmem>>, vector<1x16xi32>,
    %add3A_1073 = arith.constant 112 : i32
    %add3A_1074 = arith.addi %multiple_of3A_953, %add3A_1073 : i32
    %get3A_1075 = arith.index_cast %add3A_1074 : i32 to index
    %get3A_1076 = tpu.vector_load %arg6[%get3A_1075] {strides = array<i32>} : memref<10240xi32, #tpu.memory_space<vmem>>, vector<16xi32>,
    %get3A_1077 = vector.shape_cast %get3A_1076 : vector<16xi32> to vector<16xi32>
    %shift_right_arithmetic3A_1078 = arith.constant 14 : i32
    %shift_right_arithmetic3A_1079 = vector.broadcast %shift_right_arithmetic3A_1078 : i32 to vector<16xi32>
    %shift_right_arithmetic3A_1080 = arith.shrsi %get3A_1077, %shift_right_arithmetic3A_1079 : vector<16xi32>
    %and3A_1081 = arith.constant 65535 : i32
    %and3A_1082 = vector.broadcast %and3A_1081 : i32 to vector<16xi32>
    %and3A_1083 = arith.andi %shift_right_arithmetic3A_1080, %and3A_1082 : vector<16xi32>
    %swap3A_1084 = arith.constant 0 : i32
    %swap3A_1085 = arith.index_cast %swap3A_1084 : i32 to index
    %swap3A_1086 = arith.constant 112 : index
    %swap3A_1087 = tpu.vector_load %arg8[%swap3A_1085, %swap3A_1086] {strides = array<i32>} : memref<2x128xi32, #tpu.memory_space<vmem>>, vector<1x16xi32>,
    %swap3A_1088 = vector.shape_cast %swap3A_1087 : vector<1x16xi32> to vector<16xi32>
    %swap3A_1089 = vector.shape_cast %and3A_1083 : vector<16xi32> to vector<1x16xi32>
    tpu.vector_store %arg8[%swap3A_1085, %swap3A_1086], %swap3A_1089 {strides = array<i32>} : memref<2x128xi32, #tpu.memory_space<vmem>>, vector<1x16xi32>,
    %dma_start3A_1090 = arith.constant 0 : i32
    %dma_start3A_1091 = arith.constant 0 : i32
    %dma_start3A_1092 = tpu.memref_slice %arg8[%dma_start3A_1090, %dma_start3A_1091] : memref<2x128xi32, #tpu.memory_space<vmem>> -> memref<1x128xi32, #tpu.memory_space<vmem>>
    %dma_start3A_1093 = tpu.memref_squeeze %dma_start3A_1092 : memref<1x128xi32, #tpu.memory_space<vmem>> -> memref<128xi32, #tpu.memory_space<vmem>>
    %dma_start3A_1094 = arith.constant 0 : i32
    %dma_start3A_1095 = arith.constant 0 : i32
    %dma_start3A_1096 = tpu.memref_slice %arg11[%dma_start3A_1094, %dma_start3A_1095] : memref<10112x128xf32, #tpu.memory_space<vmem_shared>> -> memref<10112x128xf32, #tpu.memory_space<vmem_shared>>
    tpu.enqueue_indirect_dma source(%arg9 : memref<128x128xf32, #tpu.memory_space<vmem>>) target(%dma_start3A_1096 : memref<10112x128xf32, #tpu.memory_space<vmem_shared>>) offsets(%dma_start3A_1093 : memref<128xi32, #tpu.memory_space<vmem>>) semaphore(%arg14 : memref<!tpu.dma_semaphore, #tpu.memory_space<semaphore_mem>>) {add = true}
    %sub3A_1097 = arith.constant 1 : i32
    %sub3A_1098 = arith.subi %select_n3A_2, %sub3A_1097 : i32
    %dma_wait3A_1099 = arith.constant 0 : i32
    %dma_wait3A_1100 = arith.constant 0 : i32
    %dma_wait3A_1101 = tpu.memref_slice %arg8[%dma_wait3A_1099, %dma_wait3A_1100] : memref<2x128xi32, #tpu.memory_space<vmem>> -> memref<1x128xi32, #tpu.memory_space<vmem>>
    %dma_wait3A_1102 = tpu.memref_squeeze %dma_wait3A_1101 : memref<1x128xi32, #tpu.memory_space<vmem>> -> memref<128xi32, #tpu.memory_space<vmem>>
    %dma_wait3A_1103 = arith.constant 0 : i32
    %dma_wait3A_1104 = arith.constant 0 : i32
    %dma_wait3A_1105 = tpu.memref_slice %arg11[%dma_wait3A_1103, %dma_wait3A_1104] : memref<10112x128xf32, #tpu.memory_space<vmem_shared>> -> memref<10112x128xf32, #tpu.memory_space<vmem_shared>>
    tpu.wait_indirect_dma semaphore(%arg14 : memref<!tpu.dma_semaphore, #tpu.memory_space<semaphore_mem>>) src(%arg9 : memref<128x128xf32, #tpu.memory_space<vmem>>) dst(%dma_wait3A_1105 : memref<10112x128xf32, #tpu.memory_space<vmem_shared>>)
    %dma_wait3A_1106 = arith.constant 1 : i32
    %dma_wait3A_1107 = arith.constant 0 : i32
    %dma_wait3A_1108 = tpu.memref_slice %arg7[%dma_wait3A_1106, %dma_wait3A_1107] : memref<2x128xi32, #tpu.memory_space<vmem>> -> memref<1x128xi32, #tpu.memory_space<vmem>>
    %dma_wait3A_1109 = tpu.memref_squeeze %dma_wait3A_1108 : memref<1x128xi32, #tpu.memory_space<vmem>> -> memref<128xi32, #tpu.memory_space<vmem>>
    %dma_wait3A_1110 = arith.constant 0 : i32
    %dma_wait3A_1111 = arith.constant 0 : i32
    %dma_wait3A_1112 = tpu.memref_slice %arg2[%dma_wait3A_1110, %dma_wait3A_1111] : memref<10000x128xf32, #tpu.memory_space<hbm>> -> memref<10000x128xf32, #tpu.memory_space<hbm>>
    tpu.wait_indirect_dma semaphore(%arg13 : memref<!tpu.dma_semaphore, #tpu.memory_space<semaphore_mem>>) src(%dma_wait3A_1112 : memref<10000x128xf32, #tpu.memory_space<hbm>>) dst(%arg10 : memref<128x128xf32, #tpu.memory_space<vmem>>)
    %mul3A_1113 = arith.constant 128 : i32
    %mul3A_1114 = arith.muli %sub3A_1098, %mul3A_1113 : i32
    %multiple_of3A_1115 = tpu.assume_multiple %mul3A_1114, 128 : i32
    %add3A_1116 = arith.constant 0 : i32
    %add3A_1117 = arith.addi %multiple_of3A_1115, %add3A_1116 : i32
    %get3A_1118 = arith.index_cast %add3A_1117 : i32 to index
    %get3A_1119 = tpu.vector_load %arg6[%get3A_1118] {strides = array<i32>} : memref<10240xi32, #tpu.memory_space<vmem>>, vector<16xi32>,
    %get3A_1120 = vector.shape_cast %get3A_1119 : vector<16xi32> to vector<16xi32>
    %shift_right_arithmetic3A_1121 = arith.constant 14 : i32
    %shift_right_arithmetic3A_1122 = vector.broadcast %shift_right_arithmetic3A_1121 : i32 to vector<16xi32>
    %shift_right_arithmetic3A_1123 = arith.shrsi %get3A_1120, %shift_right_arithmetic3A_1122 : vector<16xi32>
    %and3A_1124 = arith.constant 65535 : i32
    %and3A_1125 = vector.broadcast %and3A_1124 : i32 to vector<16xi32>
    %and3A_1126 = arith.andi %shift_right_arithmetic3A_1123, %and3A_1125 : vector<16xi32>
    %swap3A_1127 = arith.constant 1 : i32
    %swap3A_1128 = arith.index_cast %swap3A_1127 : i32 to index
    %swap3A_1129 = arith.constant 0 : index
    %swap3A_1130 = tpu.vector_load %arg8[%swap3A_1128, %swap3A_1129] {strides = array<i32>} : memref<2x128xi32, #tpu.memory_space<vmem>>, vector<1x16xi32>,
    %swap3A_1131 = vector.shape_cast %swap3A_1130 : vector<1x16xi32> to vector<16xi32>
    %swap3A_1132 = vector.shape_cast %and3A_1126 : vector<16xi32> to vector<1x16xi32>
    tpu.vector_store %arg8[%swap3A_1128, %swap3A_1129], %swap3A_1132 {strides = array<i32>} : memref<2x128xi32, #tpu.memory_space<vmem>>, vector<1x16xi32>,
    %add3A_1133 = arith.constant 16 : i32
    %add3A_1134 = arith.addi %multiple_of3A_1115, %add3A_1133 : i32
    %get3A_1135 = arith.index_cast %add3A_1134 : i32 to index
    %get3A_1136 = tpu.vector_load %arg6[%get3A_1135] {strides = array<i32>} : memref<10240xi32, #tpu.memory_space<vmem>>, vector<16xi32>,
    %get3A_1137 = vector.shape_cast %get3A_1136 : vector<16xi32> to vector<16xi32>
    %shift_right_arithmetic3A_1138 = arith.constant 14 : i32
    %shift_right_arithmetic3A_1139 = vector.broadcast %shift_right_arithmetic3A_1138 : i32 to vector<16xi32>
    %shift_right_arithmetic3A_1140 = arith.shrsi %get3A_1137, %shift_right_arithmetic3A_1139 : vector<16xi32>
    %and3A_1141 = arith.constant 65535 : i32
    %and3A_1142 = vector.broadcast %and3A_1141 : i32 to vector<16xi32>
    %and3A_1143 = arith.andi %shift_right_arithmetic3A_1140, %and3A_1142 : vector<16xi32>
    %swap3A_1144 = arith.constant 1 : i32
    %swap3A_1145 = arith.index_cast %swap3A_1144 : i32 to index
    %swap3A_1146 = arith.constant 16 : index
    %swap3A_1147 = tpu.vector_load %arg8[%swap3A_1145, %swap3A_1146] {strides = array<i32>} : memref<2x128xi32, #tpu.memory_space<vmem>>, vector<1x16xi32>,
    %swap3A_1148 = vector.shape_cast %swap3A_1147 : vector<1x16xi32> to vector<16xi32>
    %swap3A_1149 = vector.shape_cast %and3A_1143 : vector<16xi32> to vector<1x16xi32>
    tpu.vector_store %arg8[%swap3A_1145, %swap3A_1146], %swap3A_1149 {strides = array<i32>} : memref<2x128xi32, #tpu.memory_space<vmem>>, vector<1x16xi32>,
    %add3A_1150 = arith.constant 32 : i32
    %add3A_1151 = arith.addi %multiple_of3A_1115, %add3A_1150 : i32
    %get3A_1152 = arith.index_cast %add3A_1151 : i32 to index
    %get3A_1153 = tpu.vector_load %arg6[%get3A_1152] {strides = array<i32>} : memref<10240xi32, #tpu.memory_space<vmem>>, vector<16xi32>,
    %get3A_1154 = vector.shape_cast %get3A_1153 : vector<16xi32> to vector<16xi32>
    %shift_right_arithmetic3A_1155 = arith.constant 14 : i32
    %shift_right_arithmetic3A_1156 = vector.broadcast %shift_right_arithmetic3A_1155 : i32 to vector<16xi32>
    %shift_right_arithmetic3A_1157 = arith.shrsi %get3A_1154, %shift_right_arithmetic3A_1156 : vector<16xi32>
    %and3A_1158 = arith.constant 65535 : i32
    %and3A_1159 = vector.broadcast %and3A_1158 : i32 to vector<16xi32>
    %and3A_1160 = arith.andi %shift_right_arithmetic3A_1157, %and3A_1159 : vector<16xi32>
    %swap3A_1161 = arith.constant 1 : i32
    %swap3A_1162 = arith.index_cast %swap3A_1161 : i32 to index
    %swap3A_1163 = arith.constant 32 : index
    %swap3A_1164 = tpu.vector_load %arg8[%swap3A_1162, %swap3A_1163] {strides = array<i32>} : memref<2x128xi32, #tpu.memory_space<vmem>>, vector<1x16xi32>,
    %swap3A_1165 = vector.shape_cast %swap3A_1164 : vector<1x16xi32> to vector<16xi32>
    %swap3A_1166 = vector.shape_cast %and3A_1160 : vector<16xi32> to vector<1x16xi32>
    tpu.vector_store %arg8[%swap3A_1162, %swap3A_1163], %swap3A_1166 {strides = array<i32>} : memref<2x128xi32, #tpu.memory_space<vmem>>, vector<1x16xi32>,
    %add3A_1167 = arith.constant 48 : i32
    %add3A_1168 = arith.addi %multiple_of3A_1115, %add3A_1167 : i32
    %get3A_1169 = arith.index_cast %add3A_1168 : i32 to index
    %get3A_1170 = tpu.vector_load %arg6[%get3A_1169] {strides = array<i32>} : memref<10240xi32, #tpu.memory_space<vmem>>, vector<16xi32>,
    %get3A_1171 = vector.shape_cast %get3A_1170 : vector<16xi32> to vector<16xi32>
    %shift_right_arithmetic3A_1172 = arith.constant 14 : i32
    %shift_right_arithmetic3A_1173 = vector.broadcast %shift_right_arithmetic3A_1172 : i32 to vector<16xi32>
    %shift_right_arithmetic3A_1174 = arith.shrsi %get3A_1171, %shift_right_arithmetic3A_1173 : vector<16xi32>
    %and3A_1175 = arith.constant 65535 : i32
    %and3A_1176 = vector.broadcast %and3A_1175 : i32 to vector<16xi32>
    %and3A_1177 = arith.andi %shift_right_arithmetic3A_1174, %and3A_1176 : vector<16xi32>
    %swap3A_1178 = arith.constant 1 : i32
    %swap3A_1179 = arith.index_cast %swap3A_1178 : i32 to index
    %swap3A_1180 = arith.constant 48 : index
    %swap3A_1181 = tpu.vector_load %arg8[%swap3A_1179, %swap3A_1180] {strides = array<i32>} : memref<2x128xi32, #tpu.memory_space<vmem>>, vector<1x16xi32>,
    %swap3A_1182 = vector.shape_cast %swap3A_1181 : vector<1x16xi32> to vector<16xi32>
    %swap3A_1183 = vector.shape_cast %and3A_1177 : vector<16xi32> to vector<1x16xi32>
    tpu.vector_store %arg8[%swap3A_1179, %swap3A_1180], %swap3A_1183 {strides = array<i32>} : memref<2x128xi32, #tpu.memory_space<vmem>>, vector<1x16xi32>,
    %add3A_1184 = arith.constant 64 : i32
    %add3A_1185 = arith.addi %multiple_of3A_1115, %add3A_1184 : i32
    %get3A_1186 = arith.index_cast %add3A_1185 : i32 to index
    %get3A_1187 = tpu.vector_load %arg6[%get3A_1186] {strides = array<i32>} : memref<10240xi32, #tpu.memory_space<vmem>>, vector<16xi32>,
    %get3A_1188 = vector.shape_cast %get3A_1187 : vector<16xi32> to vector<16xi32>
    %shift_right_arithmetic3A_1189 = arith.constant 14 : i32
    %shift_right_arithmetic3A_1190 = vector.broadcast %shift_right_arithmetic3A_1189 : i32 to vector<16xi32>
    %shift_right_arithmetic3A_1191 = arith.shrsi %get3A_1188, %shift_right_arithmetic3A_1190 : vector<16xi32>
    %and3A_1192 = arith.constant 65535 : i32
    %and3A_1193 = vector.broadcast %and3A_1192 : i32 to vector<16xi32>
    %and3A_1194 = arith.andi %shift_right_arithmetic3A_1191, %and3A_1193 : vector<16xi32>
    %swap3A_1195 = arith.constant 1 : i32
    %swap3A_1196 = arith.index_cast %swap3A_1195 : i32 to index
    %swap3A_1197 = arith.constant 64 : index
    %swap3A_1198 = tpu.vector_load %arg8[%swap3A_1196, %swap3A_1197] {strides = array<i32>} : memref<2x128xi32, #tpu.memory_space<vmem>>, vector<1x16xi32>,
    %swap3A_1199 = vector.shape_cast %swap3A_1198 : vector<1x16xi32> to vector<16xi32>
    %swap3A_1200 = vector.shape_cast %and3A_1194 : vector<16xi32> to vector<1x16xi32>
    tpu.vector_store %arg8[%swap3A_1196, %swap3A_1197], %swap3A_1200 {strides = array<i32>} : memref<2x128xi32, #tpu.memory_space<vmem>>, vector<1x16xi32>,
    %add3A_1201 = arith.constant 80 : i32
    %add3A_1202 = arith.addi %multiple_of3A_1115, %add3A_1201 : i32
    %get3A_1203 = arith.index_cast %add3A_1202 : i32 to index
    %get3A_1204 = tpu.vector_load %arg6[%get3A_1203] {strides = array<i32>} : memref<10240xi32, #tpu.memory_space<vmem>>, vector<16xi32>,
    %get3A_1205 = vector.shape_cast %get3A_1204 : vector<16xi32> to vector<16xi32>
    %shift_right_arithmetic3A_1206 = arith.constant 14 : i32
    %shift_right_arithmetic3A_1207 = vector.broadcast %shift_right_arithmetic3A_1206 : i32 to vector<16xi32>
    %shift_right_arithmetic3A_1208 = arith.shrsi %get3A_1205, %shift_right_arithmetic3A_1207 : vector<16xi32>
    %and3A_1209 = arith.constant 65535 : i32
    %and3A_1210 = vector.broadcast %and3A_1209 : i32 to vector<16xi32>
    %and3A_1211 = arith.andi %shift_right_arithmetic3A_1208, %and3A_1210 : vector<16xi32>
    %swap3A_1212 = arith.constant 1 : i32
    %swap3A_1213 = arith.index_cast %swap3A_1212 : i32 to index
    %swap3A_1214 = arith.constant 80 : index
    %swap3A_1215 = tpu.vector_load %arg8[%swap3A_1213, %swap3A_1214] {strides = array<i32>} : memref<2x128xi32, #tpu.memory_space<vmem>>, vector<1x16xi32>,
    %swap3A_1216 = vector.shape_cast %swap3A_1215 : vector<1x16xi32> to vector<16xi32>
    %swap3A_1217 = vector.shape_cast %and3A_1211 : vector<16xi32> to vector<1x16xi32>
    tpu.vector_store %arg8[%swap3A_1213, %swap3A_1214], %swap3A_1217 {strides = array<i32>} : memref<2x128xi32, #tpu.memory_space<vmem>>, vector<1x16xi32>,
    %add3A_1218 = arith.constant 96 : i32
    %add3A_1219 = arith.addi %multiple_of3A_1115, %add3A_1218 : i32
    %get3A_1220 = arith.index_cast %add3A_1219 : i32 to index
    %get3A_1221 = tpu.vector_load %arg6[%get3A_1220] {strides = array<i32>} : memref<10240xi32, #tpu.memory_space<vmem>>, vector<16xi32>,
    %get3A_1222 = vector.shape_cast %get3A_1221 : vector<16xi32> to vector<16xi32>
    %shift_right_arithmetic3A_1223 = arith.constant 14 : i32
    %shift_right_arithmetic3A_1224 = vector.broadcast %shift_right_arithmetic3A_1223 : i32 to vector<16xi32>
    %shift_right_arithmetic3A_1225 = arith.shrsi %get3A_1222, %shift_right_arithmetic3A_1224 : vector<16xi32>
    %and3A_1226 = arith.constant 65535 : i32
    %and3A_1227 = vector.broadcast %and3A_1226 : i32 to vector<16xi32>
    %and3A_1228 = arith.andi %shift_right_arithmetic3A_1225, %and3A_1227 : vector<16xi32>
    %swap3A_1229 = arith.constant 1 : i32
    %swap3A_1230 = arith.index_cast %swap3A_1229 : i32 to index
    %swap3A_1231 = arith.constant 96 : index
    %swap3A_1232 = tpu.vector_load %arg8[%swap3A_1230, %swap3A_1231] {strides = array<i32>} : memref<2x128xi32, #tpu.memory_space<vmem>>, vector<1x16xi32>,
    %swap3A_1233 = vector.shape_cast %swap3A_1232 : vector<1x16xi32> to vector<16xi32>
    %swap3A_1234 = vector.shape_cast %and3A_1228 : vector<16xi32> to vector<1x16xi32>
    tpu.vector_store %arg8[%swap3A_1230, %swap3A_1231], %swap3A_1234 {strides = array<i32>} : memref<2x128xi32, #tpu.memory_space<vmem>>, vector<1x16xi32>,
    %add3A_1235 = arith.constant 112 : i32
    %add3A_1236 = arith.addi %multiple_of3A_1115, %add3A_1235 : i32
    %get3A_1237 = arith.index_cast %add3A_1236 : i32 to index
    %get3A_1238 = tpu.vector_load %arg6[%get3A_1237] {strides = array<i32>} : memref<10240xi32, #tpu.memory_space<vmem>>, vector<16xi32>,
    %get3A_1239 = vector.shape_cast %get3A_1238 : vector<16xi32> to vector<16xi32>
    %shift_right_arithmetic3A_1240 = arith.constant 14 : i32
    %shift_right_arithmetic3A_1241 = vector.broadcast %shift_right_arithmetic3A_1240 : i32 to vector<16xi32>
    %shift_right_arithmetic3A_1242 = arith.shrsi %get3A_1239, %shift_right_arithmetic3A_1241 : vector<16xi32>
    %and3A_1243 = arith.constant 65535 : i32
    %and3A_1244 = vector.broadcast %and3A_1243 : i32 to vector<16xi32>
    %and3A_1245 = arith.andi %shift_right_arithmetic3A_1242, %and3A_1244 : vector<16xi32>
    %swap3A_1246 = arith.constant 1 : i32
    %swap3A_1247 = arith.index_cast %swap3A_1246 : i32 to index
    %swap3A_1248 = arith.constant 112 : index
    %swap3A_1249 = tpu.vector_load %arg8[%swap3A_1247, %swap3A_1248] {strides = array<i32>} : memref<2x128xi32, #tpu.memory_space<vmem>>, vector<1x16xi32>,
    %swap3A_1250 = vector.shape_cast %swap3A_1249 : vector<1x16xi32> to vector<16xi32>
    %swap3A_1251 = vector.shape_cast %and3A_1245 : vector<16xi32> to vector<1x16xi32>
    tpu.vector_store %arg8[%swap3A_1247, %swap3A_1248], %swap3A_1251 {strides = array<i32>} : memref<2x128xi32, #tpu.memory_space<vmem>>, vector<1x16xi32>,
    %dma_start3A_1252 = arith.constant 1 : i32
    %dma_start3A_1253 = arith.constant 0 : i32
    %dma_start3A_1254 = tpu.memref_slice %arg8[%dma_start3A_1252, %dma_start3A_1253] : memref<2x128xi32, #tpu.memory_space<vmem>> -> memref<1x128xi32, #tpu.memory_space<vmem>>
    %dma_start3A_1255 = tpu.memref_squeeze %dma_start3A_1254 : memref<1x128xi32, #tpu.memory_space<vmem>> -> memref<128xi32, #tpu.memory_space<vmem>>
    %dma_start3A_1256 = arith.constant 0 : i32
    %dma_start3A_1257 = arith.constant 0 : i32
    %dma_start3A_1258 = tpu.memref_slice %arg11[%dma_start3A_1256, %dma_start3A_1257] : memref<10112x128xf32, #tpu.memory_space<vmem_shared>> -> memref<10112x128xf32, #tpu.memory_space<vmem_shared>>
    tpu.enqueue_indirect_dma source(%arg10 : memref<128x128xf32, #tpu.memory_space<vmem>>) target(%dma_start3A_1258 : memref<10112x128xf32, #tpu.memory_space<vmem_shared>>) offsets(%dma_start3A_1255 : memref<128xi32, #tpu.memory_space<vmem>>) semaphore(%arg15 : memref<!tpu.dma_semaphore, #tpu.memory_space<semaphore_mem>>) {add = true}
    %dma_wait3A_1259 = arith.constant 1 : i32
    %dma_wait3A_1260 = arith.constant 0 : i32
    %dma_wait3A_1261 = tpu.memref_slice %arg8[%dma_wait3A_1259, %dma_wait3A_1260] : memref<2x128xi32, #tpu.memory_space<vmem>> -> memref<1x128xi32, #tpu.memory_space<vmem>>
    %dma_wait3A_1262 = tpu.memref_squeeze %dma_wait3A_1261 : memref<1x128xi32, #tpu.memory_space<vmem>> -> memref<128xi32, #tpu.memory_space<vmem>>
    %dma_wait3A_1263 = arith.constant 0 : i32
    %dma_wait3A_1264 = arith.constant 0 : i32
    %dma_wait3A_1265 = tpu.memref_slice %arg11[%dma_wait3A_1263, %dma_wait3A_1264] : memref<10112x128xf32, #tpu.memory_space<vmem_shared>> -> memref<10112x128xf32, #tpu.memory_space<vmem_shared>>
    tpu.wait_indirect_dma semaphore(%arg15 : memref<!tpu.dma_semaphore, #tpu.memory_space<semaphore_mem>>) src(%arg10 : memref<128x128xf32, #tpu.memory_space<vmem>>) dst(%dma_wait3A_1265 : memref<10112x128xf32, #tpu.memory_space<vmem_shared>>)
    %barrier3A_1266 = arith.constant 0 : index
    tpu.barrier barrier_id(%barrier3A_1266)
    "tpu.region"() ({
      %run_scoped3A = tpu.sem_alloc : memref<!tpu.dma_semaphore, #tpu.memory_space<semaphore_mem>>
      %dma_start3A_1267 = arith.constant 0 : i32
      %dma_start3A_1268 = arith.constant 0 : i32
      %dma_start3A_1269 = tpu.memref_slice %arg5[%arg0, %dma_start3A_1267, %dma_start3A_1268] : memref<2x10112x128xf32, #tpu.memory_space<hbm>> -> memref<1x10112x128xf32, #tpu.memory_space<hbm>>
      %dma_start3A_1270 = tpu.memref_squeeze %dma_start3A_1269 : memref<1x10112x128xf32, #tpu.memory_space<hbm>> -> memref<10112x128xf32, #tpu.memory_space<hbm>>
      %dma_start3A_1271 = arith.constant 0 : i32
      %dma_start3A_1272 = tpu.memref_slice %dma_start3A_1270[%mul3A_13, %dma_start3A_1271] : memref<10112x128xf32, #tpu.memory_space<hbm>> -> memref<632x128xf32, #tpu.memory_space<hbm>>
      %dma_start3A_1273 = arith.constant 0 : i32
      %dma_start3A_1274 = tpu.memref_slice %arg11[%mul3A_13, %dma_start3A_1273] : memref<10112x128xf32, #tpu.memory_space<vmem_shared>> -> memref<632x128xf32, #tpu.memory_space<vmem_shared>>
      tpu.enqueue_dma source(%dma_start3A_1274 : memref<632x128xf32, #tpu.memory_space<vmem_shared>>) target(%dma_start3A_1272 : memref<632x128xf32, #tpu.memory_space<hbm>>) target_semaphore(%run_scoped3A : memref<!tpu.dma_semaphore, #tpu.memory_space<semaphore_mem>>)
      %dma_wait3A_1275 = arith.constant 0 : i32
      %dma_wait3A_1276 = arith.constant 0 : i32
      %dma_wait3A_1277 = tpu.memref_slice %arg5[%arg0, %dma_wait3A_1275, %dma_wait3A_1276] : memref<2x10112x128xf32, #tpu.memory_space<hbm>> -> memref<1x10112x128xf32, #tpu.memory_space<hbm>>
      %dma_wait3A_1278 = tpu.memref_squeeze %dma_wait3A_1277 : memref<1x10112x128xf32, #tpu.memory_space<hbm>> -> memref<10112x128xf32, #tpu.memory_space<hbm>>
      %dma_wait3A_1279 = arith.constant 0 : i32
      %dma_wait3A_1280 = tpu.memref_slice %dma_wait3A_1278[%mul3A_13, %dma_wait3A_1279] : memref<10112x128xf32, #tpu.memory_space<hbm>> -> memref<632x128xf32, #tpu.memory_space<hbm>>
      %dma_wait3A_1281 = arith.constant 0 : i32
      %dma_wait3A_1282 = tpu.memref_slice %arg11[%mul3A_13, %dma_wait3A_1281] : memref<10112x128xf32, #tpu.memory_space<vmem_shared>> -> memref<632x128xf32, #tpu.memory_space<vmem_shared>>
      tpu.wait_dma2 semaphore(%run_scoped3A : memref<!tpu.dma_semaphore, #tpu.memory_space<semaphore_mem>>) src(%dma_wait3A_1282 : memref<632x128xf32, #tpu.memory_space<vmem_shared>>) dst(%dma_wait3A_1280 : memref<632x128xf32, #tpu.memory_space<hbm>>)
      tpu.yield
    }) : () -> ()
    return
  }
}

module attributes {stable_mosaic.version = 14 : i64} {
  func.func @_tc_body(%arg0: i32, %arg1: memref<1xf32, #tpu.memory_space<smem>>, %arg2: memref<1000x128xf32, #tpu.memory_space<vmem>>, %arg3: memref<1x1000x128xf32, #tpu.memory_space<vmem>>, %arg4: memref<1x1000x128xf32, #tpu.memory_space<vmem>>, %arg5: memref<128x128xf32, #tpu.memory_space<vmem>>, %arg6: memref<1x128xf32, #tpu.memory_space<vmem>>, %arg7: memref<128x128xf32, #tpu.memory_space<vmem>>, %arg8: memref<1x128xf32, #tpu.memory_space<vmem>>, %arg9: memref<1x128xf32, #tpu.memory_space<vmem>>, %arg10: memref<1x128xf32, #tpu.memory_space<vmem>>, %arg11: memref<1000x128xf32, #tpu.memory_space<vmem>>, %arg12: memref<10000x128xf32, #tpu.memory_space<vmem>>, %arg13: memref<8x128xf32, #tpu.memory_space<vmem>>) attributes {dimension_semantics = [#tpu.dimension_semantics<arbitrary>], iteration_bounds = array<i64: 20>, scalar_prefetch = 0 : i64, scratch_operands = 2 : i64, tpu.core_type = #tpu.core_type<tc>, window_params = [{transform_indices = @transform_0, window_bounds = array<i64: 1>}, {transform_indices = @transform_1, window_bounds = array<i64: 1000, 128>}, {transform_indices = @transform_2, window_bounds = array<i64: 1, 1000, 128>}, {transform_indices = @transform_3, window_bounds = array<i64: 1, 1000, 128>}, {pipeline_mode = #tpu.pipeline_mode<synchronous>, transform_indices = @transform_4, window_bounds = array<i64: 128, 128>}, {pipeline_mode = #tpu.pipeline_mode<synchronous>, transform_indices = @transform_5, window_bounds = array<i64: 1, 128>}, {pipeline_mode = #tpu.pipeline_mode<synchronous>, transform_indices = @transform_6, window_bounds = array<i64: 128, 128>}, {pipeline_mode = #tpu.pipeline_mode<synchronous>, transform_indices = @transform_7, window_bounds = array<i64: 1, 128>}, {pipeline_mode = #tpu.pipeline_mode<synchronous>, transform_indices = @transform_8, window_bounds = array<i64: 1, 128>}, {pipeline_mode = #tpu.pipeline_mode<synchronous>, transform_indices = @transform_9, window_bounds = array<i64: 1, 128>}, {transform_indices = @transform_10, window_bounds = array<i64: 1000, 128>}]} {
    %lt3A = arith.constant 10 : i32
    %lt3A_0 = arith.cmpi slt, %arg0, %lt3A : i32
    %convert_element_type3A = arith.extui %lt3A_0 : i1 to i32
    %cond3A = arith.constant 0 : i32
    %cond3A_1 = arith.cmpi ne, %convert_element_type3A, %cond3A : i32
    scf.if %cond3A_1 {
      %get3A = arith.constant 0 : index
      %get3A_6 = memref.load %arg1[%get3A] : memref<1xf32, #tpu.memory_space<smem>>
      %add3A = arith.constant 1.000000e+00 : f32
      %add3A_7 = arith.addf %add3A, %get3A_6 : f32
      %get3A_8 = arith.constant 0 : index
      %get3A_9 = arith.constant 0 : index
      %get3A_10 = vector.load %arg2[%get3A_8, %get3A_9] : memref<1000x128xf32, #tpu.memory_space<vmem>>, vector<1000x128xf32>
      %mul3A = vector.broadcast %add3A_7 : f32 to vector<1000x128xf32>
      %mul3A_11 = arith.mulf %mul3A, %get3A_10 : vector<1000x128xf32>
      %get3A_12 = arith.constant 0 : index
      %get3A_13 = arith.constant 0 : index
      %get3A_14 = arith.constant 0 : index
      %get3A_15 = vector.load %arg3[%get3A_12, %get3A_13, %get3A_14] : memref<1x1000x128xf32, #tpu.memory_space<vmem>>, vector<1x1000x128xf32>
      %get3A_16 = vector.shape_cast %get3A_15 : vector<1x1000x128xf32> to vector<1000x128xf32>
      %add3A_17 = arith.addf %mul3A_11, %get3A_16 : vector<1000x128xf32>
      %get3A_18 = arith.constant 0 : index
      %get3A_19 = arith.constant 0 : index
      %get3A_20 = arith.constant 0 : index
      %get3A_21 = vector.load %arg4[%get3A_18, %get3A_19, %get3A_20] : memref<1x1000x128xf32, #tpu.memory_space<vmem>>, vector<1x1000x128xf32>
      %get3A_22 = vector.shape_cast %get3A_21 : vector<1x1000x128xf32> to vector<1000x128xf32>
      %add3A_23 = arith.addf %add3A_17, %get3A_22 : vector<1000x128xf32>
      %get3A_24 = arith.constant 0 : index
      %get3A_25 = arith.constant 0 : index
      %get3A_26 = vector.load %arg5[%get3A_24, %get3A_25] : memref<128x128xf32, #tpu.memory_space<vmem>>, vector<128x128xf32>
      %dot_general3A = arith.constant dense<0.000000e+00> : vector<1000x128xf32>
      %dot_general3A_27 = tpu.matmul %add3A_23, %get3A_26, %dot_general3A {dimension_numbers = #tpu.dot_dimension_numbers<[1], [0], [0], [1], [0, 0, 1, 1], [], []>, transpose_lhs_hint = false} : vector<1000x128xf32>, vector<128x128xf32>, vector<1000x128xf32> -> vector<1000x128xf32>
      %get3A_28 = arith.constant 0 : index
      %get3A_29 = arith.constant 0 : index
      %get3A_30 = vector.load %arg6[%get3A_28, %get3A_29] : memref<1x128xf32, #tpu.memory_space<vmem>>, vector<1x128xf32>
      %add3A_31 = vector.broadcast %get3A_30 : vector<1x128xf32> to vector<1000x128xf32>
      %add3A_32 = arith.addf %dot_general3A_27, %add3A_31 : vector<1000x128xf32>
      %max3A = arith.constant 0.000000e+00 : f32
      %max3A_33 = vector.broadcast %max3A : f32 to vector<1000x128xf32>
      %max3A_34 = arith.maximumf %add3A_32, %max3A_33 : vector<1000x128xf32>
      %get3A_35 = arith.constant 0 : index
      %get3A_36 = arith.constant 0 : index
      %get3A_37 = vector.load %arg7[%get3A_35, %get3A_36] : memref<128x128xf32, #tpu.memory_space<vmem>>, vector<128x128xf32>
      %dot_general3A_38 = arith.constant dense<0.000000e+00> : vector<1000x128xf32>
      %dot_general3A_39 = tpu.matmul %max3A_34, %get3A_37, %dot_general3A_38 {dimension_numbers = #tpu.dot_dimension_numbers<[1], [0], [0], [1], [0, 0, 1, 1], [], []>, transpose_lhs_hint = false} : vector<1000x128xf32>, vector<128x128xf32>, vector<1000x128xf32> -> vector<1000x128xf32>
      %get3A_40 = arith.constant 0 : index
      %get3A_41 = arith.constant 0 : index
      %get3A_42 = vector.load %arg8[%get3A_40, %get3A_41] : memref<1x128xf32, #tpu.memory_space<vmem>>, vector<1x128xf32>
      %add3A_43 = vector.broadcast %get3A_42 : vector<1x128xf32> to vector<1000x128xf32>
      %add3A_44 = arith.addf %dot_general3A_39, %add3A_43 : vector<1000x128xf32>
      %mul3A_45 = arith.constant 1000 : i32
      %mul3A_46 = arith.muli %arg0, %mul3A_45 : i32
      %swap3A = arith.index_cast %mul3A_46 : i32 to index
      %swap3A_47 = arith.constant 0 : index
      %swap3A_48 = vector.load %arg12[%swap3A, %swap3A_47] : memref<10000x128xf32, #tpu.memory_space<vmem>>, vector<1000x128xf32>
      tpu.vector_store %arg12[%swap3A, %swap3A_47], %add3A_44 {strides = array<i32>} : memref<10000x128xf32, #tpu.memory_space<vmem>>, vector<1000x128xf32>,
      %reduce_sum3A = arith.constant dense<0.000000e+00> : vector<128xf32>
      %reduce_sum3A_49 = vector.multi_reduction <add>, %add3A_44, %reduce_sum3A [0] : vector<1000x128xf32> to vector<128xf32>
      %broadcast_in_dim3A = vector.shape_cast %reduce_sum3A_49 : vector<128xf32> to vector<1x128xf32>
      %mul3A_50 = arith.mulf %add3A_44, %add3A_44 : vector<1000x128xf32>
      %reduce_sum3A_51 = arith.constant dense<0.000000e+00> : vector<128xf32>
      %reduce_sum3A_52 = vector.multi_reduction <add>, %mul3A_50, %reduce_sum3A_51 [0] : vector<1000x128xf32> to vector<128xf32>
      %broadcast_in_dim3A_53 = vector.shape_cast %reduce_sum3A_52 : vector<128xf32> to vector<1x128xf32>
      %broadcast_in_dim3A_54 = arith.constant 0.000000e+00 : f32
      %broadcast_in_dim3A_55 = vector.broadcast %broadcast_in_dim3A_54 : f32 to vector<6x128xf32>
      %concatenate3A = tpu.concatenate %broadcast_in_dim3A, %broadcast_in_dim3A_53, %broadcast_in_dim3A_55 in 0 : vector<1x128xf32>, vector<1x128xf32>, vector<6x128xf32> -> vector<8x128xf32>
      %eq3A = arith.constant 0 : i32
      %eq3A_56 = arith.cmpi eq, %arg0, %eq3A : i32
      %convert_element_type3A_57 = arith.extui %eq3A_56 : i1 to i32
      %cond3A_58 = arith.constant 0 : i32
      %cond3A_59 = arith.cmpi ne, %convert_element_type3A_57, %cond3A_58 : i32
      scf.if %cond3A_59 {
        %swap3A_64 = arith.constant 0 : index
        %swap3A_65 = arith.constant 0 : index
        %swap3A_66 = vector.load %arg13[%swap3A_64, %swap3A_65] : memref<8x128xf32, #tpu.memory_space<vmem>>, vector<8x128xf32>
        tpu.vector_store %arg13[%swap3A_64, %swap3A_65], %concatenate3A {strides = array<i32>} : memref<8x128xf32, #tpu.memory_space<vmem>>, vector<8x128xf32>,
      } else {
      }
      %gt3A = arith.constant 0 : i32
      %gt3A_60 = arith.cmpi sgt, %arg0, %gt3A : i32
      %convert_element_type3A_61 = arith.extui %gt3A_60 : i1 to i32
      %cond3A_62 = arith.constant 0 : i32
      %cond3A_63 = arith.cmpi ne, %convert_element_type3A_61, %cond3A_62 : i32
      scf.if %cond3A_63 {
        %get3A_64 = arith.constant 0 : index
        %get3A_65 = arith.constant 0 : index
        %get3A_66 = vector.load %arg13[%get3A_64, %get3A_65] : memref<8x128xf32, #tpu.memory_space<vmem>>, vector<8x128xf32>
        %add3A_67 = arith.addf %get3A_66, %concatenate3A : vector<8x128xf32>
        %swap3A_68 = arith.constant 0 : index
        %swap3A_69 = arith.constant 0 : index
        %swap3A_70 = vector.load %arg13[%swap3A_68, %swap3A_69] : memref<8x128xf32, #tpu.memory_space<vmem>>, vector<8x128xf32>
        tpu.vector_store %arg13[%swap3A_68, %swap3A_69], %add3A_67 {strides = array<i32>} : memref<8x128xf32, #tpu.memory_space<vmem>>, vector<8x128xf32>,
      } else {
      }
    } else {
    }
    %ge3A = arith.constant 10 : i32
    %ge3A_2 = arith.cmpi sge, %arg0, %ge3A : i32
    %convert_element_type3A_3 = arith.extui %ge3A_2 : i1 to i32
    %cond3A_4 = arith.constant 0 : i32
    %cond3A_5 = arith.cmpi ne, %convert_element_type3A_3, %cond3A_4 : i32
    scf.if %cond3A_5 {
      %sub3A = arith.constant 10 : i32
      %sub3A_6 = arith.subi %arg0, %sub3A : i32
      %mul3A = arith.constant 1000 : i32
      %mul3A_7 = arith.muli %sub3A_6, %mul3A : i32
      %get3A = arith.index_cast %mul3A_7 : i32 to index
      %get3A_8 = arith.constant 0 : index
      %get3A_9 = vector.load %arg12[%get3A, %get3A_8] : memref<10000x128xf32, #tpu.memory_space<vmem>>, vector<1000x128xf32>
      %get3A_10 = arith.constant 0 : index
      %get3A_11 = arith.constant 0 : index
      %get3A_12 = vector.load %arg13[%get3A_10, %get3A_11] : memref<8x128xf32, #tpu.memory_space<vmem>>, vector<1x128xf32>
      %div3A = arith.constant 1.000000e+04 : f32
      %div3A_13 = vector.broadcast %div3A : f32 to vector<1x128xf32>
      %div3A_14 = arith.divf %get3A_12, %div3A_13 : vector<1x128xf32>
      %get3A_15 = arith.constant 1 : index
      %get3A_16 = arith.constant 0 : index
      %get3A_17 = vector.load %arg13[%get3A_15, %get3A_16] : memref<8x128xf32, #tpu.memory_space<vmem>>, vector<1x128xf32>
      %div3A_18 = arith.constant 1.000000e+04 : f32
      %div3A_19 = vector.broadcast %div3A_18 : f32 to vector<1x128xf32>
      %div3A_20 = arith.divf %get3A_17, %div3A_19 : vector<1x128xf32>
      %mul3A_21 = arith.mulf %div3A_14, %div3A_14 : vector<1x128xf32>
      %sub3A_22 = arith.subf %div3A_20, %mul3A_21 : vector<1x128xf32>
      %add3A = arith.constant 9.99999974E-6 : f32
      %add3A_23 = vector.broadcast %add3A : f32 to vector<1x128xf32>
      %add3A_24 = arith.addf %sub3A_22, %add3A_23 : vector<1x128xf32>
      %rsqrt3A = math.rsqrt %add3A_24 : vector<1x128xf32>
      %get3A_25 = arith.constant 0 : index
      %get3A_26 = arith.constant 0 : index
      %get3A_27 = vector.load %arg9[%get3A_25, %get3A_26] : memref<1x128xf32, #tpu.memory_space<vmem>>, vector<1x128xf32>
      %sub3A_28 = vector.broadcast %div3A_14 : vector<1x128xf32> to vector<1000x128xf32>
      %sub3A_29 = arith.subf %get3A_9, %sub3A_28 : vector<1000x128xf32>
      %mul3A_30 = vector.broadcast %get3A_27 : vector<1x128xf32> to vector<1000x128xf32>
      %mul3A_31 = arith.mulf %mul3A_30, %sub3A_29 : vector<1000x128xf32>
      %mul3A_32 = vector.broadcast %rsqrt3A : vector<1x128xf32> to vector<1000x128xf32>
      %mul3A_33 = arith.mulf %mul3A_31, %mul3A_32 : vector<1000x128xf32>
      %get3A_34 = arith.constant 0 : index
      %get3A_35 = arith.constant 0 : index
      %get3A_36 = vector.load %arg10[%get3A_34, %get3A_35] : memref<1x128xf32, #tpu.memory_space<vmem>>, vector<1x128xf32>
      %add3A_37 = vector.broadcast %get3A_36 : vector<1x128xf32> to vector<1000x128xf32>
      %add3A_38 = arith.addf %mul3A_33, %add3A_37 : vector<1000x128xf32>
      %get3A_39 = arith.constant 0 : index
      %get3A_40 = arith.constant 0 : index
      %get3A_41 = vector.load %arg2[%get3A_39, %get3A_40] : memref<1000x128xf32, #tpu.memory_space<vmem>>, vector<1000x128xf32>
      %max3A = arith.constant 0.000000e+00 : f32
      %max3A_42 = vector.broadcast %max3A : f32 to vector<1000x128xf32>
      %max3A_43 = arith.maximumf %add3A_38, %max3A_42 : vector<1000x128xf32>
      %add3A_44 = arith.addf %get3A_41, %max3A_43 : vector<1000x128xf32>
      %swap3A = arith.constant 0 : index
      %swap3A_45 = arith.constant 0 : index
      %swap3A_46 = vector.load %arg11[%swap3A, %swap3A_45] : memref<1000x128xf32, #tpu.memory_space<vmem>>, vector<1000x128xf32>
      tpu.vector_store %arg11[%swap3A, %swap3A_45], %add3A_44 {strides = array<i32>} : memref<1000x128xf32, #tpu.memory_space<vmem>>, vector<1000x128xf32>,
    } else {
    }
    return
  }
  func.func @transform_0(%arg0: i32) -> i32 {
    %c0_i32 = arith.constant 0 : i32
    %c0_i32_0 = arith.constant 0 : i32
    return %c0_i32 : i32
  }
  func.func @transform_1(%arg0: i32) -> (i32, i32) {
    %lt3A = arith.constant 10 : i32
    %lt3A_0 = arith.cmpi slt, %arg0, %lt3A : i32
    %sub3A = arith.constant 10 : i32
    %sub3A_1 = arith.subi %arg0, %sub3A : i32
    %select_n3A = arith.select %lt3A_0, %arg0, %sub3A_1 : i32
    %c0_i32 = arith.constant 0 : i32
    %c0_i32_2 = arith.constant 0 : i32
    return %select_n3A, %c0_i32 : i32, i32
  }
  func.func @transform_2(%arg0: i32) -> (i32, i32, i32) {
    %lt3A = arith.constant 10 : i32
    %lt3A_0 = arith.cmpi slt, %arg0, %lt3A : i32
    %jit3A = arith.constant 0 : i32
    %select_n3A = arith.select %lt3A_0, %arg0, %jit3A : i32
    %c0_i32 = arith.constant 0 : i32
    %c0_i32_1 = arith.constant 0 : i32
    %c0_i32_2 = arith.constant 0 : i32
    return %c0_i32, %select_n3A, %c0_i32_1 : i32, i32, i32
  }
  func.func @transform_3(%arg0: i32) -> (i32, i32, i32) {
    %lt3A = arith.constant 10 : i32
    %lt3A_0 = arith.cmpi slt, %arg0, %lt3A : i32
    %jit3A = arith.constant 0 : i32
    %select_n3A = arith.select %lt3A_0, %arg0, %jit3A : i32
    %c1_i32 = arith.constant 1 : i32
    %c0_i32 = arith.constant 0 : i32
    %c0_i32_1 = arith.constant 0 : i32
    return %c1_i32, %select_n3A, %c0_i32 : i32, i32, i32
  }
  func.func @transform_4(%arg0: i32) -> (i32, i32) {
    %c0_i32 = arith.constant 0 : i32
    %c0_i32_0 = arith.constant 0 : i32
    %c0_i32_1 = arith.constant 0 : i32
    return %c0_i32, %c0_i32_0 : i32, i32
  }
  func.func @transform_5(%arg0: i32) -> (i32, i32) {
    %c0_i32 = arith.constant 0 : i32
    %c0_i32_0 = arith.constant 0 : i32
    %c0_i32_1 = arith.constant 0 : i32
    return %c0_i32, %c0_i32_0 : i32, i32
  }
  func.func @transform_6(%arg0: i32) -> (i32, i32) {
    %c0_i32 = arith.constant 0 : i32
    %c0_i32_0 = arith.constant 0 : i32
    %c0_i32_1 = arith.constant 0 : i32
    return %c0_i32, %c0_i32_0 : i32, i32
  }
  func.func @transform_7(%arg0: i32) -> (i32, i32) {
    %c0_i32 = arith.constant 0 : i32
    %c0_i32_0 = arith.constant 0 : i32
    %c0_i32_1 = arith.constant 0 : i32
    return %c0_i32, %c0_i32_0 : i32, i32
  }
  func.func @transform_8(%arg0: i32) -> (i32, i32) {
    %c0_i32 = arith.constant 0 : i32
    %c0_i32_0 = arith.constant 0 : i32
    %c0_i32_1 = arith.constant 0 : i32
    return %c0_i32, %c0_i32_0 : i32, i32
  }
  func.func @transform_9(%arg0: i32) -> (i32, i32) {
    %c0_i32 = arith.constant 0 : i32
    %c0_i32_0 = arith.constant 0 : i32
    %c0_i32_1 = arith.constant 0 : i32
    return %c0_i32, %c0_i32_0 : i32, i32
  }
  func.func @transform_10(%arg0: i32) -> (i32, i32) {
    %lt3A = arith.constant 10 : i32
    %lt3A_0 = arith.cmpi slt, %arg0, %lt3A : i32
    %sub3A = arith.constant 10 : i32
    %sub3A_1 = arith.subi %arg0, %sub3A : i32
    %select_n3A = arith.select %lt3A_0, %arg0, %sub3A_1 : i32
    %c0_i32 = arith.constant 0 : i32
    %c0_i32_2 = arith.constant 0 : i32
    return %select_n3A, %c0_i32 : i32, i32
  }
}

module attributes {stable_mosaic.version = 14 : i64} {
  func.func @_pack_body(%arg0: i32, %arg1: memref<2x65536xi32, #tpu.memory_space<vmem>>, %arg2: memref<1x1x65536xi32, #tpu.memory_space<vmem>>, %arg3: memref<1x1x65536xi32, #tpu.memory_space<vmem>>) attributes {dimension_semantics = [#tpu.dimension_semantics<arbitrary>], iteration_bounds = array<i64: 5>, scalar_prefetch = 0 : i64, scratch_operands = 0 : i64, tpu.core_type = #tpu.core_type<tc>, window_params = [{transform_indices = @transform_0, window_bounds = array<i64: 2, 65536>}, {transform_indices = @transform_1, window_bounds = array<i64: 1, 1, 65536>}, {transform_indices = @transform_2, window_bounds = array<i64: 1, 1, 65536>}]} {
    %get3A = arith.constant 0 : index
    %get3A_0 = arith.constant 0 : index
    %get3A_1 = vector.load %arg1[%get3A, %get3A_0] : memref<2x65536xi32, #tpu.memory_space<vmem>>, vector<1x65536xi32>
    %reshape3A = vector.shape_cast %get3A_1 : vector<1x65536xi32> to vector<1x1x65536xi32>
    %get3A_2 = arith.constant 1 : index
    %get3A_3 = arith.constant 0 : index
    %get3A_4 = vector.load %arg1[%get3A_2, %get3A_3] : memref<2x65536xi32, #tpu.memory_space<vmem>>, vector<1x65536xi32>
    %reshape3A_5 = vector.shape_cast %get3A_4 : vector<1x65536xi32> to vector<1x1x65536xi32>
    %mul3A = arith.constant 65536 : i32
    %mul3A_6 = arith.muli %arg0, %mul3A : i32
    %iota3A = tpu.iota {dimensions = array<i32: 2>} : vector<1x1x65536xi32>
    %add3A = vector.broadcast %mul3A_6 : i32 to vector<1x1x65536xi32>
    %add3A_7 = arith.addi %add3A, %iota3A : vector<1x1x65536xi32>
    %lt3A = arith.constant 320000 : i32
    %lt3A_8 = vector.broadcast %lt3A : i32 to vector<1x1x65536xi32>
    %lt3A_9 = arith.cmpi slt, %add3A_7, %lt3A_8 : vector<1x1x65536xi32>
    %shift_left3A = arith.constant 14 : i32
    %shift_left3A_10 = vector.broadcast %shift_left3A : i32 to vector<1x1x65536xi32>
    %shift_left3A_11 = arith.shli %reshape3A_5, %shift_left3A_10 : vector<1x1x65536xi32>
    %or3A = arith.ori %reshape3A, %shift_left3A_11 : vector<1x1x65536xi32>
    %get3A_12 = arith.constant 0 : index
    %get3A_13 = arith.constant 0 : index
    %get3A_14 = arith.constant 0 : index
    %get3A_15 = vector.load %arg2[%get3A_12, %get3A_13, %get3A_14] : memref<1x1x65536xi32, #tpu.memory_space<vmem>>, vector<1x1x65536xi32>
    %select_n3A = arith.select %lt3A_9, %or3A, %get3A_15 : vector<1x1x65536xi1>, vector<1x1x65536xi32>
    %swap3A = arith.constant 0 : index
    %swap3A_16 = arith.constant 0 : index
    %swap3A_17 = arith.constant 0 : index
    %swap3A_18 = vector.load %arg3[%swap3A, %swap3A_16, %swap3A_17] : memref<1x1x65536xi32, #tpu.memory_space<vmem>>, vector<1x1x65536xi32>
    tpu.vector_store %arg3[%swap3A, %swap3A_16, %swap3A_17], %select_n3A {strides = array<i32>} : memref<1x1x65536xi32, #tpu.memory_space<vmem>>, vector<1x1x65536xi32>,
    return
  }
  func.func @transform_0(%arg0: i32) -> (i32, i32) {
    %min3A = arith.constant 4 : i32
    %min3A_0 = arith.minsi %arg0, %min3A : i32
    %c0_i32 = arith.constant 0 : i32
    %c0_i32_1 = arith.constant 0 : i32
    return %c0_i32, %min3A_0 : i32, i32
  }
  func.func @transform_1(%arg0: i32) -> (i32, i32, i32) {
    %sub3A = arith.constant 4 : i32
    %sub3A_0 = arith.subi %arg0, %sub3A : i32
    %max3A = arith.constant 0 : i32
    %max3A_1 = arith.maxsi %sub3A_0, %max3A : i32
    %c0_i32 = arith.constant 0 : i32
    %c0_i32_2 = arith.constant 0 : i32
    %c0_i32_3 = arith.constant 0 : i32
    return %max3A_1, %c0_i32, %c0_i32_2 : i32, i32, i32
  }
  func.func @transform_2(%arg0: i32) -> (i32, i32, i32) {
    %c0_i32 = arith.constant 0 : i32
    %c0_i32_0 = arith.constant 0 : i32
    %c0_i32_1 = arith.constant 0 : i32
    return %arg0, %c0_i32, %c0_i32_0 : i32, i32, i32
  }
}

</mosaic_0001>

<sc_bundles>
// kernel: kernel.5.cloned.1.call-start
scs
__scs_entry_jumppad:
0x0: {  	(pc) =	sbr.rel $0x88, $3  }
0x1: {  	(tag) =	ssettag $0x0;
	lr =	simm.s32 $0x1  }
0x2: {  	[smem:$0x3F98] =	sst lr;
	_ =	strace $0xD0000000  }
0x3: {  	_ = 	snop  }
0x4: {  	_ = 	snop  }
0x5: {  	_ = 	snop  }
0x6: {  	_ = 	snop  }
0x7: {  	_ = 	snop  }
__scs_overlays_trampoline_lowered:
0x8: {  	[smem:$0x3FA7] =	sst s0  }
0x9: {  	[smem:$0x3FA8] =	sst s1  }
0xa: {  	[smem:$0x3FA9] =	sst s2  }
0xb: {  	[smem:$0x3FAA] =	sst s3  }
0xc: {  	[smem:$0x3FAB] =	sst s4  }
0xd: {  	[smem:$0x3FAC] =	sst s5  }
0xe: {  	[smem:$0x3FAD] =	sst s6  }
0xf: {  	[smem:$0x3FAE] =	sst s7  }
0x10: {  	[smem:$0x3FAF] =	sst s8  }
0x11: {  	[smem:$0x3FB0] =	sst s9;
	s0 =	simm.s32 @!p0 $0x0  }
0x12: {  	s1 =	sld [smem:$0x3F96];
	s0 =	simm.s32 @p0 $0x1  }
0x13: {  	[smem:$0x3FB1] =	sst s0;
	s0 =	simm.s32 @!p1 $0x0  }
0x14: {  	s2 =	sld [smem:$0x3F95];
	s0 =	simm.s32 @p1 $0x1  }
0x15: {  	[smem:$0x3FB2] =	sst s0;
	s0 =	simm.s32 @!p2 $0x0  }
0x16: {  	s3 =	sld [smem:$0x3FDB];
	s0 =	simm.s32 @p2 $0x1  }
0x17: {  	s4 =	simm.s32 $0x1BF5;
	[smem:$0x3FB4] =	sst s0  }
0x18: {  	s0 =	sld [smem:$0x3F97];
	_ =	swait.ge [sflag:s4], $0x0  }
0x19: {  	s7 =	sld [smem:$0x3F98]  }
0x1a: {  	s8 =	sadd.s32 $0xFFFFE003, lr  }
0x1b: {  	s9 =	sadd.s32 $0xFFFFFEF7, lr;
	s5 =	simm.s32 $0xFFFFFFFF;
	p2 =	slt.u32 s8, $0xFFFFF086  }
0x1c: {  	p1 =	slt.u32 s9, $0xF7A;
	s5 =	simm.s32 @!p2 $0x0  }
0x1d: {  	s5 =	simm.s32 @p1 $0x1;
	p0 =	seq.s32 s7, s2  }
0x1e: {  	s7 =	smul.u32 @!p0 $0xF7A, s2;
	p2 =	seq.s32 @!p0 s5, $0x0  }
0x1f: {  	s9 =	smul.u32 $0xF7A, s1;
	s8 =	simm.s32 @!p0 $0x1BF5;
	p2 =	por !p2, p0  }
0x20: {  	[sflag:s8] =	ssyncset.s32 @!p0 $0xFFFFF086;
	s6 =	sadd.s32 @!p0 s3, s7;
	s7 =	simm.s32 @!p0 $0x108  }
0x21: {  	s3 =	sadd.s32 s3, s9;
	s6 =	sadd.s32 @!p0 $0x88, s6;
	s7 =	simm.s32 @p2 $0x1082  }
0x22: {  	[simem:s7], [sflag:s8] =	dma.local @!p0 [hbm:s6], $0xF7A  }
0x23: {  	s9 =	sor.u32 $0xD0000000, s2;
	s6 =	simm.s32 $0x108;
	_ =	swait.ge @!p0 [sflag:s8], $0x0  }
0x24: {  	s3 =	sadd.s32 $0x88, s3;
	s6 =	simm.s32 @!p1 $0x1082;
	[sflag:s4] =	ssyncset.s32 $0xFFFFF086  }
0x25: {  	[simem:s6], [sflag:s4] =	dma.local [hbm:s3], $0xF7A  }
0x26: {  	[smem:$0x3F98] =	sst s1;
	(tag) =	ssettag s2;
	_ =	strace s9  }
0x27: {  	s1 =	sld [smem:$0x3FA8]  }
0x28: {  	s2 =	sld [smem:$0x3FA9]  }
0x29: {  	s4 =	sld [smem:$0x3FAB]  }
0x2a: {  	p0 =	seq.s32 s5, $0x0;
	s5 =	sld [smem:$0x3FAC]  }
0x2b: {  	s6 =	sld [smem:$0x3FAD]  }
0x2c: {  	s7 =	sld [smem:$0x3FAE]  }
0x2d: {  	s3 =	simm.s32 $0x108;
	s8 =	sld [smem:$0x3FAF]  }
0x2e: {  	s3 =	simm.s32 @!p0 $0x1082;
	s9 =	sld [smem:$0x3FB0]  }
0x2f: {  	lr =	sadd.s32 s0, s3;
	s0 =	sld [smem:$0x3FA7]  }
0x30: {  	s3 =	sld [smem:$0x3FAA]  }
0x31: {  	[smem:$0x3FB3] =	sst s10  }
0x32: {  	s10 =	sld [smem:$0x3FB1];
	_ =	sdelay $0x3  }
0x33: {  	p0 =	seq.s32 s10, $0x1;
	s10 =	sld [smem:$0x3FB3];
	_ =	sdelay $0x3  }
0x34: {  	[smem:$0x3FB3] =	sst s10  }
0x35: {  	s10 =	sld [smem:$0x3FB2];
	_ =	sdelay $0x3  }
0x36: {  	p1 =	seq.s32 s10, $0x1;
	s10 =	sld [smem:$0x3FB3];
	_ =	sdelay $0x3  }
0x37: {  	[smem:$0x3FB3] =	sst s10  }
0x38: {  	s10 =	sld [smem:$0x3FB4]  }
0x39: {  	_ = 	snop;
	(pc) =	sbr.ind lr, $3  }
0x3a: {  	_ = 	snop  }
0x3b: {  	_ = 	snop  }
0x3c: {  	p2 =	seq.s32 s10, $0x1;
	s10 =	sld [smem:$0x3FB3]  }
0x3d: {  	_ =	shalt  }
0x3e: {  	_ =	shalt  }
0x3f: {  	_ =	shalt  }
0x40: {  	_ =	shalt  }
0x41: {  	_ =	shalt  }
0x42: {  	_ =	shalt  }
0x43: {  	_ =	shalt  }
0x44: {  	_ =	shalt  }
0x45: {  	_ =	shalt  }
0x46: {  	_ =	shalt  }
0x47: {  	_ =	shalt  }
0x48: {  	_ =	shalt  }
0x49: {  	_ =	shalt  }
0x4a: {  	_ =	shalt  }
0x4b: {  	_ =	shalt  }
0x4c: {  	_ =	shalt  }
0x4d: {  	_ =	shalt  }
0x4e: {  	_ =	shalt  }
0x4f: {  	_ =	shalt  }
0x50: {  	_ =	shalt  }
0x51: {  	_ =	shalt  }
0x52: {  	_ =	shalt  }
0x53: {  	_ =	shalt  }
0x54: {  	_ =	shalt  }
0x55: {  	_ =	shalt  }
0x56: {  	_ =	shalt  }
0x57: {  	_ =	shalt  }
0x58: {  	_ =	shalt  }
0x59: {  	_ =	shalt  }
0x5a: {  	_ =	shalt  }
0x5b: {  	_ =	shalt  }
0x5c: {  	_ =	shalt  }
0x5d: {  	_ =	shalt  }
0x5e: {  	_ =	shalt  }
0x5f: {  	_ =	shalt  }
0x60: {  	_ =	shalt  }
0x61: {  	_ =	shalt  }
0x62: {  	_ =	shalt  }
0x63: {  	_ =	shalt  }
0x64: {  	_ =	shalt  }
0x65: {  	_ =	shalt  }
0x66: {  	_ =	shalt  }
0x67: {  	_ =	shalt  }
0x68: {  	_ =	shalt  }
0x69: {  	_ =	shalt  }
0x6a: {  	_ =	shalt  }
0x6b: {  	_ =	shalt  }
0x6c: {  	_ =	shalt  }
0x6d: {  	_ =	shalt  }
0x6e: {  	_ =	shalt  }
0x6f: {  	_ =	shalt  }
0x70: {  	_ =	shalt  }
0x71: {  	_ =	shalt  }
0x72: {  	_ =	shalt  }
0x73: {  	_ =	shalt  }
0x74: {  	_ =	shalt  }
0x75: {  	_ =	shalt  }
0x76: {  	_ =	shalt  }
0x77: {  	_ =	shalt  }
0x78: {  	_ =	shalt  }
0x79: {  	_ =	shalt  }
0x7a: {  	_ =	shalt  }
0x7b: {  	_ =	shalt  }
0x7c: {  	_ =	shalt  }
0x7d: {  	_ =	shalt  }
0x7e: {  	_ =	shalt  }
0x7f: {  	_ =	shalt  }
0x80: {  	_ =	shalt  }
0x81: {  	_ =	shalt  }
0x82: {  	_ =	shalt  }
0x83: {  	_ =	shalt  }
0x84: {  	_ =	shalt  }
0x85: {  	_ =	shalt  }
0x86: {  	_ =	shalt  }
0x87: {  	_ =	shalt  }
.Lfunc_end0:
.L_simem_size_0:
called_computation_lowered:
.L_overlay_start_0:
0x88: {  	s2 =	sld [smem:$0x3FD9]  }
0x89: {  	s3 =	sld [smem:$0x3FFE];
	_ =	sdelay $0x1  }
0x8a: {  	s1 =	srdreg.scid  }
0x8b: {  	s0 =	sand.u32 $0x1, s1  }
0x8c: {  	s17 =	sshll.u32 s0, $0xA;
	s2 =	sadd.s32 s3, s2  }
0x8d: {  	s2 =	sadd.s32 s2, s17  }
0x8e: {  	[smem:$0x3FBF] =	sst s2  }
0x8f: {  	_ = 	snop  }
0x90: {  	s2 =	sld [smem:$0x3FC9]  }
0x91: {  	s18 =	sld [smem:$0x3FD0];
	(tm) =	ssettm $0x1  }
0x92: {  	s4 =	sld [smem:$0x3FFB];
	_ =	sdelay $0x3  }
0x93: {  	_ =	strace s4  }
0x94: {  	s4 =	sld [smem:$0x3FFC];
	_ =	sdelay $0x3  }
0x95: {  	_ =	strace s4  }
0x96: {  	s4 =	sld [smem:$0x3FFD];
	_ =	sdelay $0x3  }
0x97: {  	_ =	strace s4  }
0x98: {  	_ =	strace $0x8FFFFFFF  }
0x99: {  	s19 =	sld [smem:$0x3FDB];
	_ =	sdelay $0x1  }
0x9a: {  	s5 =	simm.s32 $_scs_section_size  }
0x9b: {  	s6 =	simm.s32 $_size__tile_overlayer_lowered;
	s7 =	simm.s32 $_tile_overlayer_lowered  }
0x9c: {  	s22 =	simm.s32 $0x1BFF;
	s21 =	sshll.u32 s7, $0x1;
	s4 =	sadd.s32 s5, s19  }
0x9d: {  	s8 =	simm.s32 $0x0;
	s20 =	sshll.u32 s6, $0x1;
	s6 =	sadd.s32 s21, s4  }
0x9e: {  	[timem:s8], [sflag:s22] =	dma.local [hbm:s6], s20  }
0x9f: {  	_ =	swait.ge [sflag:s22], s20  }
0xa0: {  	s5 =	ssub.s32 $0x0, s20;
	[sflag:s22] =	ssyncset.done $0x0  }
0xa1: {  	[sflag:s22] =	ssyncadd.s32 s5;
	_ =	sdelay $0x1  }
0xa2: {  	s23 =	simm.s32 $0x1B8B  }
0xa3: {  	_ =	swait.ge [sflag:s23], $0x1  }
0xa4: {  	[sflag:s23] =	ssyncset.done $0x0  }
0xa5: {  	s25 =	simm.s32 $0x1B8E;
	s24 =	sld [smem:$0x3FFE];
	[sflag:s23] =	ssyncadd.s32 $0xFFFFFFFF  }
0xa6: {  	s26 =	simm.s32 $execute0_lowered;
	[smem:$0x3FD2] =	sst s25  }
0xa7: {  	s6 =	sshll.u32 s26, $0x1;
	_ =	strace $0x80000046;
	[dreg:$0x1] =	wrdreg $0xFFFFFFFF  }
0xa8: {  	s28 =	simm.s32 $_size_execute0_lowered;
	s4 =	sadd.s32 s4, s6;
	[dreg:$0x0] =	wrdreg $0x0  }
0xa9: {  	s6 =	sshll.u32 s28, $0x1;
	[dreg:$0x2] =	wrdreg s4  }
0xaa: {  	[dreg:$0x3] =	wrdreg s6  }
0xab: {  	[dreg:$0x4] =	wrdreg $0xC0  }
0xac: {  	_ =	task [dreg:s8], $0x5FFFF  }
0xad: {  	[dreg:$0x1] =	wrdreg $0xFFFFFFFF  }
0xae: {  	[dreg:$0x0] =	wrdreg $0x60  }
0xaf: {  	[dreg:$0x2] =	wrdreg s2  }
0xb0: {  	[dreg:$0x3] =	wrdreg s18  }
0xb1: {  	[dreg:$0x4] =	wrdreg s24  }
0xb2: {  	[dreg:$0x5] =	wrdreg $0xAA000  }
0xb3: {  	[dreg:$0x6] =	wrdreg $0x9  }
0xb4: {  	_ =	task.clear_ibuf [dreg:s8], $0x7FFFF;
	_ =	strace $0x90000046  }
0xb5: {  	s29 =	simm.s32 $0x9;
	_ =	strace $0x80000048  }
0xb6: {  	_ =	swait.ge [sflag:s29], $0x1  }
0xb7: {  	[sflag:s29] =	ssyncadd.s32 $0xFFFFFFFF  }
0xb8: {  	_ =	strace $0x90000048  }
0xb9: {  	_ =	sfence  }
0xba: {  	s30 =	sld [smem:$0x0];
	_ =	sdelay $0x2  }
0xbb: {  	s31 =	sshll.u32 s1, $0xD;
	s1 =	sshrl.u32 s1, $0x2  }
0xbc: {  	s3 =	sand.u32 $0x4000, s31;
	s1 =	sadd.s32 s1, s30  }
0xbd: {  	s0 =	sor.u32 s3, s0;
	s1 =	sshll.u32 s1, $0x11  }
0xbe: {  	s0 =	sor.u32 s1, s0  }
0xbf: {  	s0 =	sadd.s32 $0x8F2B, s0  }
0xc0: {  	[sflag:s0] =	ssyncadd.remote.s32 $0x1  }
0xc1: {  	_ =	sfence.sel $0xFFFF  }
0xc2: {  	[dreg:$0x0] =	wrdreg $0xFFFFFFFF;
	(pc) =	sbr.abs _section_cstart, $3  }
0xc3: {  	[dreg:$0x1] =	wrdreg $0xFFFFFFFF  }
0xc4: {  	_ =	task.clear_ibuf [dreg:s8], $0x2FFFF;
	_ =	strace $0x9FFFFFFF  }
0xc5: {  	(tm) =	ssettm $0x7FFFFFFF  }
tec
execute0_lowered:
.L_overlay_start_1:
0x0: {  	(tag) =	ssettag $0x1  }
0x1: {  	s1 =	rddreg [dreg:$0x0]  }
0x2: {  	s7 =	rddreg [dreg:$0x1]  }
0x3: {  	s6 =	rddreg [dreg:$0x2]  }
0x4: {  	s2 =	rddreg [dreg:$0x3]  }
0x5: {  	s0 =	rddreg [dreg:$0x4];
	s3 =	simm.s32 $0x0  }
0x6: {  	s4 =	srdreg.scid;
	s13 =	simm.s32 $0x2800;
	s14 =	simm.s32 $0x2A00  }
0x7: {  	s15 =	simm.s32 $0x2880;
	s16 =	simm.s32 $0x6A00;
	s17 =	simm.s32 $0x1  }
0x8: {  	s18 =	simm.s32 $0x2900;
	s19 =	simm.s32 $0x3;
	s20 =	simm.s32 $0x2  }
0x9: {  	s21 =	simm.s32 $0x2980;
	[smem:$0x7FF] =	sst s3;
	s8 =	sand.u32 $0x1, s4  }
0xa: {  	s22 =	simm.s32 $0x4;
	s4 =	stileid.u32;
	s9 =	smul.u32 $0x27800, s8  }
0xb: {  	s5 =	sadd.s32 $0x2000, s6;
	_ =	strace $0x80000047;
	s11 =	smul.u32 $0x2800, s4  }
0xc: {  	s10 =	ssub.s32 $0x2, s8;
	s12 =	smul.u32 $0x4F000, s4;
	p0 =	seq.s32 s8, $0x0  }
0xd: {  	s24 =	sshll.u32 s4, $0x6;
	s25 =	smul.u32 $0x2780, s4;
	s29 =	sshrl.u32 s10, $0x1  }
0xe: {  	s9 =	sadd.s32 s9, s6;
	s6 =	sadd.s32 $0x28000, s11;
	s30 =	sshrl.u32 s12, $0x2  }
0xf: {  	s10 =	ssub.s32 s10, s29;
	s11 =	smov.u32 @p0 s6;
	s12 =	sadd.s32 s30, s2  }
0x10: {  	s6 =	sor.u32 $0x1C05, s24;
	s23 =	sadd.s32 $0x4800, s9;
	s8 =	smax.u32 s10, $0x1  }
0x11: {  	s10 =	simm.s32 $0x6;
	s24 =	sor.u32 $0x1C06, s24;
	s31 =	sshrl.u32 s11, $0x3  }
0x12: {  	s9 =	sshrl.u32 s12, $0x3;
	s11 =	simm.s32 $0x5;
	s12 =	simm.s32 $0x80  }
0x13: {  	s23 =	sadd.s32 s25, s23;
	s25 =	simm.s32 $0x0;
	s7 =	sadd.s32 s7, s31  }
.LBB2_1:
0x14: {  	[spmem:s9], [sflag:s6] =	dma.local [hbm:s5], $0x2780  }
0x15: {  	[tilespmem:s3], [sflag:$0x6] =	stream.linear.gather [hbm4b:s7+s3], $0x2800, $0x38;
	[tilespmem:$0x1E600] =	vst v63  }
0x16: {  	_ =	swait.ge [sflag:s10], $0x2800  }
0x17: {  	[sflag:s10] =	ssyncset.done $0x0  }
0x18: {  	[sflag:s10] =	ssyncadd.s32 $0xFFFFD800  }
0x19: {  	_ =	swait.ge [sflag:s11], $0x2780  }
0x1a: {  	[sflag:s11] =	ssyncset.done $0x0  }
0x1b: {  	[sflag:s11] =	ssyncadd.s32 $0xFFFFD880  }
0x1c: {  	[bflag:$0x0] =	sbarrier.arrive $0xFFFF  }
0x1d: {  	v0 =	vld [tilespmem:$0x0]  }
0x1e: {  	v1 =	vld [tilespmem:$0x10]  }
0x1f: {  	v2 =	vld [tilespmem:$0x20]  }
0x20: {  	v3 =	vld [tilespmem:$0x30]  }
0x21: {  	v4 =	vld [tilespmem:$0x40]  }
0x22: {  	v5 =	vld [tilespmem:$0x50];
	v0 =	vand.u32 $0x3FFF, v0  }
0x23: {  	v36 =	vld [tilespmem:$0x60];
	v35 =	vand.u32 $0x3FFF, v1;
	[tilespmem:$0x2800] =	vst v0  }
0x24: {  	v38 =	vld [tilespmem:$0x70];
	v37 =	vand.u32 $0x3FFF, v2;
	[tilespmem:$0x2810] =	vst v35  }
0x25: {  	v39 =	vand.u32 $0x3FFF, v3;
	[tilespmem:$0x2820] =	vst v37  }
0x26: {  	v40 =	vand.u32 $0x3FFF, v4;
	[tilespmem:$0x2830] =	vst v39  }
0x27: {  	v41 =	vand.u32 $0x3FFF, v5;
	[tilespmem:$0x2840] =	vst v40  }
0x28: {  	v42 =	vand.u32 $0x3FFF, v36;
	[tilespmem:$0x2850] =	vst v41  }
0x29: {  	v43 =	vand.u32 $0x3FFF, v38;
	[tilespmem:$0x2860] =	vst v42  }
0x2a: {  	[tilespmem:$0x2870] =	vst v43  }
0x2b: {  	[tilespmem:s14], [sflag:$0x1] =	stream.indirect.gather [hbm4b:s1+s12], $0x80, s13, s12, $0xb8;
	[tilespmem:$0x1E600] =	vst v63  }
0x2c: {  	v44 =	vld [tilespmem:$0x80]  }
0x2d: {  	v45 =	vld [tilespmem:$0x90]  }
0x2e: {  	v46 =	vld [tilespmem:$0xA0]  }
0x2f: {  	v47 =	vld [tilespmem:$0xB0]  }
0x30: {  	v48 =	vld [tilespmem:$0xC0]  }
0x31: {  	v49 =	vld [tilespmem:$0xD0];
	v0 =	vand.u32 $0x3FFF, v44  }
0x32: {  	v51 =	vld [tilespmem:$0xE0];
	v50 =	vand.u32 $0x3FFF, v45;
	[tilespmem:$0x2880] =	vst v0  }
0x33: {  	v53 =	vld [tilespmem:$0xF0];
	v52 =	vand.u32 $0x3FFF, v46;
	[tilespmem:$0x2890] =	vst v50  }
0x34: {  	v54 =	vand.u32 $0x3FFF, v47;
	[tilespmem:$0x28A0] =	vst v52  }
0x35: {  	v55 =	vand.u32 $0x3FFF, v48;
	[tilespmem:$0x28B0] =	vst v54  }
0x36: {  	v56 =	vand.u32 $0x3FFF, v49;
	[tilespmem:$0x28C0] =	vst v55  }
0x37: {  	v57 =	vand.u32 $0x3FFF, v51;
	[tilespmem:$0x28D0] =	vst v56  }
0x38: {  	v58 =	vand.u32 $0x3FFF, v53;
	[tilespmem:$0x28E0] =	vst v57  }
0x39: {  	[tilespmem:$0x28F0] =	vst v58  }
0x3a: {  	[tilespmem:s16], [sflag:$0x2] =	stream.indirect.gather [hbm4b:s1+s12], $0x80, s15, s12, $0xb8;
	[tilespmem:$0x1E600] =	vst v63  }
0x3b: {  	_ =	swait.ge [sflag:s17], $0x4000  }
0x3c: {  	[sflag:s17] =	ssyncset.done $0x0  }
0x3d: {  	[sflag:s17] =	ssyncadd.s32 $0xFFFFC000  }
0x3e: {  	v59 =	vld [tilespmem:$0x0]  }
0x3f: {  	v60 =	vld [tilespmem:$0x10]  }
0x40: {  	v61 =	vld [tilespmem:$0x20]  }
0x41: {  	v62 =	vld [tilespmem:$0x30]  }
0x42: {  	v63 =	vld [tilespmem:$0x40]  }
0x43: {  	v9 =	vld [tilespmem:$0x50];
	v0 =	vshrl.u32 v59, $0xE  }
0x44: {  	v6 =	vld [tilespmem:$0x60];
	v1 =	vshrl.u32 v60, $0xE;
	v0 =	vand.u32 $0xFFFF, v0  }
0x45: {  	v12 =	vld [tilespmem:$0x70];
	v11 =	vshrl.u32 v61, $0xE;
	v10 =	vand.u32 $0xFFFF, v1;
	[tilespmem:$0x2900] =	vst v0  }
0x46: {  	v14 =	vshrl.u32 v62, $0xE;
	v13 =	vand.u32 $0xFFFF, v11;
	[tilespmem:$0x2910] =	vst v10  }
0x47: {  	v16 =	vshrl.u32 v63, $0xE;
	v15 =	vand.u32 $0xFFFF, v14;
	[tilespmem:$0x2920] =	vst v13  }
0x48: {  	v18 =	vshrl.u32 v9, $0xE;
	v17 =	vand.u32 $0xFFFF, v16;
	[tilespmem:$0x2930] =	vst v15  }
0x49: {  	v20 =	vshrl.u32 v6, $0xE;
	v19 =	vand.u32 $0xFFFF, v18;
	[tilespmem:$0x2940] =	vst v17  }
0x4a: {  	v22 =	vshrl.u32 v12, $0xE;
	v21 =	vand.u32 $0xFFFF, v20;
	[tilespmem:$0x2950] =	vst v19  }
0x4b: {  	v23 =	vand.u32 $0xFFFF, v22;
	[tilespmem:$0x2960] =	vst v21  }
0x4c: {  	[tilespmem:$0x2970] =	vst v23  }
0x4d: {  	[spmem:s2] =	stream.indirect.scatter.add.f32 [tilespmem:s14], [sflag:$0x3], $0x80, s18, s12, $0xb8;
	[tilespmem:$0x1E600] =	vst v63  }
0x4e: {  	_ =	swait.ge [sflag:s19], $0x4000  }
0x4f: {  	[sflag:s19] =	ssyncset.done $0x0  }
0x50: {  	[sflag:s19] =	ssyncadd.s32 $0xFFFFC000  }
0x51: {  	v24 =	vld [tilespmem:$0x100]  }
0x52: {  	v25 =	vld [tilespmem:$0x110]  }
0x53: {  	v26 =	vld [tilespmem:$0x120]  }
0x54: {  	v27 =	vld [tilespmem:$0x130]  }
0x55: {  	v28 =	vld [tilespmem:$0x140]  }
0x56: {  	v29 =	vld [tilespmem:$0x150];
	v0 =	vand.u32 $0x3FFF, v24  }
0x57: {  	v31 =	vld [tilespmem:$0x160];
	v30 =	vand.u32 $0x3FFF, v25;
	[tilespmem:$0x2800] =	vst v0  }
0x58: {  	v33 =	vld [tilespmem:$0x170];
	v32 =	vand.u32 $0x3FFF, v26;
	[tilespmem:$0x2810] =	vst v30  }
0x59: {  	v34 =	vand.u32 $0x3FFF, v27;
	[tilespmem:$0x2820] =	vst v32  }
0x5a: {  	v35 =	vand.u32 $0x3FFF, v28;
	[tilespmem:$0x2830] =	vst v34  }
0x5b: {  	v36 =	vand.u32 $0x3FFF, v29;
	[tilespmem:$0x2840] =	vst v35  }
0x5c: {  	v37 =	vand.u32 $0x3FFF, v31;
	[tilespmem:$0x2850] =	vst v36  }
0x5d: {  	v38 =	vand.u32 $0x3FFF, v33;
	[tilespmem:$0x2860] =	vst v37  }
0x5e: {  	[tilespmem:$0x2870] =	vst v38  }
0x5f: {  	[tilespmem:s14], [sflag:$0x1] =	stream.indirect.gather [hbm4b:s1+s12], $0x80, s13, s12, $0xb8;
	[tilespmem:$0x1E600] =	vst v63  }
0x60: {  	_ =	swait.ge [sflag:s20], $0x4000  }
0x61: {  	[sflag:s20] =	ssyncset.done $0x0  }
0x62: {  	[sflag:s20] =	ssyncadd.s32 $0xFFFFC000  }
0x63: {  	v39 =	vld [tilespmem:$0x80]  }
0x64: {  	v40 =	vld [tilespmem:$0x90]  }
0x65: {  	v41 =	vld [tilespmem:$0xA0]  }
0x66: {  	v42 =	vld [tilespmem:$0xB0]  }
0x67: {  	v43 =	vld [tilespmem:$0xC0]  }
0x68: {  	v44 =	vld [tilespmem:$0xD0];
	v0 =	vshrl.u32 v39, $0xE  }
0x69: {  	v45 =	vld [tilespmem:$0xE0];
	v1 =	vshrl.u32 v40, $0xE;
	v0 =	vand.u32 $0xFFFF, v0  }
0x6a: {  	v48 =	vld [tilespmem:$0xF0];
	v47 =	vshrl.u32 v41, $0xE;
	v46 =	vand.u32 $0xFFFF, v1;
	[tilespmem:$0x2980] =	vst v0  }
0x6b: {  	v50 =	vshrl.u32 v42, $0xE;
	v49 =	vand.u32 $0xFFFF, v47;
	[tilespmem:$0x2990] =	vst v46  }
0x6c: {  	v52 =	vshrl.u32 v43, $0xE;
	v51 =	vand.u32 $0xFFFF, v50;
	[tilespmem:$0x29A0] =	vst v49  }
0x6d: {  	v54 =	vshrl.u32 v44, $0xE;
	v53 =	vand.u32 $0xFFFF, v52;
	[tilespmem:$0x29B0] =	vst v51  }
0x6e: {  	v56 =	vshrl.u32 v45, $0xE;
	v55 =	vand.u32 $0xFFFF, v54;
	[tilespmem:$0x29C0] =	vst v53  }
0x6f: {  	v58 =	vshrl.u32 v48, $0xE;
	v57 =	vand.u32 $0xFFFF, v56;
	[tilespmem:$0x29D0] =	vst v55  }
0x70: {  	v59 =	vand.u32 $0xFFFF, v58;
	[tilespmem:$0x29E0] =	vst v57  }
0x71: {  	[tilespmem:$0x29F0] =	vst v59  }
0x72: {  	[spmem:s2] =	stream.indirect.scatter.add.f32 [tilespmem:s16], [sflag:$0x4], $0x80, s21, s12, $0xb8;
	[tilespmem:$0x1E600] =	vst v63  }
0x73: {  	_ =	swait.ge [sflag:s22], $0x4000  }
0x74: {  	[sflag:s22] =	ssyncset.done $0x0  }
0x75: {  	s26 =	simm.s32 $0x0;
	[sflag:s22] =	ssyncadd.s32 $0xFFFFC000  }
0x76: {  	v60 =	vld [tilespmem:s26+$0x180];
	_ =	sdelay $0x4  }
0x77: {  	v0 =	vand.u32 $0x3FFF, v60  }
0x78: {  	[tilespmem:$0x2880] =	vst v0  }
0x79: {  	v0 =	vld [tilespmem:s26+$0x190];
	_ =	sdelay $0x4  }
0x7a: {  	v0 =	vand.u32 $0x3FFF, v0  }
0x7b: {  	[tilespmem:$0x2890] =	vst v0  }
0x7c: {  	v0 =	vld [tilespmem:s26+$0x1A0];
	_ =	sdelay $0x4  }
0x7d: {  	v0 =	vand.u32 $0x3FFF, v0  }
0x7e: {  	[tilespmem:$0x28A0] =	vst v0  }
0x7f: {  	v0 =	vld [tilespmem:s26+$0x1B0];
	_ =	sdelay $0x4  }
0x80: {  	v0 =	vand.u32 $0x3FFF, v0  }
0x81: {  	[tilespmem:$0x28B0] =	vst v0  }
0x82: {  	v0 =	vld [tilespmem:s26+$0x1C0];
	_ =	sdelay $0x4  }
0x83: {  	v0 =	vand.u32 $0x3FFF, v0  }
0x84: {  	[tilespmem:$0x28C0] =	vst v0  }
0x85: {  	v0 =	vld [tilespmem:s26+$0x1D0];
	_ =	sdelay $0x4  }
0x86: {  	v0 =	vand.u32 $0x3FFF, v0  }
0x87: {  	[tilespmem:$0x28D0] =	vst v0  }
0x88: {  	v0 =	vld [tilespmem:s26+$0x1E0];
	_ =	sdelay $0x4  }
0x89: {  	v0 =	vand.u32 $0x3FFF, v0  }
0x8a: {  	[tilespmem:$0x28E0] =	vst v0  }
0x8b: {  	v0 =	vld [tilespmem:s26+$0x1F0];
	_ =	sdelay $0x4  }
0x8c: {  	v0 =	vand.u32 $0x3FFF, v0  }
0x8d: {  	[tilespmem:$0x28F0] =	vst v0  }
0x8e: {  	[tilespmem:s16], [sflag:$0x2] =	stream.indirect.gather [hbm4b:s1+s12], $0x80, s15, s12, $0xb8;
	[tilespmem:$0x1E600] =	vst v63  }
0x8f: {  	_ =	swait.ge [sflag:s17], $0x4000  }
0x90: {  	[sflag:s17] =	ssyncset.done $0x0  }
0x91: {  	[sflag:s17] =	ssyncadd.s32 $0xFFFFC000  }
0x92: {  	v61 =	vld [tilespmem:s26+$0x100];
	_ =	sdelay $0x4  }
0x93: {  	v0 =	vshrl.u32 v61, $0xE  }
0x94: {  	v0 =	vand.u32 $0xFFFF, v0  }
0x95: {  	[tilespmem:$0x2900] =	vst v0  }
0x96: {  	v0 =	vld [tilespmem:s26+$0x110];
	_ =	sdelay $0x4  }
0x97: {  	v0 =	vshrl.u32 v0, $0xE  }
0x98: {  	v0 =	vand.u32 $0xFFFF, v0  }
0x99: {  	[tilespmem:$0x2910] =	vst v0  }
0x9a: {  	v0 =	vld [tilespmem:s26+$0x120];
	_ =	sdelay $0x4  }
0x9b: {  	v0 =	vshrl.u32 v0, $0xE  }
0x9c: {  	v0 =	vand.u32 $0xFFFF, v0  }
0x9d: {  	[tilespmem:$0x2920] =	vst v0  }
0x9e: {  	v0 =	vld [tilespmem:s26+$0x130];
	_ =	sdelay $0x4  }
0x9f: {  	v0 =	vshrl.u32 v0, $0xE  }
0xa0: {  	v0 =	vand.u32 $0xFFFF, v0  }
0xa1: {  	[tilespmem:$0x2930] =	vst v0  }
0xa2: {  	v0 =	vld [tilespmem:s26+$0x140];
	_ =	sdelay $0x4  }
0xa3: {  	v0 =	vshrl.u32 v0, $0xE  }
0xa4: {  	v0 =	vand.u32 $0xFFFF, v0  }
0xa5: {  	[tilespmem:$0x2940] =	vst v0  }
0xa6: {  	v0 =	vld [tilespmem:s26+$0x150];
	_ =	sdelay $0x4  }
0xa7: {  	v0 =	vshrl.u32 v0, $0xE  }
0xa8: {  	v0 =	vand.u32 $0xFFFF, v0  }
0xa9: {  	[tilespmem:$0x2950] =	vst v0  }
0xaa: {  	v0 =	vld [tilespmem:s26+$0x160];
	_ =	sdelay $0x4  }
0xab: {  	v0 =	vshrl.u32 v0, $0xE  }
0xac: {  	v0 =	vand.u32 $0xFFFF, v0  }
0xad: {  	[tilespmem:$0x2960] =	vst v0  }
0xae: {  	v0 =	vld [tilespmem:s26+$0x170];
	_ =	sdelay $0x4  }
0xaf: {  	v0 =	vshrl.u32 v0, $0xE  }
0xb0: {  	v0 =	vand.u32 $0xFFFF, v0  }
0xb1: {  	[tilespmem:$0x2970] =	vst v0  }
0xb2: {  	[spmem:s2] =	stream.indirect.scatter.add.f32 [tilespmem:s14], [sflag:$0x3], $0x80, s18, s12, $0xb8;
	[tilespmem:$0x1E600] =	vst v63  }
0xb3: {  	_ =	swait.ge [sflag:s19], $0x4000  }
0xb4: {  	[sflag:s19] =	ssyncset.done $0x0  }
0xb5: {  	[sflag:s19] =	ssyncadd.s32 $0xFFFFC000  }
0xb6: {  	v62 =	vld [tilespmem:s26+$0x200];
	_ =	sdelay $0x4  }
0xb7: {  	v0 =	vand.u32 $0x3FFF, v62  }
0xb8: {  	[tilespmem:$0x2800] =	vst v0  }
0xb9: {  	v0 =	vld [tilespmem:s26+$0x210];
	_ =	sdelay $0x4  }
0xba: {  	v0 =	vand.u32 $0x3FFF, v0  }
0xbb: {  	[tilespmem:$0x2810] =	vst v0  }
0xbc: {  	v0 =	vld [tilespmem:s26+$0x220];
	_ =	sdelay $0x4  }
0xbd: {  	v0 =	vand.u32 $0x3FFF, v0  }
0xbe: {  	[tilespmem:$0x2820] =	vst v0  }
0xbf: {  	v0 =	vld [tilespmem:s26+$0x230];
	_ =	sdelay $0x4  }
0xc0: {  	v0 =	vand.u32 $0x3FFF, v0  }
0xc1: {  	[tilespmem:$0x2830] =	vst v0  }
0xc2: {  	v0 =	vld [tilespmem:s26+$0x240];
	_ =	sdelay $0x4  }
0xc3: {  	v0 =	vand.u32 $0x3FFF, v0  }
0xc4: {  	[tilespmem:$0x2840] =	vst v0  }
0xc5: {  	v0 =	vld [tilespmem:s26+$0x250];
	_ =	sdelay $0x4  }
0xc6: {  	v0 =	vand.u32 $0x3FFF, v0  }
0xc7: {  	[tilespmem:$0x2850] =	vst v0  }
0xc8: {  	v0 =	vld [tilespmem:s26+$0x260];
	_ =	sdelay $0x4  }
0xc9: {  	v0 =	vand.u32 $0x3FFF, v0  }
0xca: {  	[tilespmem:$0x2860] =	vst v0  }
0xcb: {  	v0 =	vld [tilespmem:s26+$0x270];
	_ =	sdelay $0x4  }
0xcc: {  	v0 =	vand.u32 $0x3FFF, v0  }
0xcd: {  	[tilespmem:$0x2870] =	vst v0  }
0xce: {  	[tilespmem:s14], [sflag:$0x1] =	stream.indirect.gather [hbm4b:s1+s12], $0x80, s13, s12, $0xb8;
	[tilespmem:$0x1E600] =	vst v63  }
0xcf: {  	_ =	swait.ge [sflag:s20], $0x4000  }
0xd0: {  	[sflag:s20] =	ssyncset.done $0x0  }
0xd1: {  	[sflag:s20] =	ssyncadd.s32 $0xFFFFC000  }
0xd2: {  	v63 =	vld [tilespmem:s26+$0x180];
	_ =	sdelay $0x4  }
0xd3: {  	v0 =	vshrl.u32 v63, $0xE  }
0xd4: {  	v0 =	vand.u32 $0xFFFF, v0  }
0xd5: {  	[tilespmem:$0x2980] =	vst v0  }
0xd6: {  	v0 =	vld [tilespmem:s26+$0x190];
	_ =	sdelay $0x4  }
0xd7: {  	v0 =	vshrl.u32 v0, $0xE  }
0xd8: {  	v0 =	vand.u32 $0xFFFF, v0  }
0xd9: {  	[tilespmem:$0x2990] =	vst v0  }
0xda: {  	v0 =	vld [tilespmem:s26+$0x1A0];
	_ =	sdelay $0x4  }
0xdb: {  	v0 =	vshrl.u32 v0, $0xE  }
0xdc: {  	v0 =	vand.u32 $0xFFFF, v0  }
0xdd: {  	[tilespmem:$0x29A0] =	vst v0  }
0xde: {  	v0 =	vld [tilespmem:s26+$0x1B0];
	_ =	sdelay $0x4  }
0xdf: {  	v0 =	vshrl.u32 v0, $0xE  }
0xe0: {  	v0 =	vand.u32 $0xFFFF, v0  }
0xe1: {  	[tilespmem:$0x29B0] =	vst v0  }
0xe2: {  	v0 =	vld [tilespmem:s26+$0x1C0];
	_ =	sdelay $0x4  }
0xe3: {  	v0 =	vshrl.u32 v0, $0xE  }
0xe4: {  	v0 =	vand.u32 $0xFFFF, v0  }
0xe5: {  	[tilespmem:$0x29C0] =	vst v0  }
0xe6: {  	v0 =	vld [tilespmem:s26+$0x1D0];
	_ =	sdelay $0x4  }
0xe7: {  	v0 =	vshrl.u32 v0, $0xE  }
0xe8: {  	v0 =	vand.u32 $0xFFFF, v0  }
0xe9: {  	[tilespmem:$0x29D0] =	vst v0  }
0xea: {  	v0 =	vld [tilespmem:s26+$0x1E0];
	_ =	sdelay $0x4  }
0xeb: {  	v0 =	vshrl.u32 v0, $0xE  }
0xec: {  	v0 =	vand.u32 $0xFFFF, v0  }
0xed: {  	[tilespmem:$0x29E0] =	vst v0  }
0xee: {  	v0 =	vld [tilespmem:s26+$0x1F0];
	_ =	sdelay $0x4  }
0xef: {  	v0 =	vshrl.u32 v0, $0xE  }
0xf0: {  	v0 =	vand.u32 $0xFFFF, v0  }
0xf1: {  	s26 =	simm.s32 $0x400;
	[tilespmem:$0x29F0] =	vst v0  }
.LBB2_2:
0xf2: {  	[spmem:s2] =	stream.indirect.scatter.add.f32 [tilespmem:s16], [sflag:$0x4], $0x80, s21, s12, $0xb8;
	[tilespmem:$0x1E600] =	vst v63  }
0xf3: {  	s28 =	smov.u32 s26  }
0xf4: {  	p0 =	sne.s32 s26, $0x9400;
	s26 =	sadd.s32 $0x400, s26;
	_ =	swait.ge [sflag:s22], $0x4000  }
0xf5: {  	[sflag:s22] =	ssyncset.done $0x0  }
0xf6: {  	s28 =	sshra.s32 s28, $0x2;
	[sflag:s22] =	ssyncadd.s32 $0xFFFFC000  }
0xf7: {  	v0 =	vld [tilespmem:s28+$0x180];
	_ =	sdelay $0x4  }
0xf8: {  	v0 =	vand.u32 $0x3FFF, v0  }
0xf9: {  	[tilespmem:$0x2880] =	vst v0  }
0xfa: {  	v0 =	vld [tilespmem:s28+$0x190];
	_ =	sdelay $0x4  }
0xfb: {  	v0 =	vand.u32 $0x3FFF, v0  }
0xfc: {  	[tilespmem:$0x2890] =	vst v0  }
0xfd: {  	v0 =	vld [tilespmem:s28+$0x1A0];
	_ =	sdelay $0x4  }
0xfe: {  	v0 =	vand.u32 $0x3FFF, v0  }
0xff: {  	[tilespmem:$0x28A0] =	vst v0  }
0x100: {  	v0 =	vld [tilespmem:s28+$0x1B0];
	_ =	sdelay $0x4  }
0x101: {  	v0 =	vand.u32 $0x3FFF, v0  }
0x102: {  	[tilespmem:$0x28B0] =	vst v0  }
0x103: {  	v0 =	vld [tilespmem:s28+$0x1C0];
	_ =	sdelay $0x4  }
0x104: {  	v0 =	vand.u32 $0x3FFF, v0  }
0x105: {  	[tilespmem:$0x28C0] =	vst v0  }
0x106: {  	v0 =	vld [tilespmem:s28+$0x1D0];
	_ =	sdelay $0x4  }
0x107: {  	v0 =	vand.u32 $0x3FFF, v0  }
0x108: {  	[tilespmem:$0x28D0] =	vst v0  }
0x109: {  	v0 =	vld [tilespmem:s28+$0x1E0];
	_ =	sdelay $0x4  }
0x10a: {  	v0 =	vand.u32 $0x3FFF, v0  }
0x10b: {  	[tilespmem:$0x28E0] =	vst v0  }
0x10c: {  	v0 =	vld [tilespmem:s28+$0x1F0];
	_ =	sdelay $0x4  }
0x10d: {  	v0 =	vand.u32 $0x3FFF, v0  }
0x10e: {  	[tilespmem:$0x28F0] =	vst v0  }
0x10f: {  	[tilespmem:s16], [sflag:$0x2] =	stream.indirect.gather [hbm4b:s1+s12], $0x80, s15, s12, $0xb8;
	[tilespmem:$0x1E600] =	vst v63  }
0x110: {  	_ =	swait.ge [sflag:s17], $0x4000  }
0x111: {  	[sflag:s17] =	ssyncset.done $0x0  }
0x112: {  	[sflag:s17] =	ssyncadd.s32 $0xFFFFC000  }
0x113: {  	v0 =	vld [tilespmem:s28+$0x100];
	_ =	sdelay $0x4  }
0x114: {  	v0 =	vshrl.u32 v0, $0xE  }
0x115: {  	v0 =	vand.u32 $0xFFFF, v0  }
0x116: {  	[tilespmem:$0x2900] =	vst v0  }
0x117: {  	v0 =	vld [tilespmem:s28+$0x110];
	_ =	sdelay $0x4  }
0x118: {  	v0 =	vshrl.u32 v0, $0xE  }
0x119: {  	v0 =	vand.u32 $0xFFFF, v0  }
0x11a: {  	[tilespmem:$0x2910] =	vst v0  }
0x11b: {  	v0 =	vld [tilespmem:s28+$0x120];
	_ =	sdelay $0x4  }
0x11c: {  	v0 =	vshrl.u32 v0, $0xE  }
0x11d: {  	v0 =	vand.u32 $0xFFFF, v0  }
0x11e: {  	[tilespmem:$0x2920] =	vst v0  }
0x11f: {  	v0 =	vld [tilespmem:s28+$0x130];
	_ =	sdelay $0x4  }
0x120: {  	v0 =	vshrl.u32 v0, $0xE  }
0x121: {  	v0 =	vand.u32 $0xFFFF, v0  }
0x122: {  	[tilespmem:$0x2930] =	vst v0  }
0x123: {  	v0 =	vld [tilespmem:s28+$0x140];
	_ =	sdelay $0x4  }
0x124: {  	v0 =	vshrl.u32 v0, $0xE  }
0x125: {  	v0 =	vand.u32 $0xFFFF, v0  }
0x126: {  	[tilespmem:$0x2940] =	vst v0  }
0x127: {  	v0 =	vld [tilespmem:s28+$0x150];
	_ =	sdelay $0x4  }
0x128: {  	v0 =	vshrl.u32 v0, $0xE  }
0x129: {  	v0 =	vand.u32 $0xFFFF, v0  }
0x12a: {  	[tilespmem:$0x2950] =	vst v0  }
0x12b: {  	v0 =	vld [tilespmem:s28+$0x160];
	_ =	sdelay $0x4  }
0x12c: {  	v0 =	vshrl.u32 v0, $0xE  }
0x12d: {  	v0 =	vand.u32 $0xFFFF, v0  }
0x12e: {  	[tilespmem:$0x2960] =	vst v0  }
0x12f: {  	v0 =	vld [tilespmem:s28+$0x170];
	_ =	sdelay $0x4  }
0x130: {  	v0 =	vshrl.u32 v0, $0xE  }
0x131: {  	v0 =	vand.u32 $0xFFFF, v0  }
0x132: {  	[tilespmem:$0x2970] =	vst v0  }
0x133: {  	[spmem:s2] =	stream.indirect.scatter.add.f32 [tilespmem:s14], [sflag:$0x3], $0x80, s18, s12, $0xb8;
	[tilespmem:$0x1E600] =	vst v63  }
0x134: {  	_ =	swait.ge [sflag:s19], $0x4000  }
0x135: {  	[sflag:s19] =	ssyncset.done $0x0  }
0x136: {  	[sflag:s19] =	ssyncadd.s32 $0xFFFFC000  }
0x137: {  	v0 =	vld [tilespmem:s28+$0x200];
	_ =	sdelay $0x4  }
0x138: {  	v0 =	vand.u32 $0x3FFF, v0  }
0x139: {  	[tilespmem:$0x2800] =	vst v0  }
0x13a: {  	v0 =	vld [tilespmem:s28+$0x210];
	_ =	sdelay $0x4  }
0x13b: {  	v0 =	vand.u32 $0x3FFF, v0  }
0x13c: {  	[tilespmem:$0x2810] =	vst v0  }
0x13d: {  	v0 =	vld [tilespmem:s28+$0x220];
	_ =	sdelay $0x4  }
0x13e: {  	v0 =	vand.u32 $0x3FFF, v0  }
0x13f: {  	[tilespmem:$0x2820] =	vst v0  }
0x140: {  	v0 =	vld [tilespmem:s28+$0x230];
	_ =	sdelay $0x4  }
0x141: {  	v0 =	vand.u32 $0x3FFF, v0  }
0x142: {  	[tilespmem:$0x2830] =	vst v0  }
0x143: {  	v0 =	vld [tilespmem:s28+$0x240];
	_ =	sdelay $0x4  }
0x144: {  	v0 =	vand.u32 $0x3FFF, v0  }
0x145: {  	[tilespmem:$0x2840] =	vst v0  }
0x146: {  	v0 =	vld [tilespmem:s28+$0x250];
	_ =	sdelay $0x4  }
0x147: {  	v0 =	vand.u32 $0x3FFF, v0  }
0x148: {  	[tilespmem:$0x2850] =	vst v0  }
0x149: {  	v0 =	vld [tilespmem:s28+$0x260];
	_ =	sdelay $0x4  }
0x14a: {  	v0 =	vand.u32 $0x3FFF, v0  }
0x14b: {  	[tilespmem:$0x2860] =	vst v0  }
0x14c: {  	v0 =	vld [tilespmem:s28+$0x270];
	_ =	sdelay $0x4  }
0x14d: {  	v0 =	vand.u32 $0x3FFF, v0  }
0x14e: {  	[tilespmem:$0x2870] =	vst v0  }
0x14f: {  	[tilespmem:s14], [sflag:$0x1] =	stream.indirect.gather [hbm4b:s1+s12], $0x80, s13, s12, $0xb8;
	[tilespmem:$0x1E600] =	vst v63  }
0x150: {  	_ =	swait.ge [sflag:s20], $0x4000  }
0x151: {  	[sflag:s20] =	ssyncset.done $0x0  }
0x152: {  	[sflag:s20] =	ssyncadd.s32 $0xFFFFC000  }
0x153: {  	v0 =	vld [tilespmem:s28+$0x180];
	_ =	sdelay $0x4  }
0x154: {  	v0 =	vshrl.u32 v0, $0xE  }
0x155: {  	v0 =	vand.u32 $0xFFFF, v0  }
0x156: {  	[tilespmem:$0x2980] =	vst v0  }
0x157: {  	v0 =	vld [tilespmem:s28+$0x190];
	_ =	sdelay $0x4  }
0x158: {  	v0 =	vshrl.u32 v0, $0xE  }
0x159: {  	v0 =	vand.u32 $0xFFFF, v0  }
0x15a: {  	[tilespmem:$0x2990] =	vst v0  }
0x15b: {  	v0 =	vld [tilespmem:s28+$0x1A0];
	_ =	sdelay $0x4  }
0x15c: {  	v0 =	vshrl.u32 v0, $0xE  }
0x15d: {  	v0 =	vand.u32 $0xFFFF, v0  }
0x15e: {  	[tilespmem:$0x29A0] =	vst v0  }
0x15f: {  	v0 =	vld [tilespmem:s28+$0x1B0];
	_ =	sdelay $0x4  }
0x160: {  	v0 =	vshrl.u32 v0, $0xE  }
0x161: {  	v0 =	vand.u32 $0xFFFF, v0  }
0x162: {  	[tilespmem:$0x29B0] =	vst v0  }
0x163: {  	v0 =	vld [tilespmem:s28+$0x1C0];
	_ =	sdelay $0x4  }
0x164: {  	v0 =	vshrl.u32 v0, $0xE  }
0x165: {  	v0 =	vand.u32 $0xFFFF, v0  }
0x166: {  	[tilespmem:$0x29C0] =	vst v0  }
0x167: {  	v0 =	vld [tilespmem:s28+$0x1D0];
	_ =	sdelay $0x4  }
0x168: {  	v0 =	vshrl.u32 v0, $0xE  }
0x169: {  	v0 =	vand.u32 $0xFFFF, v0  }
0x16a: {  	[tilespmem:$0x29D0] =	vst v0  }
0x16b: {  	v0 =	vld [tilespmem:s28+$0x1E0];
	_ =	sdelay $0x4  }
0x16c: {  	v0 =	vshrl.u32 v0, $0xE  }
0x16d: {  	v0 =	vand.u32 $0xFFFF, v0  }
0x16e: {  	[tilespmem:$0x29E0] =	vst v0  }
0x16f: {  	v0 =	vld [tilespmem:s28+$0x1F0];
	_ =	sdelay $0x2  }
.Ltmp0:
0x170: {  	(pc) =	sbr.rel @p0 .LBB2_2-.Ltmp0, $4  }
0x171: {  	_ = 	snop  }
0x172: {  	v0 =	vshrl.u32 v0, $0xE  }
0x173: {  	v0 =	vand.u32 $0xFFFF, v0  }
0x174: {  	[tilespmem:$0x29F0] =	vst v0  }
0x175: {  	[spmem:s2] =	stream.indirect.scatter.add.f32 [tilespmem:s16], [sflag:$0x4], $0x80, s21, s12, $0xb8;
	[tilespmem:$0x1E600] =	vst v63  }
0x176: {  	_ =	swait.ge [sflag:s22], $0x4000  }
0x177: {  	[sflag:s22] =	ssyncset.done $0x0  }
0x178: {  	[sflag:s22] =	ssyncadd.s32 $0xFFFFC000  }
0x179: {  	v0 =	vld [tilespmem:$0x2780]  }
0x17a: {  	v1 =	vld [tilespmem:$0x2790]  }
0x17b: {  	v2 =	vld [tilespmem:$0x27A0]  }
0x17c: {  	v3 =	vld [tilespmem:$0x27B0]  }
0x17d: {  	v4 =	vld [tilespmem:$0x27C0]  }
0x17e: {  	v5 =	vld [tilespmem:$0x27D0];
	v0 =	vand.u32 $0x3FFF, v0  }
0x17f: {  	v15 =	vld [tilespmem:$0x27E0];
	v14 =	vand.u32 $0x3FFF, v1;
	[tilespmem:$0x2880] =	vst v0  }
0x180: {  	v17 =	vld [tilespmem:$0x27F0];
	v16 =	vand.u32 $0x3FFF, v2;
	[tilespmem:$0x2890] =	vst v14  }
0x181: {  	v18 =	vand.u32 $0x3FFF, v3;
	[tilespmem:$0x28A0] =	vst v16  }
0x182: {  	v19 =	vand.u32 $0x3FFF, v4;
	[tilespmem:$0x28B0] =	vst v18  }
0x183: {  	v20 =	vand.u32 $0x3FFF, v5;
	[tilespmem:$0x28C0] =	vst v19  }
0x184: {  	v21 =	vand.u32 $0x3FFF, v15;
	[tilespmem:$0x28D0] =	vst v20  }
0x185: {  	v22 =	vand.u32 $0x3FFF, v17;
	[tilespmem:$0x28E0] =	vst v21  }
0x186: {  	[tilespmem:$0x28F0] =	vst v22  }
0x187: {  	[tilespmem:s16], [sflag:$0x2] =	stream.indirect.gather [hbm4b:s1+s12], $0x80, s15, s12, $0xb8;
	[tilespmem:$0x1E600] =	vst v63  }
0x188: {  	_ =	swait.ge [sflag:s17], $0x4000  }
0x189: {  	[sflag:s17] =	ssyncset.done $0x0  }
0x18a: {  	[sflag:s17] =	ssyncadd.s32 $0xFFFFC000  }
0x18b: {  	v23 =	vld [tilespmem:$0x2700]  }
0x18c: {  	v24 =	vld [tilespmem:$0x2710]  }
0x18d: {  	v25 =	vld [tilespmem:$0x2720]  }
0x18e: {  	v26 =	vld [tilespmem:$0x2730]  }
0x18f: {  	v27 =	vld [tilespmem:$0x2740]  }
0x190: {  	v28 =	vld [tilespmem:$0x2750];
	v0 =	vshrl.u32 v23, $0xE  }
0x191: {  	v6 =	vld [tilespmem:$0x2760];
	v1 =	vshrl.u32 v24, $0xE;
	v0 =	vand.u32 $0xFFFF, v0  }
0x192: {  	v31 =	vld [tilespmem:$0x2770];
	v30 =	vshrl.u32 v25, $0xE;
	v29 =	vand.u32 $0xFFFF, v1;
	[tilespmem:$0x2900] =	vst v0  }
0x193: {  	v33 =	vshrl.u32 v26, $0xE;
	v32 =	vand.u32 $0xFFFF, v30;
	[tilespmem:$0x2910] =	vst v29  }
0x194: {  	v35 =	vshrl.u32 v27, $0xE;
	v34 =	vand.u32 $0xFFFF, v33;
	[tilespmem:$0x2920] =	vst v32  }
0x195: {  	v37 =	vshrl.u32 v28, $0xE;
	v36 =	vand.u32 $0xFFFF, v35;
	[tilespmem:$0x2930] =	vst v34  }
0x196: {  	v39 =	vshrl.u32 v6, $0xE;
	v38 =	vand.u32 $0xFFFF, v37;
	[tilespmem:$0x2940] =	vst v36  }
0x197: {  	v41 =	vshrl.u32 v31, $0xE;
	v40 =	vand.u32 $0xFFFF, v39;
	[tilespmem:$0x2950] =	vst v38  }
0x198: {  	v42 =	vand.u32 $0xFFFF, v41;
	[tilespmem:$0x2960] =	vst v40  }
0x199: {  	[tilespmem:$0x2970] =	vst v42  }
0x19a: {  	[spmem:s2] =	stream.indirect.scatter.add.f32 [tilespmem:s14], [sflag:$0x3], $0x80, s18, s12, $0xb8;
	[tilespmem:$0x1E600] =	vst v63  }
0x19b: {  	_ =	swait.ge [sflag:s19], $0x4000  }
0x19c: {  	[sflag:s19] =	ssyncset.done $0x0  }
0x19d: {  	[sflag:s19] =	ssyncadd.s32 $0xFFFFC000  }
0x19e: {  	_ =	swait.ge [sflag:s20], $0x4000  }
0x19f: {  	[sflag:s20] =	ssyncset.done $0x0  }
0x1a0: {  	[sflag:s20] =	ssyncadd.s32 $0xFFFFC000  }
0x1a1: {  	v43 =	vld [tilespmem:$0x2780]  }
0x1a2: {  	v44 =	vld [tilespmem:$0x2790]  }
0x1a3: {  	v45 =	vld [tilespmem:$0x27A0]  }
0x1a4: {  	v46 =	vld [tilespmem:$0x27B0]  }
0x1a5: {  	v47 =	vld [tilespmem:$0x27C0]  }
0x1a6: {  	v48 =	vld [tilespmem:$0x27D0];
	v0 =	vshrl.u32 v43, $0xE  }
0x1a7: {  	v49 =	vld [tilespmem:$0x27E0];
	v1 =	vshrl.u32 v44, $0xE;
	v0 =	vand.u32 $0xFFFF, v0  }
0x1a8: {  	v52 =	vld [tilespmem:$0x27F0];
	v51 =	vshrl.u32 v45, $0xE;
	v50 =	vand.u32 $0xFFFF, v1;
	[tilespmem:$0x2980] =	vst v0  }
0x1a9: {  	v54 =	vshrl.u32 v46, $0xE;
	v53 =	vand.u32 $0xFFFF, v51;
	[tilespmem:$0x2990] =	vst v50  }
0x1aa: {  	v56 =	vshrl.u32 v47, $0xE;
	v55 =	vand.u32 $0xFFFF, v54;
	[tilespmem:$0x29A0] =	vst v53  }
0x1ab: {  	v58 =	vshrl.u32 v48, $0xE;
	v57 =	vand.u32 $0xFFFF, v56;
	[tilespmem:$0x29B0] =	vst v55  }
0x1ac: {  	v60 =	vshrl.u32 v49, $0xE;
	v59 =	vand.u32 $0xFFFF, v58;
	[tilespmem:$0x29C0] =	vst v57  }
0x1ad: {  	v62 =	vshrl.u32 v52, $0xE;
	v61 =	vand.u32 $0xFFFF, v60;
	[tilespmem:$0x29D0] =	vst v59  }
0x1ae: {  	v63 =	vand.u32 $0xFFFF, v62;
	[tilespmem:$0x29E0] =	vst v61  }
0x1af: {  	[tilespmem:$0x29F0] =	vst v63  }
0x1b0: {  	[spmem:s2] =	stream.indirect.scatter.add.f32 [tilespmem:s16], [sflag:$0x4], $0x80, s21, s12, $0xb8;
	[tilespmem:$0x1E600] =	vst v63  }
0x1b1: {  	_ =	swait.ge [sflag:s22], $0x4000  }
0x1b2: {  	s25 =	sadd.s32 $0x1, s25;
	[sflag:s22] =	ssyncset.done $0x0  }
0x1b3: {  	p0 =	sne.s32 s25, s8;
	[sflag:s22] =	ssyncadd.s32 $0xFFFFC000  }
.Ltmp1:
0x1b4: {  	[bflag:$0x0] =	sbarrier.arrive $0xFFFF;
	(pc) =	sbr.rel @p0 .LBB2_1-.Ltmp1, $4  }
0x1b5: {  	[hbm:s23], [sflag:s24] =	dma.local [spmem:s9], $0x2780  }
0x1b6: {  	_ =	swait.ge [sflag:s10], $0x2780  }
0x1b7: {  	[sflag:s10] =	ssyncset.done $0x0  }
0x1b8: {  	[sflag:s10] =	ssyncadd.s32 $0xFFFFD880  }
0x1b9: {  	_ =	sfence.sel $0x180000  }
0x1ba: {  	[bflag:$0x0] =	sbarrier.arrive $0xFFFF  }
0x1bb: {  	p0 =	sne.s32 s4, $0x0;
	_ =	strace $0x90000047  }
0x1bc: {  	s0 =	sadd.s32 @!p0 $0x100000, s0;
	[bflag:$0x2] =	sbarrier.arrive $0xFFFF  }
0x1bd: {  	[sflag:s0] =	ssyncadd.tile.s32 @!p0 $0x1;
	_ =	shalt  }
.Lfunc_end2:
_tile_overlayer_lowered:
.L_overlay_start_2:
0x1be: {  	(tag) =	ssettag $0x2  }
0x1bf: {  	s0 =	rddreg [dreg:$0x0];
	s2 =	stileid.u32  }
0x1c0: {  	s1 =	rddreg [dreg:$0x1];
	p0 =	sne.s32 s2, $0x0  }
0x1c1: {  	s3 =	rddreg [dreg:$0x2];
	[bflag:$0x3] =	sbarrier.arrive $0xFFFF;
	s2 =	simm.s32 @!p0 $0x1C06  }
0x1c2: {  	[timem:s3], [sflag:s2] =	dma.local @!p0 [hbm:s0], s1  }
0x1c3: {  	s0 =	simm.s32 @!p0 $0x6  }
0x1c4: {  	_ =	swait.ge @!p0 [sflag:s0], s1  }
0x1c5: {  	s1 =	ssub.s32 @!p0 $0x0, s1;
	[sflag:s0] =	ssyncset.done @!p0 $0x0  }
0x1c6: {  	[sflag:s0] =	ssyncadd.s32 @!p0 s1  }
0x1c7: {  	[bflag:$0x3] =	sbarrier.arrive $0xFFFF  }
0x1c8: {  	_ =	shalt  }

</sc_bundles>
